<compile_context>
chip_gen: v7x
topology: tpu7x:2x2x1
jax: 0.10.2.dev20260603
libtpu: 0.0.44.dev20260713+nightly
codegen_flags: <defaults>
</compile_context>

<pallas_src>
import functools

import jax
import jax.numpy as jnp
from jax import lax
from jax.experimental import pallas as pl
from jax.experimental.pallas import tpu as pltpu
from jax.experimental.pallas import tpu_sc as plsc

N_HASHES = 4
N_BUCKETS = 64
N_BINS = 8
R = 2.5

SEQ = 2048
CHUNK = 128



def _mk_alsh_queries(x):
    n = jnp.linalg.norm(x, axis=-1, keepdims=True)
    ext = jnp.full(x.shape[:-1] + (1,), 0.5, dtype=x.dtype)
    return jnp.concatenate([x / n, ext, ext, ext], axis=-1)


def _mk_alsh_keys(x):
    n = jnp.linalg.norm(x, axis=-1, keepdims=True)
    return jnp.concatenate([x, n ** 2, n ** 4, n ** 8], axis=-1)


def _hash_l2(vecs, alpha, beta, bucket_weights):
    bs = vecs.shape[0]
    hashed = jnp.floor((vecs @ alpha + beta) / R)
    b = jnp.matmul(hashed.reshape(bs, -1, N_HASHES, N_BUCKETS), bucket_weights).astype(jnp.int32) % N_BUCKETS
    b = jnp.transpose(b, (2, 1, 0)).reshape(N_HASHES, -1)
    offsets = (jnp.arange(N_HASHES, dtype=jnp.int32) * N_BUCKETS).reshape(-1, 1)
    return (b + offsets).reshape(-1, bs).T



def _rank_body(bkt_ref, dest_ref):
    r = pl.program_id(0)

    ia = lax.broadcasted_iota(jnp.int32, (CHUNK, CHUNK), 0)
    ib = lax.broadcasted_iota(jnp.int32, (CHUNK, CHUNK), 1)
    U = (ia < ib).astype(jnp.float32)
    viota = lax.broadcasted_iota(jnp.int32, (2 * N_BUCKETS, SEQ), 0)

    for h in range(N_HASHES):
        bkt = bkt_ref[0, h]
        b2d = jnp.broadcast_to(bkt[None, :], (2 * N_BUCKETS, SEQ))
        vid = viota + (h * N_BUCKETS)
        E = (b2d == vid).astype(jnp.float32)
        LT = (vid > b2d).astype(jnp.float32)
        offs = jnp.sum(LT, axis=1, keepdims=True)

        bias = r % 64 * (N_HASHES * SEQ) + h * SEQ
        base = offs
        for c in range(SEQ // CHUNK):
            Ec = E[:, c * CHUNK:(c + 1) * CHUNK]
            Cc = jax.lax.dot_general(Ec, U, (((1,), (0,)), ((), ())),
                                     preferred_element_type=jnp.float32)
            d_c = jnp.sum(Ec * (Cc + base), axis=0).astype(jnp.int32)
            dest_ref[0, h, pl.ds(c * CHUNK, CHUNK)] = d_c + bias
            base = base + jnp.sum(Ec, axis=1, keepdims=True)


def _rank(bkts):
    nr = bkts.shape[0]
    grid = (nr,)
    blk = pl.BlockSpec((1, N_HASHES, SEQ), lambda r: (r, 0, 0))
    return pl.pallas_call(
        _rank_body,
        grid=grid,
        in_specs=[blk],
        out_specs=blk,
        out_shape=jax.ShapeDtypeStruct((nr, N_HASHES, SEQ), jnp.int32),
    )(bkts)



def _scatter_body(qtab, ktab, vtab, qdx, kdx, qs, ks, vs,
                  qix0, kix0, qb0, kb0, vb0, semq, semk, semv, semr0):
    w = lax.axis_index("s") * 2 + lax.axis_index("c")

    def chunk(j, carry):
        base = w * 16384 + j * 128
        srow = (w * 2 + j // 64) * SEQ + (j % 16) * 128
        r1 = pltpu.async_copy(qdx.at[pl.ds(base, 128)], qix0, semr0)
        r2 = pltpu.async_copy(kdx.at[pl.ds(base, 128)], kix0, semr0)
        r3 = pltpu.async_copy(qtab.at[pl.ds(srow, 128)], qb0, semr0)
        r4 = pltpu.async_copy(ktab.at[pl.ds(srow, 128)], kb0, semr0)
        r5 = pltpu.async_copy(vtab.at[pl.ds(srow, 128)], vb0, semr0)
        r1.wait()
        r2.wait()
        r3.wait()
        r4.wait()
        r5.wait()
        cq = pltpu.async_copy(qb0, qs.at[qix0], semq)
        ck = pltpu.async_copy(kb0, ks.at[kix0], semk)
        cv = pltpu.async_copy(vb0, vs.at[kix0], semv)
        cq.wait()
        ck.wait()
        cv.wait()
        return carry

    lax.fori_loop(0, 128, chunk, 0)


def _sc_scatter(qtab, ktab, vtab, qdx, kdx):
    mesh = plsc.VectorSubcoreMesh(core_axis_name="c", subcore_axis_name="s")
    n = qtab.shape[0] * N_HASHES
    f = pl.kernel(
        _scatter_body,
        out_type=[
            jax.ShapeDtypeStruct((n, 128), jnp.float32),
            jax.ShapeDtypeStruct((n, 128), jnp.float32),
            jax.ShapeDtypeStruct((n, 128), jnp.float32),
        ],
        mesh=mesh,
        scratch_types=[
            pltpu.VMEM((128,), jnp.int32),
            pltpu.VMEM((128,), jnp.int32),
            pltpu.VMEM((128, 128), jnp.float32),
            pltpu.VMEM((128, 128), jnp.float32),
            pltpu.VMEM((128, 128), jnp.float32),
            pltpu.SemaphoreType.DMA,
            pltpu.SemaphoreType.DMA,
            pltpu.SemaphoreType.DMA,
            pltpu.SemaphoreType.DMA,
        ],
    )
    return f(qtab, ktab, vtab, qdx, kdx)



def _attn_body(q_ref, k_ref, v_ref, o_ref, lse_ref):
    nb = q_ref.shape[1]
    for i in range(nb):
        q = q_ref[0, i]
        k = k_ref[0, i]
        v = v_ref[0, i]
        dots = jax.lax.dot_general(q, k, (((1,), (1,)), ((), ())))
        m = jnp.max(dots, axis=-1, keepdims=True)
        lse = m + jnp.log(jnp.sum(jnp.exp(dots - m), axis=-1, keepdims=True))
        p = jnp.exp(dots - lse)
        o = jax.lax.dot_general(p, v, (((1,), (0,)), ((), ())))
        o_ref[0, i] = o
        lse_ref[0, i] = lse[:, 0]


def _binned_attention(b_q, b_k, b_v):
    bs, nbins, w, d = b_q.shape
    nb_blk = 8
    grid = (bs, nbins // nb_blk)
    blk = pl.BlockSpec((1, nb_blk, w, d), lambda b, j: (b, j, 0, 0))
    lse_blk = pl.BlockSpec((1, nb_blk, w), lambda b, j: (b, j, 0))
    return pl.pallas_call(
        _attn_body,
        grid=grid,
        in_specs=[blk, blk, blk],
        out_specs=[blk, lse_blk],
        out_shape=[
            jax.ShapeDtypeStruct((bs, nbins, w, d), jnp.float32),
            jax.ShapeDtypeStruct((bs, nbins, w), jnp.float32),
        ],
    )(b_q, b_k, b_v)



def _undo_body(bo, didx, o_un, dix0, ob0, semg0):
    w = lax.axis_index("s") * 2 + lax.axis_index("c")

    def chunk(j, carry):
        base = w * 16384 + j * 128
        pltpu.sync_copy(didx.at[pl.ds(base, 128)], dix0)
        g0 = pltpu.async_copy(bo.at[dix0], ob0, semg0)
        g0.wait()
        pltpu.sync_copy(ob0, o_un.at[pl.ds(base, 128)])
        return carry

    lax.fori_loop(0, 128, chunk, 0)


def _sc_undo(bo_flat, didx):
    mesh = plsc.VectorSubcoreMesh(core_axis_name="c", subcore_axis_name="s")
    n = bo_flat.shape[0]
    f = pl.kernel(
        _undo_body,
        out_type=jax.ShapeDtypeStruct((n, 128), jnp.float32),
        mesh=mesh,
        scratch_types=[
            pltpu.VMEM((128,), jnp.int32),
            pltpu.VMEM((128, 128), jnp.float32),
            pltpu.SemaphoreType.DMA,
        ],
    )
    return f(bo_flat, didx)



def _combine_body(o_ref, l_ref, out_ref):
    l = l_ref[0]
    m2 = jnp.max(l, axis=0)
    lse2 = m2 + jnp.log(jnp.sum(jnp.exp(l - m2), axis=0))
    p = jnp.exp(l - lse2)
    acc = o_ref[0, 0] * p[0][:, None]
    for h in range(1, 4):
        acc = acc + o_ref[0, h] * p[h][:, None]
    out_ref[0] = acc


def _combine(o_un, lse_un):
    bs, nh, seq, d = o_un.shape
    sblk = 1024
    grid = (bs, seq // sblk)
    return pl.pallas_call(
        _combine_body,
        grid=grid,
        in_specs=[
            pl.BlockSpec((1, nh, sblk, d), lambda b, j: (b, 0, j, 0)),
            pl.BlockSpec((1, nh, sblk), lambda b, j: (b, 0, j)),
        ],
        out_specs=pl.BlockSpec((1, sblk, d), lambda b, j: (b, j, 0)),
        out_shape=jax.ShapeDtypeStruct((bs, seq, d), jnp.float32),
    )(o_un, lse_un)



def kernel(query, key, value, alpha, beta, bucket_weights):
    bs, q_seqlen, qE = query.shape
    k_seqlen, kE = key.shape[1], key.shape[2]
    vE = value.shape[2]
    q_buckets = _hash_l2(_mk_alsh_queries(query), alpha, beta, bucket_weights)
    k_buckets = _hash_l2(_mk_alsh_keys(key), alpha, beta, bucket_weights)

    bkts = jnp.concatenate(
        [q_buckets.reshape(bs, N_HASHES, q_seqlen),
         k_buckets.reshape(bs, N_HASHES, k_seqlen)], axis=0)
    dest = _rank(bkts)
    nq = bs * N_HASHES * q_seqlen
    qdx = dest[:bs].reshape(-1)
    kdx = dest[bs:].reshape(-1)

    qs, ks, vs = _sc_scatter(
        query.reshape(-1, qE), key.reshape(-1, kE), value.reshape(-1, vE),
        qdx, kdx)

    b_q = qs.reshape(bs, N_HASHES * N_BINS, -1, qE)
    b_k = ks.reshape(bs, N_HASHES * N_BINS, -1, kE)
    b_v = vs.reshape(bs, N_HASHES * N_BINS, -1, vE)

    bo, lse = _binned_attention(b_q, b_k, b_v)

    o_un = _sc_undo(bo.reshape(-1, vE), qdx)

    q_undo = dest[:bs].reshape(bs, -1) - (
        jnp.arange(bs, dtype=jnp.int32) * (N_HASHES * q_seqlen))[:, None]
    lse_un = jnp.take_along_axis(lse.reshape(bs, -1), q_undo, axis=1)

    return _combine(o_un.reshape(bs, N_HASHES, q_seqlen, vE),
                    lse_un.reshape(bs, N_HASHES, q_seqlen))

# --- scband reference (transcript-rebuilt; emitter-appended) ---
"""Pipeline reference for scband-approximate-attention-39530878992410 (READ-ONLY COPY).

The authoritative reference and input builder live on the scoring server;
editing this copy changes nothing except your own understanding.
"""

import jax, jax.numpy as jnp
import numpy as np

N_HASHES = 4
N_BUCKETS = 64
N_BINS = 8
R = 2.5


def _alsh_queries(x):
    n = jnp.linalg.norm(x, axis=-1, keepdims=True)
    ext = jnp.full(x.shape[:-1] + (1,), 0.5, dtype=x.dtype)
    return jnp.concatenate([x / n, ext, ext, ext], axis=-1)


def _alsh_keys(x):
    n = jnp.linalg.norm(x, axis=-1, keepdims=True)
    return jnp.concatenate([x, n ** 2, n ** 4, n ** 8], axis=-1)


def _l2_hash(vecs, alpha, beta, bucket_weights):
    bs = vecs.shape[0]
    hashed = jnp.floor((vecs @ alpha + beta) / R)
    b = jnp.matmul(hashed.reshape(bs, -1, N_HASHES, N_BUCKETS), bucket_weights).astype(jnp.int32) % N_BUCKETS
    b = jnp.transpose(b, (2, 1, 0)).reshape(N_HASHES, -1)
    offsets = (jnp.arange(N_HASHES, dtype=jnp.int32) * N_BUCKETS).reshape(-1, 1)
    return (b + offsets).reshape(-1, bs).T


def _forward(query, key, value, alpha, beta, bucket_weights):
    bs, q_seqlen, qE = query.shape
    k_seqlen, kE = key.shape[1], key.shape[2]
    vE = value.shape[2]
    q_buckets = _l2_hash(_alsh_queries(query), alpha, beta, bucket_weights)
    k_buckets = _l2_hash(_alsh_keys(key), alpha, beta, bucket_weights)
    q_ticker = jnp.arange(N_HASHES * q_seqlen, dtype=jnp.int32)
    k_ticker = jnp.arange(N_HASHES * k_seqlen, dtype=jnp.int32)
    q_buckets_t = jax.lax.stop_gradient(q_seqlen * q_buckets + (q_ticker % q_seqlen)[None, :])
    k_buckets_t = jax.lax.stop_gradient(k_seqlen * k_buckets + (k_ticker % k_seqlen)[None, :])
    s_q_ticker = jnp.argsort(q_buckets_t, axis=-1)
    s_k_ticker = jnp.argsort(k_buckets_t, axis=-1)
    q_undo = jnp.argsort(s_q_ticker, axis=-1)
    query_offset = (jnp.arange(bs) * q_seqlen)[:, None]
    query_undo_offset = (jnp.arange(bs) * q_seqlen * N_HASHES)[:, None]
    key_offset = (jnp.arange(bs) * k_seqlen)[:, None]
    q_t = s_q_ticker % q_seqlen + query_offset
    k_t = s_k_ticker % k_seqlen + key_offset
    q_undo_sort = q_undo + query_undo_offset
    s_q = query.reshape(-1, qE)[q_t]
    s_k = key.reshape(-1, kE)[k_t]
    s_v = value.reshape(-1, vE)[k_t]
    b_q = s_q.reshape(bs, N_HASHES * N_BINS, -1, qE)
    b_k = s_k.reshape(bs, N_HASHES * N_BINS, -1, kE)
    b_v = s_v.reshape(bs, N_HASHES * N_BINS, -1, vE)
    dots = jnp.einsum('bkxd,bkyd->bkxy', b_q, b_k)
    m = jnp.max(dots, axis=-1, keepdims=True)
    dots_logsumexp = m + jnp.log(jnp.sum(jnp.exp(dots - m), axis=-1, keepdims=True))
    dots = jnp.exp(dots - dots_logsumexp)
    bo = jnp.matmul(dots, b_v)
    o = bo.reshape(-1, bo.shape[-1])[q_undo_sort]
    logits = dots_logsumexp.reshape(-1, 1)[q_undo_sort]
    o = o.reshape(bs, N_HASHES, q_seqlen, -1)
    logits = logits.reshape(bs, N_HASHES, q_seqlen, -1)
    m2 = jnp.max(logits, axis=1, keepdims=True)
    lse2 = m2 + jnp.log(jnp.sum(jnp.exp(logits - m2), axis=1, keepdims=True))
    probs = jnp.exp(logits - lse2)
    return jnp.sum(o * probs, axis=1)


def setup_inputs() -> dict:
    rng = jax.random.key(0)
    k1, k2, k3, k4, k5, k6 = jax.random.split(rng, 6)
    bs, seqlen, dim = 64, 2048, 128
    query = jax.random.normal(k1, (bs, seqlen, dim), dtype=jnp.float32)
    key = jax.random.uniform(k2, (bs, seqlen, dim), dtype=jnp.float32)
    value = jax.random.normal(k3, (bs, seqlen, dim), dtype=jnp.float32)
    alpha = jax.random.normal(k4, (dim + 3, N_HASHES * N_BUCKETS), dtype=jnp.float32)
    beta = jax.random.uniform(k5, (N_HASHES * N_BUCKETS,), minval=0.0, maxval=R, dtype=jnp.float32)
    bucket_weights = jax.random.normal(k6, (N_BUCKETS,), dtype=jnp.float32)
    return {'query': query, 'key': key, 'value': value, 'alpha': alpha, 'beta': beta, 'bucket_weights': bucket_weights}


def reference(query, key, value, alpha, beta, bucket_weights):
    return _forward(query, key, value, alpha, beta, bucket_weights)

if __name__ == "__main__":
    import jax
    _d = setup_inputs()
    print(jax.jit(kernel)(*tuple(_d.values())))

</pallas_src>

<mosaic_0001>
#map = affine_map<(d0, d1) -> (0, 0)>
#map1 = affine_map<(d0, d1) -> (0)>
module attributes {stable_mosaic.version = 14 : i64} {
  func.func @_undo_body(%arg0: i32, %arg1: i32, %arg2: memref<524288x128xf32, #tpu.memory_space<hbm>>, %arg3: memref<524288xi32, #tpu.memory_space<hbm>>, %arg4: memref<524288x128xf32, #tpu.memory_space<hbm>>, %arg5: memref<128xi32, #tpu.memory_space<vmem>>, %arg6: memref<128x128xf32, #tpu.memory_space<vmem>>, %arg7: memref<!tpu.dma_semaphore, #tpu.memory_space<semaphore_mem>>) attributes {dimension_semantics = [#tpu.dimension_semantics<core_parallel>, #tpu.dimension_semantics<subcore_parallel>], iteration_bounds = array<i64: 2, 16>, scalar_prefetch = 0 : i64, scratch_operands = 3 : i64, tpu.core_type = #tpu.core_type<sc_vector_subcore>, window_params = [{transform_indices = #map}, {transform_indices = #map1}, {transform_indices = #map}]} {
    %mul3A = arith.constant 2 : i32
    %mul3A_0 = arith.muli %arg1, %mul3A : i32
    %add3A = arith.addi %mul3A_0, %arg0 : i32
    %scan3A = arith.constant 0 : i32
    %scan3A_1 = arith.constant 0 : i32
    %scan3A_2 = arith.constant 128 : i32
    %scan3A_3 = arith.addi %scan3A_1, %scan3A_2 : i32
    %scan3A_4 = arith.constant 1 : i32
    scf.for %scan3A_6 = %scan3A_1 to %scan3A_3 step %scan3A_4  : i32 {
      %mul3A_7 = arith.constant 16384 : i32
      %mul3A_8 = arith.muli %add3A, %mul3A_7 : i32
      %mul3A_9 = arith.constant 128 : i32
      %mul3A_10 = arith.muli %scan3A_6, %mul3A_9 : i32
      %add3A_11 = arith.addi %mul3A_8, %mul3A_10 : i32
      "tpu.region"() ({
        %run_scoped3A = tpu.sem_alloc : memref<!tpu.dma_semaphore, #tpu.memory_space<semaphore_mem>>
        %dma_start3A_16 = tpu.memref_slice %arg3[%add3A_11] : memref<524288xi32, #tpu.memory_space<hbm>> -> memref<128xi32, #tpu.memory_space<hbm>>
        %dma_start3A_17 = tpu.memref_slice %arg3[%add3A_11] : memref<524288xi32, #tpu.memory_space<hbm>> -> memref<128xi32, #tpu.memory_space<hbm>>
        tpu.enqueue_dma source(%dma_start3A_17 : memref<128xi32, #tpu.memory_space<hbm>>) target(%arg5 : memref<128xi32, #tpu.memory_space<vmem>>) target_semaphore(%run_scoped3A : memref<!tpu.dma_semaphore, #tpu.memory_space<semaphore_mem>>)
        %dma_wait3A_18 = tpu.memref_slice %arg3[%add3A_11] : memref<524288xi32, #tpu.memory_space<hbm>> -> memref<128xi32, #tpu.memory_space<hbm>>
        %dma_wait3A_19 = tpu.memref_slice %arg3[%add3A_11] : memref<524288xi32, #tpu.memory_space<hbm>> -> memref<128xi32, #tpu.memory_space<hbm>>
        tpu.wait_dma2 semaphore(%run_scoped3A : memref<!tpu.dma_semaphore, #tpu.memory_space<semaphore_mem>>) src(%dma_wait3A_19 : memref<128xi32, #tpu.memory_space<hbm>>) dst(%arg5 : memref<128xi32, #tpu.memory_space<vmem>>)
        tpu.yield
      }) : () -> ()
      %dma_start3A = arith.constant 0 : i32
      %dma_start3A_12 = arith.constant 0 : i32
      %dma_start3A_13 = tpu.memref_slice %arg2[%dma_start3A, %dma_start3A_12] : memref<524288x128xf32, #tpu.memory_space<hbm>> -> memref<524288x128xf32, #tpu.memory_space<hbm>>
      tpu.enqueue_indirect_dma source(%dma_start3A_13 : memref<524288x128xf32, #tpu.memory_space<hbm>>) target(%arg6 : memref<128x128xf32, #tpu.memory_space<vmem>>) offsets(%arg5 : memref<128xi32, #tpu.memory_space<vmem>>) semaphore(%arg7 : memref<!tpu.dma_semaphore, #tpu.memory_space<semaphore_mem>>)
      %dma_wait3A = arith.constant 0 : i32
      %dma_wait3A_14 = arith.constant 0 : i32
      %dma_wait3A_15 = tpu.memref_slice %arg2[%dma_wait3A, %dma_wait3A_14] : memref<524288x128xf32, #tpu.memory_space<hbm>> -> memref<524288x128xf32, #tpu.memory_space<hbm>>
      tpu.wait_indirect_dma semaphore(%arg7 : memref<!tpu.dma_semaphore, #tpu.memory_space<semaphore_mem>>) src(%dma_wait3A_15 : memref<524288x128xf32, #tpu.memory_space<hbm>>) dst(%arg6 : memref<128x128xf32, #tpu.memory_space<vmem>>)
      "tpu.region"() ({
        %run_scoped3A = tpu.sem_alloc : memref<!tpu.dma_semaphore, #tpu.memory_space<semaphore_mem>>
        %dma_start3A_16 = arith.constant 0 : i32
        %dma_start3A_17 = tpu.memref_slice %arg4[%add3A_11, %dma_start3A_16] : memref<524288x128xf32, #tpu.memory_space<hbm>> -> memref<128x128xf32, #tpu.memory_space<hbm>>
        %dma_start3A_18 = arith.constant 0 : i32
        %dma_start3A_19 = tpu.memref_slice %arg4[%add3A_11, %dma_start3A_18] : memref<524288x128xf32, #tpu.memory_space<hbm>> -> memref<128x128xf32, #tpu.memory_space<hbm>>
        tpu.enqueue_dma source(%arg6 : memref<128x128xf32, #tpu.memory_space<vmem>>) target(%dma_start3A_19 : memref<128x128xf32, #tpu.memory_space<hbm>>) target_semaphore(%run_scoped3A : memref<!tpu.dma_semaphore, #tpu.memory_space<semaphore_mem>>)
        %dma_wait3A_20 = arith.constant 0 : i32
        %dma_wait3A_21 = tpu.memref_slice %arg4[%add3A_11, %dma_wait3A_20] : memref<524288x128xf32, #tpu.memory_space<hbm>> -> memref<128x128xf32, #tpu.memory_space<hbm>>
        %dma_wait3A_22 = arith.constant 0 : i32
        %dma_wait3A_23 = tpu.memref_slice %arg4[%add3A_11, %dma_wait3A_22] : memref<524288x128xf32, #tpu.memory_space<hbm>> -> memref<128x128xf32, #tpu.memory_space<hbm>>
        tpu.wait_dma2 semaphore(%run_scoped3A : memref<!tpu.dma_semaphore, #tpu.memory_space<semaphore_mem>>) src(%arg6 : memref<128x128xf32, #tpu.memory_space<vmem>>) dst(%dma_wait3A_23 : memref<128x128xf32, #tpu.memory_space<hbm>>)
        tpu.yield
      }) : () -> ()
    }
    %scan3A_5 = arith.constant 128 : i32
    return
  }
}

#map = affine_map<(d0, d1) -> (0, 0)>
#map1 = affine_map<(d0, d1) -> (0)>
module attributes {stable_mosaic.version = 14 : i64} {
  func.func @_scatter_body(%arg0: i32, %arg1: i32, %arg2: memref<131072x128xf32, #tpu.memory_space<hbm>>, %arg3: memref<131072x128xf32, #tpu.memory_space<hbm>>, %arg4: memref<131072x128xf32, #tpu.memory_space<hbm>>, %arg5: memref<524288xi32, #tpu.memory_space<hbm>>, %arg6: memref<524288xi32, #tpu.memory_space<hbm>>, %arg7: memref<524288x128xf32, #tpu.memory_space<hbm>>, %arg8: memref<524288x128xf32, #tpu.memory_space<hbm>>, %arg9: memref<524288x128xf32, #tpu.memory_space<hbm>>, %arg10: memref<128xi32, #tpu.memory_space<vmem>>, %arg11: memref<128xi32, #tpu.memory_space<vmem>>, %arg12: memref<128x128xf32, #tpu.memory_space<vmem>>, %arg13: memref<128x128xf32, #tpu.memory_space<vmem>>, %arg14: memref<128x128xf32, #tpu.memory_space<vmem>>, %arg15: memref<!tpu.dma_semaphore, #tpu.memory_space<semaphore_mem>>, %arg16: memref<!tpu.dma_semaphore, #tpu.memory_space<semaphore_mem>>, %arg17: memref<!tpu.dma_semaphore, #tpu.memory_space<semaphore_mem>>, %arg18: memref<!tpu.dma_semaphore, #tpu.memory_space<semaphore_mem>>) attributes {dimension_semantics = [#tpu.dimension_semantics<core_parallel>, #tpu.dimension_semantics<subcore_parallel>], iteration_bounds = array<i64: 2, 16>, scalar_prefetch = 0 : i64, scratch_operands = 9 : i64, tpu.core_type = #tpu.core_type<sc_vector_subcore>, window_params = [{transform_indices = #map}, {transform_indices = #map}, {transform_indices = #map}, {transform_indices = #map1}, {transform_indices = #map1}, {transform_indices = #map}, {transform_indices = #map}, {transform_indices = #map}]} {
    %mul3A = arith.constant 2 : i32
    %mul3A_0 = arith.muli %arg1, %mul3A : i32
    %add3A = arith.addi %mul3A_0, %arg0 : i32
    %scan3A = arith.constant 0 : i32
    %scan3A_1 = arith.constant 0 : i32
    %scan3A_2 = arith.constant 128 : i32
    %scan3A_3 = arith.addi %scan3A_1, %scan3A_2 : i32
    %scan3A_4 = arith.constant 1 : i32
    scf.for %scan3A_6 = %scan3A_1 to %scan3A_3 step %scan3A_4  : i32 {
      %mul3A_7 = arith.constant 16384 : i32
      %mul3A_8 = arith.muli %add3A, %mul3A_7 : i32
      %mul3A_9 = arith.constant 128 : i32
      %mul3A_10 = arith.muli %scan3A_6, %mul3A_9 : i32
      %add3A_11 = arith.addi %mul3A_8, %mul3A_10 : i32
      %mul3A_12 = arith.constant 2 : i32
      %mul3A_13 = arith.muli %add3A, %mul3A_12 : i32
      %jit3A = arith.constant 64 : i32
      %div3A = arith.divsi %scan3A_6, %jit3A : i32
      %sign3A = arith.constant 0 : i32
      %sign3A_14 = arith.cmpi sgt, %scan3A_6, %sign3A : i32
      %sign3A_15 = arith.extui %sign3A_14 : i1 to i32
      %sign3A_16 = arith.constant 0 : i32
      %sign3A_17 = arith.cmpi slt, %scan3A_6, %sign3A_16 : i32
      %sign3A_18 = arith.extui %sign3A_17 : i1 to i32
      %sign3A_19 = arith.subi %sign3A_15, %sign3A_18 : i32
      %sign3A_20 = arith.constant 0 : i32
      %sign3A_21 = arith.cmpi sgt, %jit3A, %sign3A_20 : i32
      %sign3A_22 = arith.extui %sign3A_21 : i1 to i32
      %sign3A_23 = arith.constant 0 : i32
      %sign3A_24 = arith.cmpi slt, %jit3A, %sign3A_23 : i32
      %sign3A_25 = arith.extui %sign3A_24 : i1 to i32
      %sign3A_26 = arith.subi %sign3A_22, %sign3A_25 : i32
      %ne3A = arith.cmpi ne, %sign3A_19, %sign3A_26 : i32
      %rem3A = arith.remsi %scan3A_6, %jit3A : i32
      %ne3A_27 = arith.constant 0 : i32
      %ne3A_28 = arith.cmpi ne, %rem3A, %ne3A_27 : i32
      %and3A = arith.andi %ne3A, %ne3A_28 : i1
      %sub3A = arith.constant 1 : i32
      %sub3A_29 = arith.subi %div3A, %sub3A : i32
      %select_n3A = arith.select %and3A, %sub3A_29, %div3A : i32
      %add3A_30 = arith.addi %mul3A_13, %select_n3A : i32
      %mul3A_31 = arith.constant 2048 : i32
      %mul3A_32 = arith.muli %add3A_30, %mul3A_31 : i32
      %jit3A_33 = arith.constant 16 : i32
      %eq3A = arith.constant 0 : i32
      %eq3A_34 = arith.cmpi eq, %jit3A_33, %eq3A : i32
      %jit3A_35 = arith.constant 1 : i32
      %select_n3A_36 = arith.select %eq3A_34, %jit3A_35, %jit3A_33 : i32
      %rem3A_37 = arith.remsi %scan3A_6, %select_n3A_36 : i32
      %ne3A_38 = arith.constant 0 : i32
      %ne3A_39 = arith.cmpi ne, %rem3A_37, %ne3A_38 : i32
      %lt3A = arith.constant 0 : i32
      %lt3A_40 = arith.cmpi slt, %rem3A_37, %lt3A : i32
      %lt3A_41 = arith.constant 0 : i32
      %lt3A_42 = arith.cmpi slt, %select_n3A_36, %lt3A_41 : i32
      %ne3A_43 = arith.xori %lt3A_40, %lt3A_42 : i1
      %and3A_44 = arith.andi %ne3A_43, %ne3A_39 : i1
      %add3A_45 = arith.addi %rem3A_37, %select_n3A_36 : i32
      %select_n3A_46 = arith.select %and3A_44, %add3A_45, %rem3A_37 : i32
      %mul3A_47 = arith.constant 128 : i32
      %mul3A_48 = arith.muli %select_n3A_46, %mul3A_47 : i32
      %add3A_49 = arith.addi %mul3A_32, %mul3A_48 : i32
      %dma_start3A = tpu.memref_slice %arg5[%add3A_11] : memref<524288xi32, #tpu.memory_space<hbm>> -> memref<128xi32, #tpu.memory_space<hbm>>
      %dma_start3A_50 = tpu.memref_slice %arg5[%add3A_11] : memref<524288xi32, #tpu.memory_space<hbm>> -> memref<128xi32, #tpu.memory_space<hbm>>
      tpu.enqueue_dma source(%dma_start3A_50 : memref<128xi32, #tpu.memory_space<hbm>>) target(%arg10 : memref<128xi32, #tpu.memory_space<vmem>>) target_semaphore(%arg18 : memref<!tpu.dma_semaphore, #tpu.memory_space<semaphore_mem>>)
      %dma_start3A_51 = tpu.memref_slice %arg6[%add3A_11] : memref<524288xi32, #tpu.memory_space<hbm>> -> memref<128xi32, #tpu.memory_space<hbm>>
      %dma_start3A_52 = tpu.memref_slice %arg6[%add3A_11] : memref<524288xi32, #tpu.memory_space<hbm>> -> memref<128xi32, #tpu.memory_space<hbm>>
      tpu.enqueue_dma source(%dma_start3A_52 : memref<128xi32, #tpu.memory_space<hbm>>) target(%arg11 : memref<128xi32, #tpu.memory_space<vmem>>) target_semaphore(%arg18 : memref<!tpu.dma_semaphore, #tpu.memory_space<semaphore_mem>>)
      %dma_start3A_53 = arith.constant 0 : i32
      %dma_start3A_54 = tpu.memref_slice %arg2[%add3A_49, %dma_start3A_53] : memref<131072x128xf32, #tpu.memory_space<hbm>> -> memref<128x128xf32, #tpu.memory_space<hbm>>
      %dma_start3A_55 = arith.constant 0 : i32
      %dma_start3A_56 = tpu.memref_slice %arg2[%add3A_49, %dma_start3A_55] : memref<131072x128xf32, #tpu.memory_space<hbm>> -> memref<128x128xf32, #tpu.memory_space<hbm>>
      tpu.enqueue_dma source(%dma_start3A_56 : memref<128x128xf32, #tpu.memory_space<hbm>>) target(%arg12 : memref<128x128xf32, #tpu.memory_space<vmem>>) target_semaphore(%arg18 : memref<!tpu.dma_semaphore, #tpu.memory_space<semaphore_mem>>)
      %dma_start3A_57 = arith.constant 0 : i32
      %dma_start3A_58 = tpu.memref_slice %arg3[%add3A_49, %dma_start3A_57] : memref<131072x128xf32, #tpu.memory_space<hbm>> -> memref<128x128xf32, #tpu.memory_space<hbm>>
      %dma_start3A_59 = arith.constant 0 : i32
      %dma_start3A_60 = tpu.memref_slice %arg3[%add3A_49, %dma_start3A_59] : memref<131072x128xf32, #tpu.memory_space<hbm>> -> memref<128x128xf32, #tpu.memory_space<hbm>>
      tpu.enqueue_dma source(%dma_start3A_60 : memref<128x128xf32, #tpu.memory_space<hbm>>) target(%arg13 : memref<128x128xf32, #tpu.memory_space<vmem>>) target_semaphore(%arg18 : memref<!tpu.dma_semaphore, #tpu.memory_space<semaphore_mem>>)
      %dma_start3A_61 = arith.constant 0 : i32
      %dma_start3A_62 = tpu.memref_slice %arg4[%add3A_49, %dma_start3A_61] : memref<131072x128xf32, #tpu.memory_space<hbm>> -> memref<128x128xf32, #tpu.memory_space<hbm>>
      %dma_start3A_63 = arith.constant 0 : i32
      %dma_start3A_64 = tpu.memref_slice %arg4[%add3A_49, %dma_start3A_63] : memref<131072x128xf32, #tpu.memory_space<hbm>> -> memref<128x128xf32, #tpu.memory_space<hbm>>
      tpu.enqueue_dma source(%dma_start3A_64 : memref<128x128xf32, #tpu.memory_space<hbm>>) target(%arg14 : memref<128x128xf32, #tpu.memory_space<vmem>>) target_semaphore(%arg18 : memref<!tpu.dma_semaphore, #tpu.memory_space<semaphore_mem>>)
      %dma_wait3A = tpu.memref_slice %arg5[%add3A_11] : memref<524288xi32, #tpu.memory_space<hbm>> -> memref<128xi32, #tpu.memory_space<hbm>>
      %dma_wait3A_65 = tpu.memref_slice %arg5[%add3A_11] : memref<524288xi32, #tpu.memory_space<hbm>> -> memref<128xi32, #tpu.memory_space<hbm>>
      tpu.wait_dma2 semaphore(%arg18 : memref<!tpu.dma_semaphore, #tpu.memory_space<semaphore_mem>>) src(%dma_wait3A_65 : memref<128xi32, #tpu.memory_space<hbm>>) dst(%arg10 : memref<128xi32, #tpu.memory_space<vmem>>)
      %dma_wait3A_66 = tpu.memref_slice %arg6[%add3A_11] : memref<524288xi32, #tpu.memory_space<hbm>> -> memref<128xi32, #tpu.memory_space<hbm>>
      %dma_wait3A_67 = tpu.memref_slice %arg6[%add3A_11] : memref<524288xi32, #tpu.memory_space<hbm>> -> memref<128xi32, #tpu.memory_space<hbm>>
      tpu.wait_dma2 semaphore(%arg18 : memref<!tpu.dma_semaphore, #tpu.memory_space<semaphore_mem>>) src(%dma_wait3A_67 : memref<128xi32, #tpu.memory_space<hbm>>) dst(%arg11 : memref<128xi32, #tpu.memory_space<vmem>>)
      %dma_wait3A_68 = arith.constant 0 : i32
      %dma_wait3A_69 = tpu.memref_slice %arg2[%add3A_49, %dma_wait3A_68] : memref<131072x128xf32, #tpu.memory_space<hbm>> -> memref<128x128xf32, #tpu.memory_space<hbm>>
      %dma_wait3A_70 = arith.constant 0 : i32
      %dma_wait3A_71 = tpu.memref_slice %arg2[%add3A_49, %dma_wait3A_70] : memref<131072x128xf32, #tpu.memory_space<hbm>> -> memref<128x128xf32, #tpu.memory_space<hbm>>
      tpu.wait_dma2 semaphore(%arg18 : memref<!tpu.dma_semaphore, #tpu.memory_space<semaphore_mem>>) src(%dma_wait3A_71 : memref<128x128xf32, #tpu.memory_space<hbm>>) dst(%arg12 : memref<128x128xf32, #tpu.memory_space<vmem>>)
      %dma_wait3A_72 = arith.constant 0 : i32
      %dma_wait3A_73 = tpu.memref_slice %arg3[%add3A_49, %dma_wait3A_72] : memref<131072x128xf32, #tpu.memory_space<hbm>> -> memref<128x128xf32, #tpu.memory_space<hbm>>
      %dma_wait3A_74 = arith.constant 0 : i32
      %dma_wait3A_75 = tpu.memref_slice %arg3[%add3A_49, %dma_wait3A_74] : memref<131072x128xf32, #tpu.memory_space<hbm>> -> memref<128x128xf32, #tpu.memory_space<hbm>>
      tpu.wait_dma2 semaphore(%arg18 : memref<!tpu.dma_semaphore, #tpu.memory_space<semaphore_mem>>) src(%dma_wait3A_75 : memref<128x128xf32, #tpu.memory_space<hbm>>) dst(%arg13 : memref<128x128xf32, #tpu.memory_space<vmem>>)
      %dma_wait3A_76 = arith.constant 0 : i32
      %dma_wait3A_77 = tpu.memref_slice %arg4[%add3A_49, %dma_wait3A_76] : memref<131072x128xf32, #tpu.memory_space<hbm>> -> memref<128x128xf32, #tpu.memory_space<hbm>>
      %dma_wait3A_78 = arith.constant 0 : i32
      %dma_wait3A_79 = tpu.memref_slice %arg4[%add3A_49, %dma_wait3A_78] : memref<131072x128xf32, #tpu.memory_space<hbm>> -> memref<128x128xf32, #tpu.memory_space<hbm>>
      tpu.wait_dma2 semaphore(%arg18 : memref<!tpu.dma_semaphore, #tpu.memory_space<semaphore_mem>>) src(%dma_wait3A_79 : memref<128x128xf32, #tpu.memory_space<hbm>>) dst(%arg14 : memref<128x128xf32, #tpu.memory_space<vmem>>)
      %dma_start3A_80 = arith.constant 0 : i32
      %dma_start3A_81 = arith.constant 0 : i32
      %dma_start3A_82 = tpu.memref_slice %arg7[%dma_start3A_80, %dma_start3A_81] : memref<524288x128xf32, #tpu.memory_space<hbm>> -> memref<524288x128xf32, #tpu.memory_space<hbm>>
      tpu.enqueue_indirect_dma source(%arg12 : memref<128x128xf32, #tpu.memory_space<vmem>>) target(%dma_start3A_82 : memref<524288x128xf32, #tpu.memory_space<hbm>>) offsets(%arg10 : memref<128xi32, #tpu.memory_space<vmem>>) semaphore(%arg15 : memref<!tpu.dma_semaphore, #tpu.memory_space<semaphore_mem>>)
      %dma_start3A_83 = arith.constant 0 : i32
      %dma_start3A_84 = arith.constant 0 : i32
      %dma_start3A_85 = tpu.memref_slice %arg8[%dma_start3A_83, %dma_start3A_84] : memref<524288x128xf32, #tpu.memory_space<hbm>> -> memref<524288x128xf32, #tpu.memory_space<hbm>>
      tpu.enqueue_indirect_dma source(%arg13 : memref<128x128xf32, #tpu.memory_space<vmem>>) target(%dma_start3A_85 : memref<524288x128xf32, #tpu.memory_space<hbm>>) offsets(%arg11 : memref<128xi32, #tpu.memory_space<vmem>>) semaphore(%arg16 : memref<!tpu.dma_semaphore, #tpu.memory_space<semaphore_mem>>)
      %dma_start3A_86 = arith.constant 0 : i32
      %dma_start3A_87 = arith.constant 0 : i32
      %dma_start3A_88 = tpu.memref_slice %arg9[%dma_start3A_86, %dma_start3A_87] : memref<524288x128xf32, #tpu.memory_space<hbm>> -> memref<524288x128xf32, #tpu.memory_space<hbm>>
      tpu.enqueue_indirect_dma source(%arg14 : memref<128x128xf32, #tpu.memory_space<vmem>>) target(%dma_start3A_88 : memref<524288x128xf32, #tpu.memory_space<hbm>>) offsets(%arg11 : memref<128xi32, #tpu.memory_space<vmem>>) semaphore(%arg17 : memref<!tpu.dma_semaphore, #tpu.memory_space<semaphore_mem>>)
      %dma_wait3A_89 = arith.constant 0 : i32
      %dma_wait3A_90 = arith.constant 0 : i32
      %dma_wait3A_91 = tpu.memref_slice %arg7[%dma_wait3A_89, %dma_wait3A_90] : memref<524288x128xf32, #tpu.memory_space<hbm>> -> memref<524288x128xf32, #tpu.memory_space<hbm>>
      tpu.wait_indirect_dma semaphore(%arg15 : memref<!tpu.dma_semaphore, #tpu.memory_space<semaphore_mem>>) src(%arg12 : memref<128x128xf32, #tpu.memory_space<vmem>>) dst(%dma_wait3A_91 : memref<524288x128xf32, #tpu.memory_space<hbm>>)
      %dma_wait3A_92 = arith.constant 0 : i32
      %dma_wait3A_93 = arith.constant 0 : i32
      %dma_wait3A_94 = tpu.memref_slice %arg8[%dma_wait3A_92, %dma_wait3A_93] : memref<524288x128xf32, #tpu.memory_space<hbm>> -> memref<524288x128xf32, #tpu.memory_space<hbm>>
      tpu.wait_indirect_dma semaphore(%arg16 : memref<!tpu.dma_semaphore, #tpu.memory_space<semaphore_mem>>) src(%arg13 : memref<128x128xf32, #tpu.memory_space<vmem>>) dst(%dma_wait3A_94 : memref<524288x128xf32, #tpu.memory_space<hbm>>)
      %dma_wait3A_95 = arith.constant 0 : i32
      %dma_wait3A_96 = arith.constant 0 : i32
      %dma_wait3A_97 = tpu.memref_slice %arg9[%dma_wait3A_95, %dma_wait3A_96] : memref<524288x128xf32, #tpu.memory_space<hbm>> -> memref<524288x128xf32, #tpu.memory_space<hbm>>
      tpu.wait_indirect_dma semaphore(%arg17 : memref<!tpu.dma_semaphore, #tpu.memory_space<semaphore_mem>>) src(%arg14 : memref<128x128xf32, #tpu.memory_space<vmem>>) dst(%dma_wait3A_97 : memref<524288x128xf32, #tpu.memory_space<hbm>>)
    }
    %scan3A_5 = arith.constant 128 : i32
    return
  }
}

module attributes {stable_mosaic.version = 14 : i64} {
  func.func @_rank_body(%arg0: i32, %arg1: memref<1x4x2048xi32, #tpu.memory_space<vmem>>, %arg2: memref<1x4x2048xi32, #tpu.memory_space<vmem>>) attributes {dimension_semantics = [#tpu.dimension_semantics<arbitrary>], iteration_bounds = array<i64: 128>, scalar_prefetch = 0 : i64, scratch_operands = 0 : i64, tpu.core_type = #tpu.core_type<tc>, window_params = [{transform_indices = @transform_0, window_bounds = array<i64: 1, 4, 2048>}, {transform_indices = @transform_1, window_bounds = array<i64: 1, 4, 2048>}]} {
    %iota3A = tpu.iota {dimensions = array<i32: 0>} : vector<128x128xi32>
    %iota3A_0 = tpu.iota {dimensions = array<i32: 1>} : vector<128x128xi32>
    %lt3A = arith.cmpi slt, %iota3A, %iota3A_0 : vector<128x128xi32>
    %convert_element_type3A = arith.extui %lt3A : vector<128x128xi1> to vector<128x128xi32>
    %convert_element_type3A_1 = arith.sitofp %convert_element_type3A : vector<128x128xi32> to vector<128x128xf32>
    %iota3A_2 = tpu.iota {dimensions = array<i32: 0>} : vector<128x2048xi32>
    %get3A = arith.constant 0 : index
    %get3A_3 = arith.constant 0 : index
    %get3A_4 = arith.constant 0 : index
    %get3A_5 = vector.load %arg1[%get3A, %get3A_3, %get3A_4] : memref<1x4x2048xi32, #tpu.memory_space<vmem>>, vector<1x1x2048xi32>
    %get3A_6 = vector.shape_cast %get3A_5 : vector<1x1x2048xi32> to vector<2048xi32>
    %broadcast_in_dim3A = vector.shape_cast %get3A_6 : vector<2048xi32> to vector<1x2048xi32>
    %broadcast_in_dim3A_7 = vector.shape_cast %broadcast_in_dim3A : vector<1x2048xi32> to vector<1x2048xi32>
    %broadcast_in_dim3A_8 = vector.broadcast %broadcast_in_dim3A_7 : vector<1x2048xi32> to vector<128x2048xi32>
    %add3A = arith.constant 0 : i32
    %add3A_9 = vector.broadcast %add3A : i32 to vector<128x2048xi32>
    %add3A_10 = arith.addi %iota3A_2, %add3A_9 : vector<128x2048xi32>
    %eq3A = arith.cmpi eq, %broadcast_in_dim3A_8, %add3A_10 : vector<128x2048xi32>
    %convert_element_type3A_11 = arith.extui %eq3A : vector<128x2048xi1> to vector<128x2048xi32>
    %convert_element_type3A_12 = arith.sitofp %convert_element_type3A_11 : vector<128x2048xi32> to vector<128x2048xf32>
    %gt3A = arith.cmpi sgt, %add3A_10, %broadcast_in_dim3A_8 : vector<128x2048xi32>
    %convert_element_type3A_13 = arith.extui %gt3A : vector<128x2048xi1> to vector<128x2048xi32>
    %convert_element_type3A_14 = arith.sitofp %convert_element_type3A_13 : vector<128x2048xi32> to vector<128x2048xf32>
    %reduce_sum3A = arith.constant dense<0.000000e+00> : vector<128xf32>
    %reduce_sum3A_15 = vector.multi_reduction <add>, %convert_element_type3A_14, %reduce_sum3A [1] : vector<128x2048xf32> to vector<128xf32>
    %broadcast_in_dim3A_16 = vector.shape_cast %reduce_sum3A_15 : vector<128xf32> to vector<128x1xf32>
    %jit3A = arith.constant 64 : i32
    %eq3A_17 = arith.constant 0 : i32
    %eq3A_18 = arith.cmpi eq, %jit3A, %eq3A_17 : i32
    %jit3A_19 = arith.constant 1 : i32
    %select_n3A = arith.select %eq3A_18, %jit3A_19, %jit3A : i32
    %rem3A = arith.remsi %arg0, %select_n3A : i32
    %ne3A = arith.constant 0 : i32
    %ne3A_20 = arith.cmpi ne, %rem3A, %ne3A : i32
    %lt3A_21 = arith.constant 0 : i32
    %lt3A_22 = arith.cmpi slt, %rem3A, %lt3A_21 : i32
    %lt3A_23 = arith.constant 0 : i32
    %lt3A_24 = arith.cmpi slt, %select_n3A, %lt3A_23 : i32
    %ne3A_25 = arith.xori %lt3A_22, %lt3A_24 : i1
    %and3A = arith.andi %ne3A_25, %ne3A_20 : i1
    %add3A_26 = arith.addi %rem3A, %select_n3A : i32
    %select_n3A_27 = arith.select %and3A, %add3A_26, %rem3A : i32
    %mul3A = arith.constant 8192 : i32
    %mul3A_28 = arith.muli %select_n3A_27, %mul3A : i32
    %add3A_29 = arith.constant 0 : i32
    %add3A_30 = arith.addi %mul3A_28, %add3A_29 : i32
    %slice3A = vector.extract_strided_slice %convert_element_type3A_12 {offsets = [0, 0], sizes = [128, 128], strides = [1, 1]} : vector<128x2048xf32> to vector<128x128xf32>
    %dot_general3A = arith.constant dense<0.000000e+00> : vector<128x128xf32>
    %dot_general3A_31 = tpu.matmul %slice3A, %convert_element_type3A_1, %dot_general3A {dimension_numbers = #tpu.dot_dimension_numbers<[1], [0], [0], [1], [0, 0, 1, 1], [], []>, transpose_lhs_hint = false} : vector<128x128xf32>, vector<128x128xf32>, vector<128x128xf32> -> vector<128x128xf32>
    %add3A_32 = vector.broadcast %broadcast_in_dim3A_16 : vector<128x1xf32> to vector<128x128xf32>
    %add3A_33 = arith.addf %dot_general3A_31, %add3A_32 : vector<128x128xf32>
    %mul3A_34 = arith.mulf %slice3A, %add3A_33 : vector<128x128xf32>
    %reduce_sum3A_35 = arith.constant dense<0.000000e+00> : vector<128xf32>
    %reduce_sum3A_36 = vector.multi_reduction <add>, %mul3A_34, %reduce_sum3A_35 [0] : vector<128x128xf32> to vector<128xf32>
    %convert_element_type3A_37 = arith.fptosi %reduce_sum3A_36 : vector<128xf32> to vector<128xi32>
    %add3A_38 = vector.broadcast %add3A_30 : i32 to vector<128xi32>
    %add3A_39 = arith.addi %convert_element_type3A_37, %add3A_38 : vector<128xi32>
    %swap3A = arith.constant 0 : index
    %swap3A_40 = arith.constant 0 : index
    %swap3A_41 = arith.constant 0 : index
    %swap3A_42 = vector.load %arg2[%swap3A, %swap3A_40, %swap3A_41] : memref<1x4x2048xi32, #tpu.memory_space<vmem>>, vector<1x1x128xi32>
    %swap3A_43 = vector.shape_cast %swap3A_42 : vector<1x1x128xi32> to vector<128xi32>
    %swap3A_44 = vector.shape_cast %add3A_39 : vector<128xi32> to vector<1x1x128xi32>
    tpu.vector_store %arg2[%swap3A, %swap3A_40, %swap3A_41], %swap3A_44 {strides = array<i32>} : memref<1x4x2048xi32, #tpu.memory_space<vmem>>, vector<1x1x128xi32>,
    %reduce_sum3A_45 = arith.constant dense<0.000000e+00> : vector<128xf32>
    %reduce_sum3A_46 = vector.multi_reduction <add>, %slice3A, %reduce_sum3A_45 [1] : vector<128x128xf32> to vector<128xf32>
    %broadcast_in_dim3A_47 = vector.shape_cast %reduce_sum3A_46 : vector<128xf32> to vector<128x1xf32>
    %add3A_48 = arith.addf %broadcast_in_dim3A_16, %broadcast_in_dim3A_47 : vector<128x1xf32>
    %slice3A_49 = vector.extract_strided_slice %convert_element_type3A_12 {offsets = [0, 128], sizes = [128, 128], strides = [1, 1]} : vector<128x2048xf32> to vector<128x128xf32>
    %dot_general3A_50 = arith.constant dense<0.000000e+00> : vector<128x128xf32>
    %dot_general3A_51 = tpu.matmul %slice3A_49, %convert_element_type3A_1, %dot_general3A_50 {dimension_numbers = #tpu.dot_dimension_numbers<[1], [0], [0], [1], [0, 0, 1, 1], [], []>, transpose_lhs_hint = false} : vector<128x128xf32>, vector<128x128xf32>, vector<128x128xf32> -> vector<128x128xf32>
    %add3A_52 = vector.broadcast %add3A_48 : vector<128x1xf32> to vector<128x128xf32>
    %add3A_53 = arith.addf %dot_general3A_51, %add3A_52 : vector<128x128xf32>
    %mul3A_54 = arith.mulf %slice3A_49, %add3A_53 : vector<128x128xf32>
    %reduce_sum3A_55 = arith.constant dense<0.000000e+00> : vector<128xf32>
    %reduce_sum3A_56 = vector.multi_reduction <add>, %mul3A_54, %reduce_sum3A_55 [0] : vector<128x128xf32> to vector<128xf32>
    %convert_element_type3A_57 = arith.fptosi %reduce_sum3A_56 : vector<128xf32> to vector<128xi32>
    %add3A_58 = vector.broadcast %add3A_30 : i32 to vector<128xi32>
    %add3A_59 = arith.addi %convert_element_type3A_57, %add3A_58 : vector<128xi32>
    %swap3A_60 = arith.constant 0 : index
    %swap3A_61 = arith.constant 0 : index
    %swap3A_62 = arith.constant 128 : index
    %swap3A_63 = vector.load %arg2[%swap3A_60, %swap3A_61, %swap3A_62] : memref<1x4x2048xi32, #tpu.memory_space<vmem>>, vector<1x1x128xi32>
    %swap3A_64 = vector.shape_cast %swap3A_63 : vector<1x1x128xi32> to vector<128xi32>
    %swap3A_65 = vector.shape_cast %add3A_59 : vector<128xi32> to vector<1x1x128xi32>
    tpu.vector_store %arg2[%swap3A_60, %swap3A_61, %swap3A_62], %swap3A_65 {strides = array<i32>} : memref<1x4x2048xi32, #tpu.memory_space<vmem>>, vector<1x1x128xi32>,
    %reduce_sum3A_66 = arith.constant dense<0.000000e+00> : vector<128xf32>
    %reduce_sum3A_67 = vector.multi_reduction <add>, %slice3A_49, %reduce_sum3A_66 [1] : vector<128x128xf32> to vector<128xf32>
    %broadcast_in_dim3A_68 = vector.shape_cast %reduce_sum3A_67 : vector<128xf32> to vector<128x1xf32>
    %add3A_69 = arith.addf %add3A_48, %broadcast_in_dim3A_68 : vector<128x1xf32>
    %slice3A_70 = vector.extract_strided_slice %convert_element_type3A_12 {offsets = [0, 256], sizes = [128, 128], strides = [1, 1]} : vector<128x2048xf32> to vector<128x128xf32>
    %dot_general3A_71 = arith.constant dense<0.000000e+00> : vector<128x128xf32>
    %dot_general3A_72 = tpu.matmul %slice3A_70, %convert_element_type3A_1, %dot_general3A_71 {dimension_numbers = #tpu.dot_dimension_numbers<[1], [0], [0], [1], [0, 0, 1, 1], [], []>, transpose_lhs_hint = false} : vector<128x128xf32>, vector<128x128xf32>, vector<128x128xf32> -> vector<128x128xf32>
    %add3A_73 = vector.broadcast %add3A_69 : vector<128x1xf32> to vector<128x128xf32>
    %add3A_74 = arith.addf %dot_general3A_72, %add3A_73 : vector<128x128xf32>
    %mul3A_75 = arith.mulf %slice3A_70, %add3A_74 : vector<128x128xf32>
    %reduce_sum3A_76 = arith.constant dense<0.000000e+00> : vector<128xf32>
    %reduce_sum3A_77 = vector.multi_reduction <add>, %mul3A_75, %reduce_sum3A_76 [0] : vector<128x128xf32> to vector<128xf32>
    %convert_element_type3A_78 = arith.fptosi %reduce_sum3A_77 : vector<128xf32> to vector<128xi32>
    %add3A_79 = vector.broadcast %add3A_30 : i32 to vector<128xi32>
    %add3A_80 = arith.addi %convert_element_type3A_78, %add3A_79 : vector<128xi32>
    %swap3A_81 = arith.constant 0 : index
    %swap3A_82 = arith.constant 0 : index
    %swap3A_83 = arith.constant 256 : index
    %swap3A_84 = vector.load %arg2[%swap3A_81, %swap3A_82, %swap3A_83] : memref<1x4x2048xi32, #tpu.memory_space<vmem>>, vector<1x1x128xi32>
    %swap3A_85 = vector.shape_cast %swap3A_84 : vector<1x1x128xi32> to vector<128xi32>
    %swap3A_86 = vector.shape_cast %add3A_80 : vector<128xi32> to vector<1x1x128xi32>
    tpu.vector_store %arg2[%swap3A_81, %swap3A_82, %swap3A_83], %swap3A_86 {strides = array<i32>} : memref<1x4x2048xi32, #tpu.memory_space<vmem>>, vector<1x1x128xi32>,
    %reduce_sum3A_87 = arith.constant dense<0.000000e+00> : vector<128xf32>
    %reduce_sum3A_88 = vector.multi_reduction <add>, %slice3A_70, %reduce_sum3A_87 [1] : vector<128x128xf32> to vector<128xf32>
    %broadcast_in_dim3A_89 = vector.shape_cast %reduce_sum3A_88 : vector<128xf32> to vector<128x1xf32>
    %add3A_90 = arith.addf %add3A_69, %broadcast_in_dim3A_89 : vector<128x1xf32>
    %slice3A_91 = vector.extract_strided_slice %convert_element_type3A_12 {offsets = [0, 384], sizes = [128, 128], strides = [1, 1]} : vector<128x2048xf32> to vector<128x128xf32>
    %dot_general3A_92 = arith.constant dense<0.000000e+00> : vector<128x128xf32>
    %dot_general3A_93 = tpu.matmul %slice3A_91, %convert_element_type3A_1, %dot_general3A_92 {dimension_numbers = #tpu.dot_dimension_numbers<[1], [0], [0], [1], [0, 0, 1, 1], [], []>, transpose_lhs_hint = false} : vector<128x128xf32>, vector<128x128xf32>, vector<128x128xf32> -> vector<128x128xf32>
    %add3A_94 = vector.broadcast %add3A_90 : vector<128x1xf32> to vector<128x128xf32>
    %add3A_95 = arith.addf %dot_general3A_93, %add3A_94 : vector<128x128xf32>
    %mul3A_96 = arith.mulf %slice3A_91, %add3A_95 : vector<128x128xf32>
    %reduce_sum3A_97 = arith.constant dense<0.000000e+00> : vector<128xf32>
    %reduce_sum3A_98 = vector.multi_reduction <add>, %mul3A_96, %reduce_sum3A_97 [0] : vector<128x128xf32> to vector<128xf32>
    %convert_element_type3A_99 = arith.fptosi %reduce_sum3A_98 : vector<128xf32> to vector<128xi32>
    %add3A_100 = vector.broadcast %add3A_30 : i32 to vector<128xi32>
    %add3A_101 = arith.addi %convert_element_type3A_99, %add3A_100 : vector<128xi32>
    %swap3A_102 = arith.constant 0 : index
    %swap3A_103 = arith.constant 0 : index
    %swap3A_104 = arith.constant 384 : index
    %swap3A_105 = vector.load %arg2[%swap3A_102, %swap3A_103, %swap3A_104] : memref<1x4x2048xi32, #tpu.memory_space<vmem>>, vector<1x1x128xi32>
    %swap3A_106 = vector.shape_cast %swap3A_105 : vector<1x1x128xi32> to vector<128xi32>
    %swap3A_107 = vector.shape_cast %add3A_101 : vector<128xi32> to vector<1x1x128xi32>
    tpu.vector_store %arg2[%swap3A_102, %swap3A_103, %swap3A_104], %swap3A_107 {strides = array<i32>} : memref<1x4x2048xi32, #tpu.memory_space<vmem>>, vector<1x1x128xi32>,
    %reduce_sum3A_108 = arith.constant dense<0.000000e+00> : vector<128xf32>
    %reduce_sum3A_109 = vector.multi_reduction <add>, %slice3A_91, %reduce_sum3A_108 [1] : vector<128x128xf32> to vector<128xf32>
    %broadcast_in_dim3A_110 = vector.shape_cast %reduce_sum3A_109 : vector<128xf32> to vector<128x1xf32>
    %add3A_111 = arith.addf %add3A_90, %broadcast_in_dim3A_110 : vector<128x1xf32>
    %slice3A_112 = vector.extract_strided_slice %convert_element_type3A_12 {offsets = [0, 512], sizes = [128, 128], strides = [1, 1]} : vector<128x2048xf32> to vector<128x128xf32>
    %dot_general3A_113 = arith.constant dense<0.000000e+00> : vector<128x128xf32>
    %dot_general3A_114 = tpu.matmul %slice3A_112, %convert_element_type3A_1, %dot_general3A_113 {dimension_numbers = #tpu.dot_dimension_numbers<[1], [0], [0], [1], [0, 0, 1, 1], [], []>, transpose_lhs_hint = false} : vector<128x128xf32>, vector<128x128xf32>, vector<128x128xf32> -> vector<128x128xf32>
    %add3A_115 = vector.broadcast %add3A_111 : vector<128x1xf32> to vector<128x128xf32>
    %add3A_116 = arith.addf %dot_general3A_114, %add3A_115 : vector<128x128xf32>
    %mul3A_117 = arith.mulf %slice3A_112, %add3A_116 : vector<128x128xf32>
    %reduce_sum3A_118 = arith.constant dense<0.000000e+00> : vector<128xf32>
    %reduce_sum3A_119 = vector.multi_reduction <add>, %mul3A_117, %reduce_sum3A_118 [0] : vector<128x128xf32> to vector<128xf32>
    %convert_element_type3A_120 = arith.fptosi %reduce_sum3A_119 : vector<128xf32> to vector<128xi32>
    %add3A_121 = vector.broadcast %add3A_30 : i32 to vector<128xi32>
    %add3A_122 = arith.addi %convert_element_type3A_120, %add3A_121 : vector<128xi32>
    %swap3A_123 = arith.constant 0 : index
    %swap3A_124 = arith.constant 0 : index
    %swap3A_125 = arith.constant 512 : index
    %swap3A_126 = vector.load %arg2[%swap3A_123, %swap3A_124, %swap3A_125] : memref<1x4x2048xi32, #tpu.memory_space<vmem>>, vector<1x1x128xi32>
    %swap3A_127 = vector.shape_cast %swap3A_126 : vector<1x1x128xi32> to vector<128xi32>
    %swap3A_128 = vector.shape_cast %add3A_122 : vector<128xi32> to vector<1x1x128xi32>
    tpu.vector_store %arg2[%swap3A_123, %swap3A_124, %swap3A_125], %swap3A_128 {strides = array<i32>} : memref<1x4x2048xi32, #tpu.memory_space<vmem>>, vector<1x1x128xi32>,
    %reduce_sum3A_129 = arith.constant dense<0.000000e+00> : vector<128xf32>
    %reduce_sum3A_130 = vector.multi_reduction <add>, %slice3A_112, %reduce_sum3A_129 [1] : vector<128x128xf32> to vector<128xf32>
    %broadcast_in_dim3A_131 = vector.shape_cast %reduce_sum3A_130 : vector<128xf32> to vector<128x1xf32>
    %add3A_132 = arith.addf %add3A_111, %broadcast_in_dim3A_131 : vector<128x1xf32>
    %slice3A_133 = vector.extract_strided_slice %convert_element_type3A_12 {offsets = [0, 640], sizes = [128, 128], strides = [1, 1]} : vector<128x2048xf32> to vector<128x128xf32>
    %dot_general3A_134 = arith.constant dense<0.000000e+00> : vector<128x128xf32>
    %dot_general3A_135 = tpu.matmul %slice3A_133, %convert_element_type3A_1, %dot_general3A_134 {dimension_numbers = #tpu.dot_dimension_numbers<[1], [0], [0], [1], [0, 0, 1, 1], [], []>, transpose_lhs_hint = false} : vector<128x128xf32>, vector<128x128xf32>, vector<128x128xf32> -> vector<128x128xf32>
    %add3A_136 = vector.broadcast %add3A_132 : vector<128x1xf32> to vector<128x128xf32>
    %add3A_137 = arith.addf %dot_general3A_135, %add3A_136 : vector<128x128xf32>
    %mul3A_138 = arith.mulf %slice3A_133, %add3A_137 : vector<128x128xf32>
    %reduce_sum3A_139 = arith.constant dense<0.000000e+00> : vector<128xf32>
    %reduce_sum3A_140 = vector.multi_reduction <add>, %mul3A_138, %reduce_sum3A_139 [0] : vector<128x128xf32> to vector<128xf32>
    %convert_element_type3A_141 = arith.fptosi %reduce_sum3A_140 : vector<128xf32> to vector<128xi32>
    %add3A_142 = vector.broadcast %add3A_30 : i32 to vector<128xi32>
    %add3A_143 = arith.addi %convert_element_type3A_141, %add3A_142 : vector<128xi32>
    %swap3A_144 = arith.constant 0 : index
    %swap3A_145 = arith.constant 0 : index
    %swap3A_146 = arith.constant 640 : index
    %swap3A_147 = vector.load %arg2[%swap3A_144, %swap3A_145, %swap3A_146] : memref<1x4x2048xi32, #tpu.memory_space<vmem>>, vector<1x1x128xi32>
    %swap3A_148 = vector.shape_cast %swap3A_147 : vector<1x1x128xi32> to vector<128xi32>
    %swap3A_149 = vector.shape_cast %add3A_143 : vector<128xi32> to vector<1x1x128xi32>
    tpu.vector_store %arg2[%swap3A_144, %swap3A_145, %swap3A_146], %swap3A_149 {strides = array<i32>} : memref<1x4x2048xi32, #tpu.memory_space<vmem>>, vector<1x1x128xi32>,
    %reduce_sum3A_150 = arith.constant dense<0.000000e+00> : vector<128xf32>
    %reduce_sum3A_151 = vector.multi_reduction <add>, %slice3A_133, %reduce_sum3A_150 [1] : vector<128x128xf32> to vector<128xf32>
    %broadcast_in_dim3A_152 = vector.shape_cast %reduce_sum3A_151 : vector<128xf32> to vector<128x1xf32>
    %add3A_153 = arith.addf %add3A_132, %broadcast_in_dim3A_152 : vector<128x1xf32>
    %slice3A_154 = vector.extract_strided_slice %convert_element_type3A_12 {offsets = [0, 768], sizes = [128, 128], strides = [1, 1]} : vector<128x2048xf32> to vector<128x128xf32>
    %dot_general3A_155 = arith.constant dense<0.000000e+00> : vector<128x128xf32>
    %dot_general3A_156 = tpu.matmul %slice3A_154, %convert_element_type3A_1, %dot_general3A_155 {dimension_numbers = #tpu.dot_dimension_numbers<[1], [0], [0], [1], [0, 0, 1, 1], [], []>, transpose_lhs_hint = false} : vector<128x128xf32>, vector<128x128xf32>, vector<128x128xf32> -> vector<128x128xf32>
    %add3A_157 = vector.broadcast %add3A_153 : vector<128x1xf32> to vector<128x128xf32>
    %add3A_158 = arith.addf %dot_general3A_156, %add3A_157 : vector<128x128xf32>
    %mul3A_159 = arith.mulf %slice3A_154, %add3A_158 : vector<128x128xf32>
    %reduce_sum3A_160 = arith.constant dense<0.000000e+00> : vector<128xf32>
    %reduce_sum3A_161 = vector.multi_reduction <add>, %mul3A_159, %reduce_sum3A_160 [0] : vector<128x128xf32> to vector<128xf32>
    %convert_element_type3A_162 = arith.fptosi %reduce_sum3A_161 : vector<128xf32> to vector<128xi32>
    %add3A_163 = vector.broadcast %add3A_30 : i32 to vector<128xi32>
    %add3A_164 = arith.addi %convert_element_type3A_162, %add3A_163 : vector<128xi32>
    %swap3A_165 = arith.constant 0 : index
    %swap3A_166 = arith.constant 0 : index
    %swap3A_167 = arith.constant 768 : index
    %swap3A_168 = vector.load %arg2[%swap3A_165, %swap3A_166, %swap3A_167] : memref<1x4x2048xi32, #tpu.memory_space<vmem>>, vector<1x1x128xi32>
    %swap3A_169 = vector.shape_cast %swap3A_168 : vector<1x1x128xi32> to vector<128xi32>
    %swap3A_170 = vector.shape_cast %add3A_164 : vector<128xi32> to vector<1x1x128xi32>
    tpu.vector_store %arg2[%swap3A_165, %swap3A_166, %swap3A_167], %swap3A_170 {strides = array<i32>} : memref<1x4x2048xi32, #tpu.memory_space<vmem>>, vector<1x1x128xi32>,
    %reduce_sum3A_171 = arith.constant dense<0.000000e+00> : vector<128xf32>
    %reduce_sum3A_172 = vector.multi_reduction <add>, %slice3A_154, %reduce_sum3A_171 [1] : vector<128x128xf32> to vector<128xf32>
    %broadcast_in_dim3A_173 = vector.shape_cast %reduce_sum3A_172 : vector<128xf32> to vector<128x1xf32>
    %add3A_174 = arith.addf %add3A_153, %broadcast_in_dim3A_173 : vector<128x1xf32>
    %slice3A_175 = vector.extract_strided_slice %convert_element_type3A_12 {offsets = [0, 896], sizes = [128, 128], strides = [1, 1]} : vector<128x2048xf32> to vector<128x128xf32>
    %dot_general3A_176 = arith.constant dense<0.000000e+00> : vector<128x128xf32>
    %dot_general3A_177 = tpu.matmul %slice3A_175, %convert_element_type3A_1, %dot_general3A_176 {dimension_numbers = #tpu.dot_dimension_numbers<[1], [0], [0], [1], [0, 0, 1, 1], [], []>, transpose_lhs_hint = false} : vector<128x128xf32>, vector<128x128xf32>, vector<128x128xf32> -> vector<128x128xf32>
    %add3A_178 = vector.broadcast %add3A_174 : vector<128x1xf32> to vector<128x128xf32>
    %add3A_179 = arith.addf %dot_general3A_177, %add3A_178 : vector<128x128xf32>
    %mul3A_180 = arith.mulf %slice3A_175, %add3A_179 : vector<128x128xf32>
    %reduce_sum3A_181 = arith.constant dense<0.000000e+00> : vector<128xf32>
    %reduce_sum3A_182 = vector.multi_reduction <add>, %mul3A_180, %reduce_sum3A_181 [0] : vector<128x128xf32> to vector<128xf32>
    %convert_element_type3A_183 = arith.fptosi %reduce_sum3A_182 : vector<128xf32> to vector<128xi32>
    %add3A_184 = vector.broadcast %add3A_30 : i32 to vector<128xi32>
    %add3A_185 = arith.addi %convert_element_type3A_183, %add3A_184 : vector<128xi32>
    %swap3A_186 = arith.constant 0 : index
    %swap3A_187 = arith.constant 0 : index
    %swap3A_188 = arith.constant 896 : index
    %swap3A_189 = vector.load %arg2[%swap3A_186, %swap3A_187, %swap3A_188] : memref<1x4x2048xi32, #tpu.memory_space<vmem>>, vector<1x1x128xi32>
    %swap3A_190 = vector.shape_cast %swap3A_189 : vector<1x1x128xi32> to vector<128xi32>
    %swap3A_191 = vector.shape_cast %add3A_185 : vector<128xi32> to vector<1x1x128xi32>
    tpu.vector_store %arg2[%swap3A_186, %swap3A_187, %swap3A_188], %swap3A_191 {strides = array<i32>} : memref<1x4x2048xi32, #tpu.memory_space<vmem>>, vector<1x1x128xi32>,
    %reduce_sum3A_192 = arith.constant dense<0.000000e+00> : vector<128xf32>
    %reduce_sum3A_193 = vector.multi_reduction <add>, %slice3A_175, %reduce_sum3A_192 [1] : vector<128x128xf32> to vector<128xf32>
    %broadcast_in_dim3A_194 = vector.shape_cast %reduce_sum3A_193 : vector<128xf32> to vector<128x1xf32>
    %add3A_195 = arith.addf %add3A_174, %broadcast_in_dim3A_194 : vector<128x1xf32>
    %slice3A_196 = vector.extract_strided_slice %convert_element_type3A_12 {offsets = [0, 1024], sizes = [128, 128], strides = [1, 1]} : vector<128x2048xf32> to vector<128x128xf32>
    %dot_general3A_197 = arith.constant dense<0.000000e+00> : vector<128x128xf32>
    %dot_general3A_198 = tpu.matmul %slice3A_196, %convert_element_type3A_1, %dot_general3A_197 {dimension_numbers = #tpu.dot_dimension_numbers<[1], [0], [0], [1], [0, 0, 1, 1], [], []>, transpose_lhs_hint = false} : vector<128x128xf32>, vector<128x128xf32>, vector<128x128xf32> -> vector<128x128xf32>
    %add3A_199 = vector.broadcast %add3A_195 : vector<128x1xf32> to vector<128x128xf32>
    %add3A_200 = arith.addf %dot_general3A_198, %add3A_199 : vector<128x128xf32>
    %mul3A_201 = arith.mulf %slice3A_196, %add3A_200 : vector<128x128xf32>
    %reduce_sum3A_202 = arith.constant dense<0.000000e+00> : vector<128xf32>
    %reduce_sum3A_203 = vector.multi_reduction <add>, %mul3A_201, %reduce_sum3A_202 [0] : vector<128x128xf32> to vector<128xf32>
    %convert_element_type3A_204 = arith.fptosi %reduce_sum3A_203 : vector<128xf32> to vector<128xi32>
    %add3A_205 = vector.broadcast %add3A_30 : i32 to vector<128xi32>
    %add3A_206 = arith.addi %convert_element_type3A_204, %add3A_205 : vector<128xi32>
    %swap3A_207 = arith.constant 0 : index
    %swap3A_208 = arith.constant 0 : index
    %swap3A_209 = arith.constant 1024 : index
    %swap3A_210 = vector.load %arg2[%swap3A_207, %swap3A_208, %swap3A_209] : memref<1x4x2048xi32, #tpu.memory_space<vmem>>, vector<1x1x128xi32>
    %swap3A_211 = vector.shape_cast %swap3A_210 : vector<1x1x128xi32> to vector<128xi32>
    %swap3A_212 = vector.shape_cast %add3A_206 : vector<128xi32> to vector<1x1x128xi32>
    tpu.vector_store %arg2[%swap3A_207, %swap3A_208, %swap3A_209], %swap3A_212 {strides = array<i32>} : memref<1x4x2048xi32, #tpu.memory_space<vmem>>, vector<1x1x128xi32>,
    %reduce_sum3A_213 = arith.constant dense<0.000000e+00> : vector<128xf32>
    %reduce_sum3A_214 = vector.multi_reduction <add>, %slice3A_196, %reduce_sum3A_213 [1] : vector<128x128xf32> to vector<128xf32>
    %broadcast_in_dim3A_215 = vector.shape_cast %reduce_sum3A_214 : vector<128xf32> to vector<128x1xf32>
    %add3A_216 = arith.addf %add3A_195, %broadcast_in_dim3A_215 : vector<128x1xf32>
    %slice3A_217 = vector.extract_strided_slice %convert_element_type3A_12 {offsets = [0, 1152], sizes = [128, 128], strides = [1, 1]} : vector<128x2048xf32> to vector<128x128xf32>
    %dot_general3A_218 = arith.constant dense<0.000000e+00> : vector<128x128xf32>
    %dot_general3A_219 = tpu.matmul %slice3A_217, %convert_element_type3A_1, %dot_general3A_218 {dimension_numbers = #tpu.dot_dimension_numbers<[1], [0], [0], [1], [0, 0, 1, 1], [], []>, transpose_lhs_hint = false} : vector<128x128xf32>, vector<128x128xf32>, vector<128x128xf32> -> vector<128x128xf32>
    %add3A_220 = vector.broadcast %add3A_216 : vector<128x1xf32> to vector<128x128xf32>
    %add3A_221 = arith.addf %dot_general3A_219, %add3A_220 : vector<128x128xf32>
    %mul3A_222 = arith.mulf %slice3A_217, %add3A_221 : vector<128x128xf32>
    %reduce_sum3A_223 = arith.constant dense<0.000000e+00> : vector<128xf32>
    %reduce_sum3A_224 = vector.multi_reduction <add>, %mul3A_222, %reduce_sum3A_223 [0] : vector<128x128xf32> to vector<128xf32>
    %convert_element_type3A_225 = arith.fptosi %reduce_sum3A_224 : vector<128xf32> to vector<128xi32>
    %add3A_226 = vector.broadcast %add3A_30 : i32 to vector<128xi32>
    %add3A_227 = arith.addi %convert_element_type3A_225, %add3A_226 : vector<128xi32>
    %swap3A_228 = arith.constant 0 : index
    %swap3A_229 = arith.constant 0 : index
    %swap3A_230 = arith.constant 1152 : index
    %swap3A_231 = vector.load %arg2[%swap3A_228, %swap3A_229, %swap3A_230] : memref<1x4x2048xi32, #tpu.memory_space<vmem>>, vector<1x1x128xi32>
    %swap3A_232 = vector.shape_cast %swap3A_231 : vector<1x1x128xi32> to vector<128xi32>
    %swap3A_233 = vector.shape_cast %add3A_227 : vector<128xi32> to vector<1x1x128xi32>
    tpu.vector_store %arg2[%swap3A_228, %swap3A_229, %swap3A_230], %swap3A_233 {strides = array<i32>} : memref<1x4x2048xi32, #tpu.memory_space<vmem>>, vector<1x1x128xi32>,
    %reduce_sum3A_234 = arith.constant dense<0.000000e+00> : vector<128xf32>
    %reduce_sum3A_235 = vector.multi_reduction <add>, %slice3A_217, %reduce_sum3A_234 [1] : vector<128x128xf32> to vector<128xf32>
    %broadcast_in_dim3A_236 = vector.shape_cast %reduce_sum3A_235 : vector<128xf32> to vector<128x1xf32>
    %add3A_237 = arith.addf %add3A_216, %broadcast_in_dim3A_236 : vector<128x1xf32>
    %slice3A_238 = vector.extract_strided_slice %convert_element_type3A_12 {offsets = [0, 1280], sizes = [128, 128], strides = [1, 1]} : vector<128x2048xf32> to vector<128x128xf32>
    %dot_general3A_239 = arith.constant dense<0.000000e+00> : vector<128x128xf32>
    %dot_general3A_240 = tpu.matmul %slice3A_238, %convert_element_type3A_1, %dot_general3A_239 {dimension_numbers = #tpu.dot_dimension_numbers<[1], [0], [0], [1], [0, 0, 1, 1], [], []>, transpose_lhs_hint = false} : vector<128x128xf32>, vector<128x128xf32>, vector<128x128xf32> -> vector<128x128xf32>
    %add3A_241 = vector.broadcast %add3A_237 : vector<128x1xf32> to vector<128x128xf32>
    %add3A_242 = arith.addf %dot_general3A_240, %add3A_241 : vector<128x128xf32>
    %mul3A_243 = arith.mulf %slice3A_238, %add3A_242 : vector<128x128xf32>
    %reduce_sum3A_244 = arith.constant dense<0.000000e+00> : vector<128xf32>
    %reduce_sum3A_245 = vector.multi_reduction <add>, %mul3A_243, %reduce_sum3A_244 [0] : vector<128x128xf32> to vector<128xf32>
    %convert_element_type3A_246 = arith.fptosi %reduce_sum3A_245 : vector<128xf32> to vector<128xi32>
    %add3A_247 = vector.broadcast %add3A_30 : i32 to vector<128xi32>
    %add3A_248 = arith.addi %convert_element_type3A_246, %add3A_247 : vector<128xi32>
    %swap3A_249 = arith.constant 0 : index
    %swap3A_250 = arith.constant 0 : index
    %swap3A_251 = arith.constant 1280 : index
    %swap3A_252 = vector.load %arg2[%swap3A_249, %swap3A_250, %swap3A_251] : memref<1x4x2048xi32, #tpu.memory_space<vmem>>, vector<1x1x128xi32>
    %swap3A_253 = vector.shape_cast %swap3A_252 : vector<1x1x128xi32> to vector<128xi32>
    %swap3A_254 = vector.shape_cast %add3A_248 : vector<128xi32> to vector<1x1x128xi32>
    tpu.vector_store %arg2[%swap3A_249, %swap3A_250, %swap3A_251], %swap3A_254 {strides = array<i32>} : memref<1x4x2048xi32, #tpu.memory_space<vmem>>, vector<1x1x128xi32>,
    %reduce_sum3A_255 = arith.constant dense<0.000000e+00> : vector<128xf32>
    %reduce_sum3A_256 = vector.multi_reduction <add>, %slice3A_238, %reduce_sum3A_255 [1] : vector<128x128xf32> to vector<128xf32>
    %broadcast_in_dim3A_257 = vector.shape_cast %reduce_sum3A_256 : vector<128xf32> to vector<128x1xf32>
    %add3A_258 = arith.addf %add3A_237, %broadcast_in_dim3A_257 : vector<128x1xf32>
    %slice3A_259 = vector.extract_strided_slice %convert_element_type3A_12 {offsets = [0, 1408], sizes = [128, 128], strides = [1, 1]} : vector<128x2048xf32> to vector<128x128xf32>
    %dot_general3A_260 = arith.constant dense<0.000000e+00> : vector<128x128xf32>
    %dot_general3A_261 = tpu.matmul %slice3A_259, %convert_element_type3A_1, %dot_general3A_260 {dimension_numbers = #tpu.dot_dimension_numbers<[1], [0], [0], [1], [0, 0, 1, 1], [], []>, transpose_lhs_hint = false} : vector<128x128xf32>, vector<128x128xf32>, vector<128x128xf32> -> vector<128x128xf32>
    %add3A_262 = vector.broadcast %add3A_258 : vector<128x1xf32> to vector<128x128xf32>
    %add3A_263 = arith.addf %dot_general3A_261, %add3A_262 : vector<128x128xf32>
    %mul3A_264 = arith.mulf %slice3A_259, %add3A_263 : vector<128x128xf32>
    %reduce_sum3A_265 = arith.constant dense<0.000000e+00> : vector<128xf32>
    %reduce_sum3A_266 = vector.multi_reduction <add>, %mul3A_264, %reduce_sum3A_265 [0] : vector<128x128xf32> to vector<128xf32>
    %convert_element_type3A_267 = arith.fptosi %reduce_sum3A_266 : vector<128xf32> to vector<128xi32>
    %add3A_268 = vector.broadcast %add3A_30 : i32 to vector<128xi32>
    %add3A_269 = arith.addi %convert_element_type3A_267, %add3A_268 : vector<128xi32>
    %swap3A_270 = arith.constant 0 : index
    %swap3A_271 = arith.constant 0 : index
    %swap3A_272 = arith.constant 1408 : index
    %swap3A_273 = vector.load %arg2[%swap3A_270, %swap3A_271, %swap3A_272] : memref<1x4x2048xi32, #tpu.memory_space<vmem>>, vector<1x1x128xi32>
    %swap3A_274 = vector.shape_cast %swap3A_273 : vector<1x1x128xi32> to vector<128xi32>
    %swap3A_275 = vector.shape_cast %add3A_269 : vector<128xi32> to vector<1x1x128xi32>
    tpu.vector_store %arg2[%swap3A_270, %swap3A_271, %swap3A_272], %swap3A_275 {strides = array<i32>} : memref<1x4x2048xi32, #tpu.memory_space<vmem>>, vector<1x1x128xi32>,
    %reduce_sum3A_276 = arith.constant dense<0.000000e+00> : vector<128xf32>
    %reduce_sum3A_277 = vector.multi_reduction <add>, %slice3A_259, %reduce_sum3A_276 [1] : vector<128x128xf32> to vector<128xf32>
    %broadcast_in_dim3A_278 = vector.shape_cast %reduce_sum3A_277 : vector<128xf32> to vector<128x1xf32>
    %add3A_279 = arith.addf %add3A_258, %broadcast_in_dim3A_278 : vector<128x1xf32>
    %slice3A_280 = vector.extract_strided_slice %convert_element_type3A_12 {offsets = [0, 1536], sizes = [128, 128], strides = [1, 1]} : vector<128x2048xf32> to vector<128x128xf32>
    %dot_general3A_281 = arith.constant dense<0.000000e+00> : vector<128x128xf32>
    %dot_general3A_282 = tpu.matmul %slice3A_280, %convert_element_type3A_1, %dot_general3A_281 {dimension_numbers = #tpu.dot_dimension_numbers<[1], [0], [0], [1], [0, 0, 1, 1], [], []>, transpose_lhs_hint = false} : vector<128x128xf32>, vector<128x128xf32>, vector<128x128xf32> -> vector<128x128xf32>
    %add3A_283 = vector.broadcast %add3A_279 : vector<128x1xf32> to vector<128x128xf32>
    %add3A_284 = arith.addf %dot_general3A_282, %add3A_283 : vector<128x128xf32>
    %mul3A_285 = arith.mulf %slice3A_280, %add3A_284 : vector<128x128xf32>
    %reduce_sum3A_286 = arith.constant dense<0.000000e+00> : vector<128xf32>
    %reduce_sum3A_287 = vector.multi_reduction <add>, %mul3A_285, %reduce_sum3A_286 [0] : vector<128x128xf32> to vector<128xf32>
    %convert_element_type3A_288 = arith.fptosi %reduce_sum3A_287 : vector<128xf32> to vector<128xi32>
    %add3A_289 = vector.broadcast %add3A_30 : i32 to vector<128xi32>
    %add3A_290 = arith.addi %convert_element_type3A_288, %add3A_289 : vector<128xi32>
    %swap3A_291 = arith.constant 0 : index
    %swap3A_292 = arith.constant 0 : index
    %swap3A_293 = arith.constant 1536 : index
    %swap3A_294 = vector.load %arg2[%swap3A_291, %swap3A_292, %swap3A_293] : memref<1x4x2048xi32, #tpu.memory_space<vmem>>, vector<1x1x128xi32>
    %swap3A_295 = vector.shape_cast %swap3A_294 : vector<1x1x128xi32> to vector<128xi32>
    %swap3A_296 = vector.shape_cast %add3A_290 : vector<128xi32> to vector<1x1x128xi32>
    tpu.vector_store %arg2[%swap3A_291, %swap3A_292, %swap3A_293], %swap3A_296 {strides = array<i32>} : memref<1x4x2048xi32, #tpu.memory_space<vmem>>, vector<1x1x128xi32>,
    %reduce_sum3A_297 = arith.constant dense<0.000000e+00> : vector<128xf32>
    %reduce_sum3A_298 = vector.multi_reduction <add>, %slice3A_280, %reduce_sum3A_297 [1] : vector<128x128xf32> to vector<128xf32>
    %broadcast_in_dim3A_299 = vector.shape_cast %reduce_sum3A_298 : vector<128xf32> to vector<128x1xf32>
    %add3A_300 = arith.addf %add3A_279, %broadcast_in_dim3A_299 : vector<128x1xf32>
    %slice3A_301 = vector.extract_strided_slice %convert_element_type3A_12 {offsets = [0, 1664], sizes = [128, 128], strides = [1, 1]} : vector<128x2048xf32> to vector<128x128xf32>
    %dot_general3A_302 = arith.constant dense<0.000000e+00> : vector<128x128xf32>
    %dot_general3A_303 = tpu.matmul %slice3A_301, %convert_element_type3A_1, %dot_general3A_302 {dimension_numbers = #tpu.dot_dimension_numbers<[1], [0], [0], [1], [0, 0, 1, 1], [], []>, transpose_lhs_hint = false} : vector<128x128xf32>, vector<128x128xf32>, vector<128x128xf32> -> vector<128x128xf32>
    %add3A_304 = vector.broadcast %add3A_300 : vector<128x1xf32> to vector<128x128xf32>
    %add3A_305 = arith.addf %dot_general3A_303, %add3A_304 : vector<128x128xf32>
    %mul3A_306 = arith.mulf %slice3A_301, %add3A_305 : vector<128x128xf32>
    %reduce_sum3A_307 = arith.constant dense<0.000000e+00> : vector<128xf32>
    %reduce_sum3A_308 = vector.multi_reduction <add>, %mul3A_306, %reduce_sum3A_307 [0] : vector<128x128xf32> to vector<128xf32>
    %convert_element_type3A_309 = arith.fptosi %reduce_sum3A_308 : vector<128xf32> to vector<128xi32>
    %add3A_310 = vector.broadcast %add3A_30 : i32 to vector<128xi32>
    %add3A_311 = arith.addi %convert_element_type3A_309, %add3A_310 : vector<128xi32>
    %swap3A_312 = arith.constant 0 : index
    %swap3A_313 = arith.constant 0 : index
    %swap3A_314 = arith.constant 1664 : index
    %swap3A_315 = vector.load %arg2[%swap3A_312, %swap3A_313, %swap3A_314] : memref<1x4x2048xi32, #tpu.memory_space<vmem>>, vector<1x1x128xi32>
    %swap3A_316 = vector.shape_cast %swap3A_315 : vector<1x1x128xi32> to vector<128xi32>
    %swap3A_317 = vector.shape_cast %add3A_311 : vector<128xi32> to vector<1x1x128xi32>
    tpu.vector_store %arg2[%swap3A_312, %swap3A_313, %swap3A_314], %swap3A_317 {strides = array<i32>} : memref<1x4x2048xi32, #tpu.memory_space<vmem>>, vector<1x1x128xi32>,
    %reduce_sum3A_318 = arith.constant dense<0.000000e+00> : vector<128xf32>
    %reduce_sum3A_319 = vector.multi_reduction <add>, %slice3A_301, %reduce_sum3A_318 [1] : vector<128x128xf32> to vector<128xf32>
    %broadcast_in_dim3A_320 = vector.shape_cast %reduce_sum3A_319 : vector<128xf32> to vector<128x1xf32>
    %add3A_321 = arith.addf %add3A_300, %broadcast_in_dim3A_320 : vector<128x1xf32>
    %slice3A_322 = vector.extract_strided_slice %convert_element_type3A_12 {offsets = [0, 1792], sizes = [128, 128], strides = [1, 1]} : vector<128x2048xf32> to vector<128x128xf32>
    %dot_general3A_323 = arith.constant dense<0.000000e+00> : vector<128x128xf32>
    %dot_general3A_324 = tpu.matmul %slice3A_322, %convert_element_type3A_1, %dot_general3A_323 {dimension_numbers = #tpu.dot_dimension_numbers<[1], [0], [0], [1], [0, 0, 1, 1], [], []>, transpose_lhs_hint = false} : vector<128x128xf32>, vector<128x128xf32>, vector<128x128xf32> -> vector<128x128xf32>
    %add3A_325 = vector.broadcast %add3A_321 : vector<128x1xf32> to vector<128x128xf32>
    %add3A_326 = arith.addf %dot_general3A_324, %add3A_325 : vector<128x128xf32>
    %mul3A_327 = arith.mulf %slice3A_322, %add3A_326 : vector<128x128xf32>
    %reduce_sum3A_328 = arith.constant dense<0.000000e+00> : vector<128xf32>
    %reduce_sum3A_329 = vector.multi_reduction <add>, %mul3A_327, %reduce_sum3A_328 [0] : vector<128x128xf32> to vector<128xf32>
    %convert_element_type3A_330 = arith.fptosi %reduce_sum3A_329 : vector<128xf32> to vector<128xi32>
    %add3A_331 = vector.broadcast %add3A_30 : i32 to vector<128xi32>
    %add3A_332 = arith.addi %convert_element_type3A_330, %add3A_331 : vector<128xi32>
    %swap3A_333 = arith.constant 0 : index
    %swap3A_334 = arith.constant 0 : index
    %swap3A_335 = arith.constant 1792 : index
    %swap3A_336 = vector.load %arg2[%swap3A_333, %swap3A_334, %swap3A_335] : memref<1x4x2048xi32, #tpu.memory_space<vmem>>, vector<1x1x128xi32>
    %swap3A_337 = vector.shape_cast %swap3A_336 : vector<1x1x128xi32> to vector<128xi32>
    %swap3A_338 = vector.shape_cast %add3A_332 : vector<128xi32> to vector<1x1x128xi32>
    tpu.vector_store %arg2[%swap3A_333, %swap3A_334, %swap3A_335], %swap3A_338 {strides = array<i32>} : memref<1x4x2048xi32, #tpu.memory_space<vmem>>, vector<1x1x128xi32>,
    %reduce_sum3A_339 = arith.constant dense<0.000000e+00> : vector<128xf32>
    %reduce_sum3A_340 = vector.multi_reduction <add>, %slice3A_322, %reduce_sum3A_339 [1] : vector<128x128xf32> to vector<128xf32>
    %broadcast_in_dim3A_341 = vector.shape_cast %reduce_sum3A_340 : vector<128xf32> to vector<128x1xf32>
    %add3A_342 = arith.addf %add3A_321, %broadcast_in_dim3A_341 : vector<128x1xf32>
    %slice3A_343 = vector.extract_strided_slice %convert_element_type3A_12 {offsets = [0, 1920], sizes = [128, 128], strides = [1, 1]} : vector<128x2048xf32> to vector<128x128xf32>
    %dot_general3A_344 = arith.constant dense<0.000000e+00> : vector<128x128xf32>
    %dot_general3A_345 = tpu.matmul %slice3A_343, %convert_element_type3A_1, %dot_general3A_344 {dimension_numbers = #tpu.dot_dimension_numbers<[1], [0], [0], [1], [0, 0, 1, 1], [], []>, transpose_lhs_hint = false} : vector<128x128xf32>, vector<128x128xf32>, vector<128x128xf32> -> vector<128x128xf32>
    %add3A_346 = vector.broadcast %add3A_342 : vector<128x1xf32> to vector<128x128xf32>
    %add3A_347 = arith.addf %dot_general3A_345, %add3A_346 : vector<128x128xf32>
    %mul3A_348 = arith.mulf %slice3A_343, %add3A_347 : vector<128x128xf32>
    %reduce_sum3A_349 = arith.constant dense<0.000000e+00> : vector<128xf32>
    %reduce_sum3A_350 = vector.multi_reduction <add>, %mul3A_348, %reduce_sum3A_349 [0] : vector<128x128xf32> to vector<128xf32>
    %convert_element_type3A_351 = arith.fptosi %reduce_sum3A_350 : vector<128xf32> to vector<128xi32>
    %add3A_352 = vector.broadcast %add3A_30 : i32 to vector<128xi32>
    %add3A_353 = arith.addi %convert_element_type3A_351, %add3A_352 : vector<128xi32>
    %swap3A_354 = arith.constant 0 : index
    %swap3A_355 = arith.constant 0 : index
    %swap3A_356 = arith.constant 1920 : index
    %swap3A_357 = vector.load %arg2[%swap3A_354, %swap3A_355, %swap3A_356] : memref<1x4x2048xi32, #tpu.memory_space<vmem>>, vector<1x1x128xi32>
    %swap3A_358 = vector.shape_cast %swap3A_357 : vector<1x1x128xi32> to vector<128xi32>
    %swap3A_359 = vector.shape_cast %add3A_353 : vector<128xi32> to vector<1x1x128xi32>
    tpu.vector_store %arg2[%swap3A_354, %swap3A_355, %swap3A_356], %swap3A_359 {strides = array<i32>} : memref<1x4x2048xi32, #tpu.memory_space<vmem>>, vector<1x1x128xi32>,
    %get3A_360 = arith.constant 0 : index
    %get3A_361 = arith.constant 1 : index
    %get3A_362 = arith.constant 0 : index
    %get3A_363 = vector.load %arg1[%get3A_360, %get3A_361, %get3A_362] : memref<1x4x2048xi32, #tpu.memory_space<vmem>>, vector<1x1x2048xi32>
    %get3A_364 = vector.shape_cast %get3A_363 : vector<1x1x2048xi32> to vector<2048xi32>
    %broadcast_in_dim3A_365 = vector.shape_cast %get3A_364 : vector<2048xi32> to vector<1x2048xi32>
    %broadcast_in_dim3A_366 = vector.shape_cast %broadcast_in_dim3A_365 : vector<1x2048xi32> to vector<1x2048xi32>
    %broadcast_in_dim3A_367 = vector.broadcast %broadcast_in_dim3A_366 : vector<1x2048xi32> to vector<128x2048xi32>
    %add3A_368 = arith.constant 64 : i32
    %add3A_369 = vector.broadcast %add3A_368 : i32 to vector<128x2048xi32>
    %add3A_370 = arith.addi %iota3A_2, %add3A_369 : vector<128x2048xi32>
    %eq3A_371 = arith.cmpi eq, %broadcast_in_dim3A_367, %add3A_370 : vector<128x2048xi32>
    %convert_element_type3A_372 = arith.extui %eq3A_371 : vector<128x2048xi1> to vector<128x2048xi32>
    %convert_element_type3A_373 = arith.sitofp %convert_element_type3A_372 : vector<128x2048xi32> to vector<128x2048xf32>
    %gt3A_374 = arith.cmpi sgt, %add3A_370, %broadcast_in_dim3A_367 : vector<128x2048xi32>
    %convert_element_type3A_375 = arith.extui %gt3A_374 : vector<128x2048xi1> to vector<128x2048xi32>
    %convert_element_type3A_376 = arith.sitofp %convert_element_type3A_375 : vector<128x2048xi32> to vector<128x2048xf32>
    %reduce_sum3A_377 = arith.constant dense<0.000000e+00> : vector<128xf32>
    %reduce_sum3A_378 = vector.multi_reduction <add>, %convert_element_type3A_376, %reduce_sum3A_377 [1] : vector<128x2048xf32> to vector<128xf32>
    %broadcast_in_dim3A_379 = vector.shape_cast %reduce_sum3A_378 : vector<128xf32> to vector<128x1xf32>
    %jit3A_380 = arith.constant 64 : i32
    %eq3A_381 = arith.constant 0 : i32
    %eq3A_382 = arith.cmpi eq, %jit3A_380, %eq3A_381 : i32
    %jit3A_383 = arith.constant 1 : i32
    %select_n3A_384 = arith.select %eq3A_382, %jit3A_383, %jit3A_380 : i32
    %rem3A_385 = arith.remsi %arg0, %select_n3A_384 : i32
    %ne3A_386 = arith.constant 0 : i32
    %ne3A_387 = arith.cmpi ne, %rem3A_385, %ne3A_386 : i32
    %lt3A_388 = arith.constant 0 : i32
    %lt3A_389 = arith.cmpi slt, %rem3A_385, %lt3A_388 : i32
    %lt3A_390 = arith.constant 0 : i32
    %lt3A_391 = arith.cmpi slt, %select_n3A_384, %lt3A_390 : i32
    %ne3A_392 = arith.xori %lt3A_389, %lt3A_391 : i1
    %and3A_393 = arith.andi %ne3A_392, %ne3A_387 : i1
    %add3A_394 = arith.addi %rem3A_385, %select_n3A_384 : i32
    %select_n3A_395 = arith.select %and3A_393, %add3A_394, %rem3A_385 : i32
    %mul3A_396 = arith.constant 8192 : i32
    %mul3A_397 = arith.muli %select_n3A_395, %mul3A_396 : i32
    %add3A_398 = arith.constant 2048 : i32
    %add3A_399 = arith.addi %mul3A_397, %add3A_398 : i32
    %slice3A_400 = vector.extract_strided_slice %convert_element_type3A_373 {offsets = [0, 0], sizes = [128, 128], strides = [1, 1]} : vector<128x2048xf32> to vector<128x128xf32>
    %dot_general3A_401 = arith.constant dense<0.000000e+00> : vector<128x128xf32>
    %dot_general3A_402 = tpu.matmul %slice3A_400, %convert_element_type3A_1, %dot_general3A_401 {dimension_numbers = #tpu.dot_dimension_numbers<[1], [0], [0], [1], [0, 0, 1, 1], [], []>, transpose_lhs_hint = false} : vector<128x128xf32>, vector<128x128xf32>, vector<128x128xf32> -> vector<128x128xf32>
    %add3A_403 = vector.broadcast %broadcast_in_dim3A_379 : vector<128x1xf32> to vector<128x128xf32>
    %add3A_404 = arith.addf %dot_general3A_402, %add3A_403 : vector<128x128xf32>
    %mul3A_405 = arith.mulf %slice3A_400, %add3A_404 : vector<128x128xf32>
    %reduce_sum3A_406 = arith.constant dense<0.000000e+00> : vector<128xf32>
    %reduce_sum3A_407 = vector.multi_reduction <add>, %mul3A_405, %reduce_sum3A_406 [0] : vector<128x128xf32> to vector<128xf32>
    %convert_element_type3A_408 = arith.fptosi %reduce_sum3A_407 : vector<128xf32> to vector<128xi32>
    %add3A_409 = vector.broadcast %add3A_399 : i32 to vector<128xi32>
    %add3A_410 = arith.addi %convert_element_type3A_408, %add3A_409 : vector<128xi32>
    %swap3A_411 = arith.constant 0 : index
    %swap3A_412 = arith.constant 1 : index
    %swap3A_413 = arith.constant 0 : index
    %swap3A_414 = vector.load %arg2[%swap3A_411, %swap3A_412, %swap3A_413] : memref<1x4x2048xi32, #tpu.memory_space<vmem>>, vector<1x1x128xi32>
    %swap3A_415 = vector.shape_cast %swap3A_414 : vector<1x1x128xi32> to vector<128xi32>
    %swap3A_416 = vector.shape_cast %add3A_410 : vector<128xi32> to vector<1x1x128xi32>
    tpu.vector_store %arg2[%swap3A_411, %swap3A_412, %swap3A_413], %swap3A_416 {strides = array<i32>} : memref<1x4x2048xi32, #tpu.memory_space<vmem>>, vector<1x1x128xi32>,
    %reduce_sum3A_417 = arith.constant dense<0.000000e+00> : vector<128xf32>
    %reduce_sum3A_418 = vector.multi_reduction <add>, %slice3A_400, %reduce_sum3A_417 [1] : vector<128x128xf32> to vector<128xf32>
    %broadcast_in_dim3A_419 = vector.shape_cast %reduce_sum3A_418 : vector<128xf32> to vector<128x1xf32>
    %add3A_420 = arith.addf %broadcast_in_dim3A_379, %broadcast_in_dim3A_419 : vector<128x1xf32>
    %slice3A_421 = vector.extract_strided_slice %convert_element_type3A_373 {offsets = [0, 128], sizes = [128, 128], strides = [1, 1]} : vector<128x2048xf32> to vector<128x128xf32>
    %dot_general3A_422 = arith.constant dense<0.000000e+00> : vector<128x128xf32>
    %dot_general3A_423 = tpu.matmul %slice3A_421, %convert_element_type3A_1, %dot_general3A_422 {dimension_numbers = #tpu.dot_dimension_numbers<[1], [0], [0], [1], [0, 0, 1, 1], [], []>, transpose_lhs_hint = false} : vector<128x128xf32>, vector<128x128xf32>, vector<128x128xf32> -> vector<128x128xf32>
    %add3A_424 = vector.broadcast %add3A_420 : vector<128x1xf32> to vector<128x128xf32>
    %add3A_425 = arith.addf %dot_general3A_423, %add3A_424 : vector<128x128xf32>
    %mul3A_426 = arith.mulf %slice3A_421, %add3A_425 : vector<128x128xf32>
    %reduce_sum3A_427 = arith.constant dense<0.000000e+00> : vector<128xf32>
    %reduce_sum3A_428 = vector.multi_reduction <add>, %mul3A_426, %reduce_sum3A_427 [0] : vector<128x128xf32> to vector<128xf32>
    %convert_element_type3A_429 = arith.fptosi %reduce_sum3A_428 : vector<128xf32> to vector<128xi32>
    %add3A_430 = vector.broadcast %add3A_399 : i32 to vector<128xi32>
    %add3A_431 = arith.addi %convert_element_type3A_429, %add3A_430 : vector<128xi32>
    %swap3A_432 = arith.constant 0 : index
    %swap3A_433 = arith.constant 1 : index
    %swap3A_434 = arith.constant 128 : index
    %swap3A_435 = vector.load %arg2[%swap3A_432, %swap3A_433, %swap3A_434] : memref<1x4x2048xi32, #tpu.memory_space<vmem>>, vector<1x1x128xi32>
    %swap3A_436 = vector.shape_cast %swap3A_435 : vector<1x1x128xi32> to vector<128xi32>
    %swap3A_437 = vector.shape_cast %add3A_431 : vector<128xi32> to vector<1x1x128xi32>
    tpu.vector_store %arg2[%swap3A_432, %swap3A_433, %swap3A_434], %swap3A_437 {strides = array<i32>} : memref<1x4x2048xi32, #tpu.memory_space<vmem>>, vector<1x1x128xi32>,
    %reduce_sum3A_438 = arith.constant dense<0.000000e+00> : vector<128xf32>
    %reduce_sum3A_439 = vector.multi_reduction <add>, %slice3A_421, %reduce_sum3A_438 [1] : vector<128x128xf32> to vector<128xf32>
    %broadcast_in_dim3A_440 = vector.shape_cast %reduce_sum3A_439 : vector<128xf32> to vector<128x1xf32>
    %add3A_441 = arith.addf %add3A_420, %broadcast_in_dim3A_440 : vector<128x1xf32>
    %slice3A_442 = vector.extract_strided_slice %convert_element_type3A_373 {offsets = [0, 256], sizes = [128, 128], strides = [1, 1]} : vector<128x2048xf32> to vector<128x128xf32>
    %dot_general3A_443 = arith.constant dense<0.000000e+00> : vector<128x128xf32>
    %dot_general3A_444 = tpu.matmul %slice3A_442, %convert_element_type3A_1, %dot_general3A_443 {dimension_numbers = #tpu.dot_dimension_numbers<[1], [0], [0], [1], [0, 0, 1, 1], [], []>, transpose_lhs_hint = false} : vector<128x128xf32>, vector<128x128xf32>, vector<128x128xf32> -> vector<128x128xf32>
    %add3A_445 = vector.broadcast %add3A_441 : vector<128x1xf32> to vector<128x128xf32>
    %add3A_446 = arith.addf %dot_general3A_444, %add3A_445 : vector<128x128xf32>
    %mul3A_447 = arith.mulf %slice3A_442, %add3A_446 : vector<128x128xf32>
    %reduce_sum3A_448 = arith.constant dense<0.000000e+00> : vector<128xf32>
    %reduce_sum3A_449 = vector.multi_reduction <add>, %mul3A_447, %reduce_sum3A_448 [0] : vector<128x128xf32> to vector<128xf32>
    %convert_element_type3A_450 = arith.fptosi %reduce_sum3A_449 : vector<128xf32> to vector<128xi32>
    %add3A_451 = vector.broadcast %add3A_399 : i32 to vector<128xi32>
    %add3A_452 = arith.addi %convert_element_type3A_450, %add3A_451 : vector<128xi32>
    %swap3A_453 = arith.constant 0 : index
    %swap3A_454 = arith.constant 1 : index
    %swap3A_455 = arith.constant 256 : index
    %swap3A_456 = vector.load %arg2[%swap3A_453, %swap3A_454, %swap3A_455] : memref<1x4x2048xi32, #tpu.memory_space<vmem>>, vector<1x1x128xi32>
    %swap3A_457 = vector.shape_cast %swap3A_456 : vector<1x1x128xi32> to vector<128xi32>
    %swap3A_458 = vector.shape_cast %add3A_452 : vector<128xi32> to vector<1x1x128xi32>
    tpu.vector_store %arg2[%swap3A_453, %swap3A_454, %swap3A_455], %swap3A_458 {strides = array<i32>} : memref<1x4x2048xi32, #tpu.memory_space<vmem>>, vector<1x1x128xi32>,
    %reduce_sum3A_459 = arith.constant dense<0.000000e+00> : vector<128xf32>
    %reduce_sum3A_460 = vector.multi_reduction <add>, %slice3A_442, %reduce_sum3A_459 [1] : vector<128x128xf32> to vector<128xf32>
    %broadcast_in_dim3A_461 = vector.shape_cast %reduce_sum3A_460 : vector<128xf32> to vector<128x1xf32>
    %add3A_462 = arith.addf %add3A_441, %broadcast_in_dim3A_461 : vector<128x1xf32>
    %slice3A_463 = vector.extract_strided_slice %convert_element_type3A_373 {offsets = [0, 384], sizes = [128, 128], strides = [1, 1]} : vector<128x2048xf32> to vector<128x128xf32>
    %dot_general3A_464 = arith.constant dense<0.000000e+00> : vector<128x128xf32>
    %dot_general3A_465 = tpu.matmul %slice3A_463, %convert_element_type3A_1, %dot_general3A_464 {dimension_numbers = #tpu.dot_dimension_numbers<[1], [0], [0], [1], [0, 0, 1, 1], [], []>, transpose_lhs_hint = false} : vector<128x128xf32>, vector<128x128xf32>, vector<128x128xf32> -> vector<128x128xf32>
    %add3A_466 = vector.broadcast %add3A_462 : vector<128x1xf32> to vector<128x128xf32>
    %add3A_467 = arith.addf %dot_general3A_465, %add3A_466 : vector<128x128xf32>
    %mul3A_468 = arith.mulf %slice3A_463, %add3A_467 : vector<128x128xf32>
    %reduce_sum3A_469 = arith.constant dense<0.000000e+00> : vector<128xf32>
    %reduce_sum3A_470 = vector.multi_reduction <add>, %mul3A_468, %reduce_sum3A_469 [0] : vector<128x128xf32> to vector<128xf32>
    %convert_element_type3A_471 = arith.fptosi %reduce_sum3A_470 : vector<128xf32> to vector<128xi32>
    %add3A_472 = vector.broadcast %add3A_399 : i32 to vector<128xi32>
    %add3A_473 = arith.addi %convert_element_type3A_471, %add3A_472 : vector<128xi32>
    %swap3A_474 = arith.constant 0 : index
    %swap3A_475 = arith.constant 1 : index
    %swap3A_476 = arith.constant 384 : index
    %swap3A_477 = vector.load %arg2[%swap3A_474, %swap3A_475, %swap3A_476] : memref<1x4x2048xi32, #tpu.memory_space<vmem>>, vector<1x1x128xi32>
    %swap3A_478 = vector.shape_cast %swap3A_477 : vector<1x1x128xi32> to vector<128xi32>
    %swap3A_479 = vector.shape_cast %add3A_473 : vector<128xi32> to vector<1x1x128xi32>
    tpu.vector_store %arg2[%swap3A_474, %swap3A_475, %swap3A_476], %swap3A_479 {strides = array<i32>} : memref<1x4x2048xi32, #tpu.memory_space<vmem>>, vector<1x1x128xi32>,
    %reduce_sum3A_480 = arith.constant dense<0.000000e+00> : vector<128xf32>
    %reduce_sum3A_481 = vector.multi_reduction <add>, %slice3A_463, %reduce_sum3A_480 [1] : vector<128x128xf32> to vector<128xf32>
    %broadcast_in_dim3A_482 = vector.shape_cast %reduce_sum3A_481 : vector<128xf32> to vector<128x1xf32>
    %add3A_483 = arith.addf %add3A_462, %broadcast_in_dim3A_482 : vector<128x1xf32>
    %slice3A_484 = vector.extract_strided_slice %convert_element_type3A_373 {offsets = [0, 512], sizes = [128, 128], strides = [1, 1]} : vector<128x2048xf32> to vector<128x128xf32>
    %dot_general3A_485 = arith.constant dense<0.000000e+00> : vector<128x128xf32>
    %dot_general3A_486 = tpu.matmul %slice3A_484, %convert_element_type3A_1, %dot_general3A_485 {dimension_numbers = #tpu.dot_dimension_numbers<[1], [0], [0], [1], [0, 0, 1, 1], [], []>, transpose_lhs_hint = false} : vector<128x128xf32>, vector<128x128xf32>, vector<128x128xf32> -> vector<128x128xf32>
    %add3A_487 = vector.broadcast %add3A_483 : vector<128x1xf32> to vector<128x128xf32>
    %add3A_488 = arith.addf %dot_general3A_486, %add3A_487 : vector<128x128xf32>
    %mul3A_489 = arith.mulf %slice3A_484, %add3A_488 : vector<128x128xf32>
    %reduce_sum3A_490 = arith.constant dense<0.000000e+00> : vector<128xf32>
    %reduce_sum3A_491 = vector.multi_reduction <add>, %mul3A_489, %reduce_sum3A_490 [0] : vector<128x128xf32> to vector<128xf32>
    %convert_element_type3A_492 = arith.fptosi %reduce_sum3A_491 : vector<128xf32> to vector<128xi32>
    %add3A_493 = vector.broadcast %add3A_399 : i32 to vector<128xi32>
    %add3A_494 = arith.addi %convert_element_type3A_492, %add3A_493 : vector<128xi32>
    %swap3A_495 = arith.constant 0 : index
    %swap3A_496 = arith.constant 1 : index
    %swap3A_497 = arith.constant 512 : index
    %swap3A_498 = vector.load %arg2[%swap3A_495, %swap3A_496, %swap3A_497] : memref<1x4x2048xi32, #tpu.memory_space<vmem>>, vector<1x1x128xi32>
    %swap3A_499 = vector.shape_cast %swap3A_498 : vector<1x1x128xi32> to vector<128xi32>
    %swap3A_500 = vector.shape_cast %add3A_494 : vector<128xi32> to vector<1x1x128xi32>
    tpu.vector_store %arg2[%swap3A_495, %swap3A_496, %swap3A_497], %swap3A_500 {strides = array<i32>} : memref<1x4x2048xi32, #tpu.memory_space<vmem>>, vector<1x1x128xi32>,
    %reduce_sum3A_501 = arith.constant dense<0.000000e+00> : vector<128xf32>
    %reduce_sum3A_502 = vector.multi_reduction <add>, %slice3A_484, %reduce_sum3A_501 [1] : vector<128x128xf32> to vector<128xf32>
    %broadcast_in_dim3A_503 = vector.shape_cast %reduce_sum3A_502 : vector<128xf32> to vector<128x1xf32>
    %add3A_504 = arith.addf %add3A_483, %broadcast_in_dim3A_503 : vector<128x1xf32>
    %slice3A_505 = vector.extract_strided_slice %convert_element_type3A_373 {offsets = [0, 640], sizes = [128, 128], strides = [1, 1]} : vector<128x2048xf32> to vector<128x128xf32>
    %dot_general3A_506 = arith.constant dense<0.000000e+00> : vector<128x128xf32>
    %dot_general3A_507 = tpu.matmul %slice3A_505, %convert_element_type3A_1, %dot_general3A_506 {dimension_numbers = #tpu.dot_dimension_numbers<[1], [0], [0], [1], [0, 0, 1, 1], [], []>, transpose_lhs_hint = false} : vector<128x128xf32>, vector<128x128xf32>, vector<128x128xf32> -> vector<128x128xf32>
    %add3A_508 = vector.broadcast %add3A_504 : vector<128x1xf32> to vector<128x128xf32>
    %add3A_509 = arith.addf %dot_general3A_507, %add3A_508 : vector<128x128xf32>
    %mul3A_510 = arith.mulf %slice3A_505, %add3A_509 : vector<128x128xf32>
    %reduce_sum3A_511 = arith.constant dense<0.000000e+00> : vector<128xf32>
    %reduce_sum3A_512 = vector.multi_reduction <add>, %mul3A_510, %reduce_sum3A_511 [0] : vector<128x128xf32> to vector<128xf32>
    %convert_element_type3A_513 = arith.fptosi %reduce_sum3A_512 : vector<128xf32> to vector<128xi32>
    %add3A_514 = vector.broadcast %add3A_399 : i32 to vector<128xi32>
    %add3A_515 = arith.addi %convert_element_type3A_513, %add3A_514 : vector<128xi32>
    %swap3A_516 = arith.constant 0 : index
    %swap3A_517 = arith.constant 1 : index
    %swap3A_518 = arith.constant 640 : index
    %swap3A_519 = vector.load %arg2[%swap3A_516, %swap3A_517, %swap3A_518] : memref<1x4x2048xi32, #tpu.memory_space<vmem>>, vector<1x1x128xi32>
    %swap3A_520 = vector.shape_cast %swap3A_519 : vector<1x1x128xi32> to vector<128xi32>
    %swap3A_521 = vector.shape_cast %add3A_515 : vector<128xi32> to vector<1x1x128xi32>
    tpu.vector_store %arg2[%swap3A_516, %swap3A_517, %swap3A_518], %swap3A_521 {strides = array<i32>} : memref<1x4x2048xi32, #tpu.memory_space<vmem>>, vector<1x1x128xi32>,
    %reduce_sum3A_522 = arith.constant dense<0.000000e+00> : vector<128xf32>
    %reduce_sum3A_523 = vector.multi_reduction <add>, %slice3A_505, %reduce_sum3A_522 [1] : vector<128x128xf32> to vector<128xf32>
    %broadcast_in_dim3A_524 = vector.shape_cast %reduce_sum3A_523 : vector<128xf32> to vector<128x1xf32>
    %add3A_525 = arith.addf %add3A_504, %broadcast_in_dim3A_524 : vector<128x1xf32>
    %slice3A_526 = vector.extract_strided_slice %convert_element_type3A_373 {offsets = [0, 768], sizes = [128, 128], strides = [1, 1]} : vector<128x2048xf32> to vector<128x128xf32>
    %dot_general3A_527 = arith.constant dense<0.000000e+00> : vector<128x128xf32>
    %dot_general3A_528 = tpu.matmul %slice3A_526, %convert_element_type3A_1, %dot_general3A_527 {dimension_numbers = #tpu.dot_dimension_numbers<[1], [0], [0], [1], [0, 0, 1, 1], [], []>, transpose_lhs_hint = false} : vector<128x128xf32>, vector<128x128xf32>, vector<128x128xf32> -> vector<128x128xf32>
    %add3A_529 = vector.broadcast %add3A_525 : vector<128x1xf32> to vector<128x128xf32>
    %add3A_530 = arith.addf %dot_general3A_528, %add3A_529 : vector<128x128xf32>
    %mul3A_531 = arith.mulf %slice3A_526, %add3A_530 : vector<128x128xf32>
    %reduce_sum3A_532 = arith.constant dense<0.000000e+00> : vector<128xf32>
    %reduce_sum3A_533 = vector.multi_reduction <add>, %mul3A_531, %reduce_sum3A_532 [0] : vector<128x128xf32> to vector<128xf32>
    %convert_element_type3A_534 = arith.fptosi %reduce_sum3A_533 : vector<128xf32> to vector<128xi32>
    %add3A_535 = vector.broadcast %add3A_399 : i32 to vector<128xi32>
    %add3A_536 = arith.addi %convert_element_type3A_534, %add3A_535 : vector<128xi32>
    %swap3A_537 = arith.constant 0 : index
    %swap3A_538 = arith.constant 1 : index
    %swap3A_539 = arith.constant 768 : index
    %swap3A_540 = vector.load %arg2[%swap3A_537, %swap3A_538, %swap3A_539] : memref<1x4x2048xi32, #tpu.memory_space<vmem>>, vector<1x1x128xi32>
    %swap3A_541 = vector.shape_cast %swap3A_540 : vector<1x1x128xi32> to vector<128xi32>
    %swap3A_542 = vector.shape_cast %add3A_536 : vector<128xi32> to vector<1x1x128xi32>
    tpu.vector_store %arg2[%swap3A_537, %swap3A_538, %swap3A_539], %swap3A_542 {strides = array<i32>} : memref<1x4x2048xi32, #tpu.memory_space<vmem>>, vector<1x1x128xi32>,
    %reduce_sum3A_543 = arith.constant dense<0.000000e+00> : vector<128xf32>
    %reduce_sum3A_544 = vector.multi_reduction <add>, %slice3A_526, %reduce_sum3A_543 [1] : vector<128x128xf32> to vector<128xf32>
    %broadcast_in_dim3A_545 = vector.shape_cast %reduce_sum3A_544 : vector<128xf32> to vector<128x1xf32>
    %add3A_546 = arith.addf %add3A_525, %broadcast_in_dim3A_545 : vector<128x1xf32>
    %slice3A_547 = vector.extract_strided_slice %convert_element_type3A_373 {offsets = [0, 896], sizes = [128, 128], strides = [1, 1]} : vector<128x2048xf32> to vector<128x128xf32>
    %dot_general3A_548 = arith.constant dense<0.000000e+00> : vector<128x128xf32>
    %dot_general3A_549 = tpu.matmul %slice3A_547, %convert_element_type3A_1, %dot_general3A_548 {dimension_numbers = #tpu.dot_dimension_numbers<[1], [0], [0], [1], [0, 0, 1, 1], [], []>, transpose_lhs_hint = false} : vector<128x128xf32>, vector<128x128xf32>, vector<128x128xf32> -> vector<128x128xf32>
    %add3A_550 = vector.broadcast %add3A_546 : vector<128x1xf32> to vector<128x128xf32>
    %add3A_551 = arith.addf %dot_general3A_549, %add3A_550 : vector<128x128xf32>
    %mul3A_552 = arith.mulf %slice3A_547, %add3A_551 : vector<128x128xf32>
    %reduce_sum3A_553 = arith.constant dense<0.000000e+00> : vector<128xf32>
    %reduce_sum3A_554 = vector.multi_reduction <add>, %mul3A_552, %reduce_sum3A_553 [0] : vector<128x128xf32> to vector<128xf32>
    %convert_element_type3A_555 = arith.fptosi %reduce_sum3A_554 : vector<128xf32> to vector<128xi32>
    %add3A_556 = vector.broadcast %add3A_399 : i32 to vector<128xi32>
    %add3A_557 = arith.addi %convert_element_type3A_555, %add3A_556 : vector<128xi32>
    %swap3A_558 = arith.constant 0 : index
    %swap3A_559 = arith.constant 1 : index
    %swap3A_560 = arith.constant 896 : index
    %swap3A_561 = vector.load %arg2[%swap3A_558, %swap3A_559, %swap3A_560] : memref<1x4x2048xi32, #tpu.memory_space<vmem>>, vector<1x1x128xi32>
    %swap3A_562 = vector.shape_cast %swap3A_561 : vector<1x1x128xi32> to vector<128xi32>
    %swap3A_563 = vector.shape_cast %add3A_557 : vector<128xi32> to vector<1x1x128xi32>
    tpu.vector_store %arg2[%swap3A_558, %swap3A_559, %swap3A_560], %swap3A_563 {strides = array<i32>} : memref<1x4x2048xi32, #tpu.memory_space<vmem>>, vector<1x1x128xi32>,
    %reduce_sum3A_564 = arith.constant dense<0.000000e+00> : vector<128xf32>
    %reduce_sum3A_565 = vector.multi_reduction <add>, %slice3A_547, %reduce_sum3A_564 [1] : vector<128x128xf32> to vector<128xf32>
    %broadcast_in_dim3A_566 = vector.shape_cast %reduce_sum3A_565 : vector<128xf32> to vector<128x1xf32>
    %add3A_567 = arith.addf %add3A_546, %broadcast_in_dim3A_566 : vector<128x1xf32>
    %slice3A_568 = vector.extract_strided_slice %convert_element_type3A_373 {offsets = [0, 1024], sizes = [128, 128], strides = [1, 1]} : vector<128x2048xf32> to vector<128x128xf32>
    %dot_general3A_569 = arith.constant dense<0.000000e+00> : vector<128x128xf32>
    %dot_general3A_570 = tpu.matmul %slice3A_568, %convert_element_type3A_1, %dot_general3A_569 {dimension_numbers = #tpu.dot_dimension_numbers<[1], [0], [0], [1], [0, 0, 1, 1], [], []>, transpose_lhs_hint = false} : vector<128x128xf32>, vector<128x128xf32>, vector<128x128xf32> -> vector<128x128xf32>
    %add3A_571 = vector.broadcast %add3A_567 : vector<128x1xf32> to vector<128x128xf32>
    %add3A_572 = arith.addf %dot_general3A_570, %add3A_571 : vector<128x128xf32>
    %mul3A_573 = arith.mulf %slice3A_568, %add3A_572 : vector<128x128xf32>
    %reduce_sum3A_574 = arith.constant dense<0.000000e+00> : vector<128xf32>
    %reduce_sum3A_575 = vector.multi_reduction <add>, %mul3A_573, %reduce_sum3A_574 [0] : vector<128x128xf32> to vector<128xf32>
    %convert_element_type3A_576 = arith.fptosi %reduce_sum3A_575 : vector<128xf32> to vector<128xi32>
    %add3A_577 = vector.broadcast %add3A_399 : i32 to vector<128xi32>
    %add3A_578 = arith.addi %convert_element_type3A_576, %add3A_577 : vector<128xi32>
    %swap3A_579 = arith.constant 0 : index
    %swap3A_580 = arith.constant 1 : index
    %swap3A_581 = arith.constant 1024 : index
    %swap3A_582 = vector.load %arg2[%swap3A_579, %swap3A_580, %swap3A_581] : memref<1x4x2048xi32, #tpu.memory_space<vmem>>, vector<1x1x128xi32>
    %swap3A_583 = vector.shape_cast %swap3A_582 : vector<1x1x128xi32> to vector<128xi32>
    %swap3A_584 = vector.shape_cast %add3A_578 : vector<128xi32> to vector<1x1x128xi32>
    tpu.vector_store %arg2[%swap3A_579, %swap3A_580, %swap3A_581], %swap3A_584 {strides = array<i32>} : memref<1x4x2048xi32, #tpu.memory_space<vmem>>, vector<1x1x128xi32>,
    %reduce_sum3A_585 = arith.constant dense<0.000000e+00> : vector<128xf32>
    %reduce_sum3A_586 = vector.multi_reduction <add>, %slice3A_568, %reduce_sum3A_585 [1] : vector<128x128xf32> to vector<128xf32>
    %broadcast_in_dim3A_587 = vector.shape_cast %reduce_sum3A_586 : vector<128xf32> to vector<128x1xf32>
    %add3A_588 = arith.addf %add3A_567, %broadcast_in_dim3A_587 : vector<128x1xf32>
    %slice3A_589 = vector.extract_strided_slice %convert_element_type3A_373 {offsets = [0, 1152], sizes = [128, 128], strides = [1, 1]} : vector<128x2048xf32> to vector<128x128xf32>
    %dot_general3A_590 = arith.constant dense<0.000000e+00> : vector<128x128xf32>
    %dot_general3A_591 = tpu.matmul %slice3A_589, %convert_element_type3A_1, %dot_general3A_590 {dimension_numbers = #tpu.dot_dimension_numbers<[1], [0], [0], [1], [0, 0, 1, 1], [], []>, transpose_lhs_hint = false} : vector<128x128xf32>, vector<128x128xf32>, vector<128x128xf32> -> vector<128x128xf32>
    %add3A_592 = vector.broadcast %add3A_588 : vector<128x1xf32> to vector<128x128xf32>
    %add3A_593 = arith.addf %dot_general3A_591, %add3A_592 : vector<128x128xf32>
    %mul3A_594 = arith.mulf %slice3A_589, %add3A_593 : vector<128x128xf32>
    %reduce_sum3A_595 = arith.constant dense<0.000000e+00> : vector<128xf32>
    %reduce_sum3A_596 = vector.multi_reduction <add>, %mul3A_594, %reduce_sum3A_595 [0] : vector<128x128xf32> to vector<128xf32>
    %convert_element_type3A_597 = arith.fptosi %reduce_sum3A_596 : vector<128xf32> to vector<128xi32>
    %add3A_598 = vector.broadcast %add3A_399 : i32 to vector<128xi32>
    %add3A_599 = arith.addi %convert_element_type3A_597, %add3A_598 : vector<128xi32>
    %swap3A_600 = arith.constant 0 : index
    %swap3A_601 = arith.constant 1 : index
    %swap3A_602 = arith.constant 1152 : index
    %swap3A_603 = vector.load %arg2[%swap3A_600, %swap3A_601, %swap3A_602] : memref<1x4x2048xi32, #tpu.memory_space<vmem>>, vector<1x1x128xi32>
    %swap3A_604 = vector.shape_cast %swap3A_603 : vector<1x1x128xi32> to vector<128xi32>
    %swap3A_605 = vector.shape_cast %add3A_599 : vector<128xi32> to vector<1x1x128xi32>
    tpu.vector_store %arg2[%swap3A_600, %swap3A_601, %swap3A_602], %swap3A_605 {strides = array<i32>} : memref<1x4x2048xi32, #tpu.memory_space<vmem>>, vector<1x1x128xi32>,
    %reduce_sum3A_606 = arith.constant dense<0.000000e+00> : vector<128xf32>
    %reduce_sum3A_607 = vector.multi_reduction <add>, %slice3A_589, %reduce_sum3A_606 [1] : vector<128x128xf32> to vector<128xf32>
    %broadcast_in_dim3A_608 = vector.shape_cast %reduce_sum3A_607 : vector<128xf32> to vector<128x1xf32>
    %add3A_609 = arith.addf %add3A_588, %broadcast_in_dim3A_608 : vector<128x1xf32>
    %slice3A_610 = vector.extract_strided_slice %convert_element_type3A_373 {offsets = [0, 1280], sizes = [128, 128], strides = [1, 1]} : vector<128x2048xf32> to vector<128x128xf32>
    %dot_general3A_611 = arith.constant dense<0.000000e+00> : vector<128x128xf32>
    %dot_general3A_612 = tpu.matmul %slice3A_610, %convert_element_type3A_1, %dot_general3A_611 {dimension_numbers = #tpu.dot_dimension_numbers<[1], [0], [0], [1], [0, 0, 1, 1], [], []>, transpose_lhs_hint = false} : vector<128x128xf32>, vector<128x128xf32>, vector<128x128xf32> -> vector<128x128xf32>
    %add3A_613 = vector.broadcast %add3A_609 : vector<128x1xf32> to vector<128x128xf32>
    %add3A_614 = arith.addf %dot_general3A_612, %add3A_613 : vector<128x128xf32>
    %mul3A_615 = arith.mulf %slice3A_610, %add3A_614 : vector<128x128xf32>
    %reduce_sum3A_616 = arith.constant dense<0.000000e+00> : vector<128xf32>
    %reduce_sum3A_617 = vector.multi_reduction <add>, %mul3A_615, %reduce_sum3A_616 [0] : vector<128x128xf32> to vector<128xf32>
    %convert_element_type3A_618 = arith.fptosi %reduce_sum3A_617 : vector<128xf32> to vector<128xi32>
    %add3A_619 = vector.broadcast %add3A_399 : i32 to vector<128xi32>
    %add3A_620 = arith.addi %convert_element_type3A_618, %add3A_619 : vector<128xi32>
    %swap3A_621 = arith.constant 0 : index
    %swap3A_622 = arith.constant 1 : index
    %swap3A_623 = arith.constant 1280 : index
    %swap3A_624 = vector.load %arg2[%swap3A_621, %swap3A_622, %swap3A_623] : memref<1x4x2048xi32, #tpu.memory_space<vmem>>, vector<1x1x128xi32>
    %swap3A_625 = vector.shape_cast %swap3A_624 : vector<1x1x128xi32> to vector<128xi32>
    %swap3A_626 = vector.shape_cast %add3A_620 : vector<128xi32> to vector<1x1x128xi32>
    tpu.vector_store %arg2[%swap3A_621, %swap3A_622, %swap3A_623], %swap3A_626 {strides = array<i32>} : memref<1x4x2048xi32, #tpu.memory_space<vmem>>, vector<1x1x128xi32>,
    %reduce_sum3A_627 = arith.constant dense<0.000000e+00> : vector<128xf32>
    %reduce_sum3A_628 = vector.multi_reduction <add>, %slice3A_610, %reduce_sum3A_627 [1] : vector<128x128xf32> to vector<128xf32>
    %broadcast_in_dim3A_629 = vector.shape_cast %reduce_sum3A_628 : vector<128xf32> to vector<128x1xf32>
    %add3A_630 = arith.addf %add3A_609, %broadcast_in_dim3A_629 : vector<128x1xf32>
    %slice3A_631 = vector.extract_strided_slice %convert_element_type3A_373 {offsets = [0, 1408], sizes = [128, 128], strides = [1, 1]} : vector<128x2048xf32> to vector<128x128xf32>
    %dot_general3A_632 = arith.constant dense<0.000000e+00> : vector<128x128xf32>
    %dot_general3A_633 = tpu.matmul %slice3A_631, %convert_element_type3A_1, %dot_general3A_632 {dimension_numbers = #tpu.dot_dimension_numbers<[1], [0], [0], [1], [0, 0, 1, 1], [], []>, transpose_lhs_hint = false} : vector<128x128xf32>, vector<128x128xf32>, vector<128x128xf32> -> vector<128x128xf32>
    %add3A_634 = vector.broadcast %add3A_630 : vector<128x1xf32> to vector<128x128xf32>
    %add3A_635 = arith.addf %dot_general3A_633, %add3A_634 : vector<128x128xf32>
    %mul3A_636 = arith.mulf %slice3A_631, %add3A_635 : vector<128x128xf32>
    %reduce_sum3A_637 = arith.constant dense<0.000000e+00> : vector<128xf32>
    %reduce_sum3A_638 = vector.multi_reduction <add>, %mul3A_636, %reduce_sum3A_637 [0] : vector<128x128xf32> to vector<128xf32>
    %convert_element_type3A_639 = arith.fptosi %reduce_sum3A_638 : vector<128xf32> to vector<128xi32>
    %add3A_640 = vector.broadcast %add3A_399 : i32 to vector<128xi32>
    %add3A_641 = arith.addi %convert_element_type3A_639, %add3A_640 : vector<128xi32>
    %swap3A_642 = arith.constant 0 : index
    %swap3A_643 = arith.constant 1 : index
    %swap3A_644 = arith.constant 1408 : index
    %swap3A_645 = vector.load %arg2[%swap3A_642, %swap3A_643, %swap3A_644] : memref<1x4x2048xi32, #tpu.memory_space<vmem>>, vector<1x1x128xi32>
    %swap3A_646 = vector.shape_cast %swap3A_645 : vector<1x1x128xi32> to vector<128xi32>
    %swap3A_647 = vector.shape_cast %add3A_641 : vector<128xi32> to vector<1x1x128xi32>
    tpu.vector_store %arg2[%swap3A_642, %swap3A_643, %swap3A_644], %swap3A_647 {strides = array<i32>} : memref<1x4x2048xi32, #tpu.memory_space<vmem>>, vector<1x1x128xi32>,
    %reduce_sum3A_648 = arith.constant dense<0.000000e+00> : vector<128xf32>
    %reduce_sum3A_649 = vector.multi_reduction <add>, %slice3A_631, %reduce_sum3A_648 [1] : vector<128x128xf32> to vector<128xf32>
    %broadcast_in_dim3A_650 = vector.shape_cast %reduce_sum3A_649 : vector<128xf32> to vector<128x1xf32>
    %add3A_651 = arith.addf %add3A_630, %broadcast_in_dim3A_650 : vector<128x1xf32>
    %slice3A_652 = vector.extract_strided_slice %convert_element_type3A_373 {offsets = [0, 1536], sizes = [128, 128], strides = [1, 1]} : vector<128x2048xf32> to vector<128x128xf32>
    %dot_general3A_653 = arith.constant dense<0.000000e+00> : vector<128x128xf32>
    %dot_general3A_654 = tpu.matmul %slice3A_652, %convert_element_type3A_1, %dot_general3A_653 {dimension_numbers = #tpu.dot_dimension_numbers<[1], [0], [0], [1], [0, 0, 1, 1], [], []>, transpose_lhs_hint = false} : vector<128x128xf32>, vector<128x128xf32>, vector<128x128xf32> -> vector<128x128xf32>
    %add3A_655 = vector.broadcast %add3A_651 : vector<128x1xf32> to vector<128x128xf32>
    %add3A_656 = arith.addf %dot_general3A_654, %add3A_655 : vector<128x128xf32>
    %mul3A_657 = arith.mulf %slice3A_652, %add3A_656 : vector<128x128xf32>
    %reduce_sum3A_658 = arith.constant dense<0.000000e+00> : vector<128xf32>
    %reduce_sum3A_659 = vector.multi_reduction <add>, %mul3A_657, %reduce_sum3A_658 [0] : vector<128x128xf32> to vector<128xf32>
    %convert_element_type3A_660 = arith.fptosi %reduce_sum3A_659 : vector<128xf32> to vector<128xi32>
    %add3A_661 = vector.broadcast %add3A_399 : i32 to vector<128xi32>
    %add3A_662 = arith.addi %convert_element_type3A_660, %add3A_661 : vector<128xi32>
    %swap3A_663 = arith.constant 0 : index
    %swap3A_664 = arith.constant 1 : index
    %swap3A_665 = arith.constant 1536 : index
    %swap3A_666 = vector.load %arg2[%swap3A_663, %swap3A_664, %swap3A_665] : memref<1x4x2048xi32, #tpu.memory_space<vmem>>, vector<1x1x128xi32>
    %swap3A_667 = vector.shape_cast %swap3A_666 : vector<1x1x128xi32> to vector<128xi32>
    %swap3A_668 = vector.shape_cast %add3A_662 : vector<128xi32> to vector<1x1x128xi32>
    tpu.vector_store %arg2[%swap3A_663, %swap3A_664, %swap3A_665], %swap3A_668 {strides = array<i32>} : memref<1x4x2048xi32, #tpu.memory_space<vmem>>, vector<1x1x128xi32>,
    %reduce_sum3A_669 = arith.constant dense<0.000000e+00> : vector<128xf32>
    %reduce_sum3A_670 = vector.multi_reduction <add>, %slice3A_652, %reduce_sum3A_669 [1] : vector<128x128xf32> to vector<128xf32>
    %broadcast_in_dim3A_671 = vector.shape_cast %reduce_sum3A_670 : vector<128xf32> to vector<128x1xf32>
    %add3A_672 = arith.addf %add3A_651, %broadcast_in_dim3A_671 : vector<128x1xf32>
    %slice3A_673 = vector.extract_strided_slice %convert_element_type3A_373 {offsets = [0, 1664], sizes = [128, 128], strides = [1, 1]} : vector<128x2048xf32> to vector<128x128xf32>
    %dot_general3A_674 = arith.constant dense<0.000000e+00> : vector<128x128xf32>
    %dot_general3A_675 = tpu.matmul %slice3A_673, %convert_element_type3A_1, %dot_general3A_674 {dimension_numbers = #tpu.dot_dimension_numbers<[1], [0], [0], [1], [0, 0, 1, 1], [], []>, transpose_lhs_hint = false} : vector<128x128xf32>, vector<128x128xf32>, vector<128x128xf32> -> vector<128x128xf32>
    %add3A_676 = vector.broadcast %add3A_672 : vector<128x1xf32> to vector<128x128xf32>
    %add3A_677 = arith.addf %dot_general3A_675, %add3A_676 : vector<128x128xf32>
    %mul3A_678 = arith.mulf %slice3A_673, %add3A_677 : vector<128x128xf32>
    %reduce_sum3A_679 = arith.constant dense<0.000000e+00> : vector<128xf32>
    %reduce_sum3A_680 = vector.multi_reduction <add>, %mul3A_678, %reduce_sum3A_679 [0] : vector<128x128xf32> to vector<128xf32>
    %convert_element_type3A_681 = arith.fptosi %reduce_sum3A_680 : vector<128xf32> to vector<128xi32>
    %add3A_682 = vector.broadcast %add3A_399 : i32 to vector<128xi32>
    %add3A_683 = arith.addi %convert_element_type3A_681, %add3A_682 : vector<128xi32>
    %swap3A_684 = arith.constant 0 : index
    %swap3A_685 = arith.constant 1 : index
    %swap3A_686 = arith.constant 1664 : index
    %swap3A_687 = vector.load %arg2[%swap3A_684, %swap3A_685, %swap3A_686] : memref<1x4x2048xi32, #tpu.memory_space<vmem>>, vector<1x1x128xi32>
    %swap3A_688 = vector.shape_cast %swap3A_687 : vector<1x1x128xi32> to vector<128xi32>
    %swap3A_689 = vector.shape_cast %add3A_683 : vector<128xi32> to vector<1x1x128xi32>
    tpu.vector_store %arg2[%swap3A_684, %swap3A_685, %swap3A_686], %swap3A_689 {strides = array<i32>} : memref<1x4x2048xi32, #tpu.memory_space<vmem>>, vector<1x1x128xi32>,
    %reduce_sum3A_690 = arith.constant dense<0.000000e+00> : vector<128xf32>
    %reduce_sum3A_691 = vector.multi_reduction <add>, %slice3A_673, %reduce_sum3A_690 [1] : vector<128x128xf32> to vector<128xf32>
    %broadcast_in_dim3A_692 = vector.shape_cast %reduce_sum3A_691 : vector<128xf32> to vector<128x1xf32>
    %add3A_693 = arith.addf %add3A_672, %broadcast_in_dim3A_692 : vector<128x1xf32>
    %slice3A_694 = vector.extract_strided_slice %convert_element_type3A_373 {offsets = [0, 1792], sizes = [128, 128], strides = [1, 1]} : vector<128x2048xf32> to vector<128x128xf32>
    %dot_general3A_695 = arith.constant dense<0.000000e+00> : vector<128x128xf32>
    %dot_general3A_696 = tpu.matmul %slice3A_694, %convert_element_type3A_1, %dot_general3A_695 {dimension_numbers = #tpu.dot_dimension_numbers<[1], [0], [0], [1], [0, 0, 1, 1], [], []>, transpose_lhs_hint = false} : vector<128x128xf32>, vector<128x128xf32>, vector<128x128xf32> -> vector<128x128xf32>
    %add3A_697 = vector.broadcast %add3A_693 : vector<128x1xf32> to vector<128x128xf32>
    %add3A_698 = arith.addf %dot_general3A_696, %add3A_697 : vector<128x128xf32>
    %mul3A_699 = arith.mulf %slice3A_694, %add3A_698 : vector<128x128xf32>
    %reduce_sum3A_700 = arith.constant dense<0.000000e+00> : vector<128xf32>
    %reduce_sum3A_701 = vector.multi_reduction <add>, %mul3A_699, %reduce_sum3A_700 [0] : vector<128x128xf32> to vector<128xf32>
    %convert_element_type3A_702 = arith.fptosi %reduce_sum3A_701 : vector<128xf32> to vector<128xi32>
    %add3A_703 = vector.broadcast %add3A_399 : i32 to vector<128xi32>
    %add3A_704 = arith.addi %convert_element_type3A_702, %add3A_703 : vector<128xi32>
    %swap3A_705 = arith.constant 0 : index
    %swap3A_706 = arith.constant 1 : index
    %swap3A_707 = arith.constant 1792 : index
    %swap3A_708 = vector.load %arg2[%swap3A_705, %swap3A_706, %swap3A_707] : memref<1x4x2048xi32, #tpu.memory_space<vmem>>, vector<1x1x128xi32>
    %swap3A_709 = vector.shape_cast %swap3A_708 : vector<1x1x128xi32> to vector<128xi32>
    %swap3A_710 = vector.shape_cast %add3A_704 : vector<128xi32> to vector<1x1x128xi32>
    tpu.vector_store %arg2[%swap3A_705, %swap3A_706, %swap3A_707], %swap3A_710 {strides = array<i32>} : memref<1x4x2048xi32, #tpu.memory_space<vmem>>, vector<1x1x128xi32>,
    %reduce_sum3A_711 = arith.constant dense<0.000000e+00> : vector<128xf32>
    %reduce_sum3A_712 = vector.multi_reduction <add>, %slice3A_694, %reduce_sum3A_711 [1] : vector<128x128xf32> to vector<128xf32>
    %broadcast_in_dim3A_713 = vector.shape_cast %reduce_sum3A_712 : vector<128xf32> to vector<128x1xf32>
    %add3A_714 = arith.addf %add3A_693, %broadcast_in_dim3A_713 : vector<128x1xf32>
    %slice3A_715 = vector.extract_strided_slice %convert_element_type3A_373 {offsets = [0, 1920], sizes = [128, 128], strides = [1, 1]} : vector<128x2048xf32> to vector<128x128xf32>
    %dot_general3A_716 = arith.constant dense<0.000000e+00> : vector<128x128xf32>
    %dot_general3A_717 = tpu.matmul %slice3A_715, %convert_element_type3A_1, %dot_general3A_716 {dimension_numbers = #tpu.dot_dimension_numbers<[1], [0], [0], [1], [0, 0, 1, 1], [], []>, transpose_lhs_hint = false} : vector<128x128xf32>, vector<128x128xf32>, vector<128x128xf32> -> vector<128x128xf32>
    %add3A_718 = vector.broadcast %add3A_714 : vector<128x1xf32> to vector<128x128xf32>
    %add3A_719 = arith.addf %dot_general3A_717, %add3A_718 : vector<128x128xf32>
    %mul3A_720 = arith.mulf %slice3A_715, %add3A_719 : vector<128x128xf32>
    %reduce_sum3A_721 = arith.constant dense<0.000000e+00> : vector<128xf32>
    %reduce_sum3A_722 = vector.multi_reduction <add>, %mul3A_720, %reduce_sum3A_721 [0] : vector<128x128xf32> to vector<128xf32>
    %convert_element_type3A_723 = arith.fptosi %reduce_sum3A_722 : vector<128xf32> to vector<128xi32>
    %add3A_724 = vector.broadcast %add3A_399 : i32 to vector<128xi32>
    %add3A_725 = arith.addi %convert_element_type3A_723, %add3A_724 : vector<128xi32>
    %swap3A_726 = arith.constant 0 : index
    %swap3A_727 = arith.constant 1 : index
    %swap3A_728 = arith.constant 1920 : index
    %swap3A_729 = vector.load %arg2[%swap3A_726, %swap3A_727, %swap3A_728] : memref<1x4x2048xi32, #tpu.memory_space<vmem>>, vector<1x1x128xi32>
    %swap3A_730 = vector.shape_cast %swap3A_729 : vector<1x1x128xi32> to vector<128xi32>
    %swap3A_731 = vector.shape_cast %add3A_725 : vector<128xi32> to vector<1x1x128xi32>
    tpu.vector_store %arg2[%swap3A_726, %swap3A_727, %swap3A_728], %swap3A_731 {strides = array<i32>} : memref<1x4x2048xi32, #tpu.memory_space<vmem>>, vector<1x1x128xi32>,
    %get3A_732 = arith.constant 0 : index
    %get3A_733 = arith.constant 2 : index
    %get3A_734 = arith.constant 0 : index
    %get3A_735 = vector.load %arg1[%get3A_732, %get3A_733, %get3A_734] : memref<1x4x2048xi32, #tpu.memory_space<vmem>>, vector<1x1x2048xi32>
    %get3A_736 = vector.shape_cast %get3A_735 : vector<1x1x2048xi32> to vector<2048xi32>
    %broadcast_in_dim3A_737 = vector.shape_cast %get3A_736 : vector<2048xi32> to vector<1x2048xi32>
    %broadcast_in_dim3A_738 = vector.shape_cast %broadcast_in_dim3A_737 : vector<1x2048xi32> to vector<1x2048xi32>
    %broadcast_in_dim3A_739 = vector.broadcast %broadcast_in_dim3A_738 : vector<1x2048xi32> to vector<128x2048xi32>
    %add3A_740 = arith.constant 128 : i32
    %add3A_741 = vector.broadcast %add3A_740 : i32 to vector<128x2048xi32>
    %add3A_742 = arith.addi %iota3A_2, %add3A_741 : vector<128x2048xi32>
    %eq3A_743 = arith.cmpi eq, %broadcast_in_dim3A_739, %add3A_742 : vector<128x2048xi32>
    %convert_element_type3A_744 = arith.extui %eq3A_743 : vector<128x2048xi1> to vector<128x2048xi32>
    %convert_element_type3A_745 = arith.sitofp %convert_element_type3A_744 : vector<128x2048xi32> to vector<128x2048xf32>
    %gt3A_746 = arith.cmpi sgt, %add3A_742, %broadcast_in_dim3A_739 : vector<128x2048xi32>
    %convert_element_type3A_747 = arith.extui %gt3A_746 : vector<128x2048xi1> to vector<128x2048xi32>
    %convert_element_type3A_748 = arith.sitofp %convert_element_type3A_747 : vector<128x2048xi32> to vector<128x2048xf32>
    %reduce_sum3A_749 = arith.constant dense<0.000000e+00> : vector<128xf32>
    %reduce_sum3A_750 = vector.multi_reduction <add>, %convert_element_type3A_748, %reduce_sum3A_749 [1] : vector<128x2048xf32> to vector<128xf32>
    %broadcast_in_dim3A_751 = vector.shape_cast %reduce_sum3A_750 : vector<128xf32> to vector<128x1xf32>
    %jit3A_752 = arith.constant 64 : i32
    %eq3A_753 = arith.constant 0 : i32
    %eq3A_754 = arith.cmpi eq, %jit3A_752, %eq3A_753 : i32
    %jit3A_755 = arith.constant 1 : i32
    %select_n3A_756 = arith.select %eq3A_754, %jit3A_755, %jit3A_752 : i32
    %rem3A_757 = arith.remsi %arg0, %select_n3A_756 : i32
    %ne3A_758 = arith.constant 0 : i32
    %ne3A_759 = arith.cmpi ne, %rem3A_757, %ne3A_758 : i32
    %lt3A_760 = arith.constant 0 : i32
    %lt3A_761 = arith.cmpi slt, %rem3A_757, %lt3A_760 : i32
    %lt3A_762 = arith.constant 0 : i32
    %lt3A_763 = arith.cmpi slt, %select_n3A_756, %lt3A_762 : i32
    %ne3A_764 = arith.xori %lt3A_761, %lt3A_763 : i1
    %and3A_765 = arith.andi %ne3A_764, %ne3A_759 : i1
    %add3A_766 = arith.addi %rem3A_757, %select_n3A_756 : i32
    %select_n3A_767 = arith.select %and3A_765, %add3A_766, %rem3A_757 : i32
    %mul3A_768 = arith.constant 8192 : i32
    %mul3A_769 = arith.muli %select_n3A_767, %mul3A_768 : i32
    %add3A_770 = arith.constant 4096 : i32
    %add3A_771 = arith.addi %mul3A_769, %add3A_770 : i32
    %slice3A_772 = vector.extract_strided_slice %convert_element_type3A_745 {offsets = [0, 0], sizes = [128, 128], strides = [1, 1]} : vector<128x2048xf32> to vector<128x128xf32>
    %dot_general3A_773 = arith.constant dense<0.000000e+00> : vector<128x128xf32>
    %dot_general3A_774 = tpu.matmul %slice3A_772, %convert_element_type3A_1, %dot_general3A_773 {dimension_numbers = #tpu.dot_dimension_numbers<[1], [0], [0], [1], [0, 0, 1, 1], [], []>, transpose_lhs_hint = false} : vector<128x128xf32>, vector<128x128xf32>, vector<128x128xf32> -> vector<128x128xf32>
    %add3A_775 = vector.broadcast %broadcast_in_dim3A_751 : vector<128x1xf32> to vector<128x128xf32>
    %add3A_776 = arith.addf %dot_general3A_774, %add3A_775 : vector<128x128xf32>
    %mul3A_777 = arith.mulf %slice3A_772, %add3A_776 : vector<128x128xf32>
    %reduce_sum3A_778 = arith.constant dense<0.000000e+00> : vector<128xf32>
    %reduce_sum3A_779 = vector.multi_reduction <add>, %mul3A_777, %reduce_sum3A_778 [0] : vector<128x128xf32> to vector<128xf32>
    %convert_element_type3A_780 = arith.fptosi %reduce_sum3A_779 : vector<128xf32> to vector<128xi32>
    %add3A_781 = vector.broadcast %add3A_771 : i32 to vector<128xi32>
    %add3A_782 = arith.addi %convert_element_type3A_780, %add3A_781 : vector<128xi32>
    %swap3A_783 = arith.constant 0 : index
    %swap3A_784 = arith.constant 2 : index
    %swap3A_785 = arith.constant 0 : index
    %swap3A_786 = vector.load %arg2[%swap3A_783, %swap3A_784, %swap3A_785] : memref<1x4x2048xi32, #tpu.memory_space<vmem>>, vector<1x1x128xi32>
    %swap3A_787 = vector.shape_cast %swap3A_786 : vector<1x1x128xi32> to vector<128xi32>
    %swap3A_788 = vector.shape_cast %add3A_782 : vector<128xi32> to vector<1x1x128xi32>
    tpu.vector_store %arg2[%swap3A_783, %swap3A_784, %swap3A_785], %swap3A_788 {strides = array<i32>} : memref<1x4x2048xi32, #tpu.memory_space<vmem>>, vector<1x1x128xi32>,
    %reduce_sum3A_789 = arith.constant dense<0.000000e+00> : vector<128xf32>
    %reduce_sum3A_790 = vector.multi_reduction <add>, %slice3A_772, %reduce_sum3A_789 [1] : vector<128x128xf32> to vector<128xf32>
    %broadcast_in_dim3A_791 = vector.shape_cast %reduce_sum3A_790 : vector<128xf32> to vector<128x1xf32>
    %add3A_792 = arith.addf %broadcast_in_dim3A_751, %broadcast_in_dim3A_791 : vector<128x1xf32>
    %slice3A_793 = vector.extract_strided_slice %convert_element_type3A_745 {offsets = [0, 128], sizes = [128, 128], strides = [1, 1]} : vector<128x2048xf32> to vector<128x128xf32>
    %dot_general3A_794 = arith.constant dense<0.000000e+00> : vector<128x128xf32>
    %dot_general3A_795 = tpu.matmul %slice3A_793, %convert_element_type3A_1, %dot_general3A_794 {dimension_numbers = #tpu.dot_dimension_numbers<[1], [0], [0], [1], [0, 0, 1, 1], [], []>, transpose_lhs_hint = false} : vector<128x128xf32>, vector<128x128xf32>, vector<128x128xf32> -> vector<128x128xf32>
    %add3A_796 = vector.broadcast %add3A_792 : vector<128x1xf32> to vector<128x128xf32>
    %add3A_797 = arith.addf %dot_general3A_795, %add3A_796 : vector<128x128xf32>
    %mul3A_798 = arith.mulf %slice3A_793, %add3A_797 : vector<128x128xf32>
    %reduce_sum3A_799 = arith.constant dense<0.000000e+00> : vector<128xf32>
    %reduce_sum3A_800 = vector.multi_reduction <add>, %mul3A_798, %reduce_sum3A_799 [0] : vector<128x128xf32> to vector<128xf32>
    %convert_element_type3A_801 = arith.fptosi %reduce_sum3A_800 : vector<128xf32> to vector<128xi32>
    %add3A_802 = vector.broadcast %add3A_771 : i32 to vector<128xi32>
    %add3A_803 = arith.addi %convert_element_type3A_801, %add3A_802 : vector<128xi32>
    %swap3A_804 = arith.constant 0 : index
    %swap3A_805 = arith.constant 2 : index
    %swap3A_806 = arith.constant 128 : index
    %swap3A_807 = vector.load %arg2[%swap3A_804, %swap3A_805, %swap3A_806] : memref<1x4x2048xi32, #tpu.memory_space<vmem>>, vector<1x1x128xi32>
    %swap3A_808 = vector.shape_cast %swap3A_807 : vector<1x1x128xi32> to vector<128xi32>
    %swap3A_809 = vector.shape_cast %add3A_803 : vector<128xi32> to vector<1x1x128xi32>
    tpu.vector_store %arg2[%swap3A_804, %swap3A_805, %swap3A_806], %swap3A_809 {strides = array<i32>} : memref<1x4x2048xi32, #tpu.memory_space<vmem>>, vector<1x1x128xi32>,
    %reduce_sum3A_810 = arith.constant dense<0.000000e+00> : vector<128xf32>
    %reduce_sum3A_811 = vector.multi_reduction <add>, %slice3A_793, %reduce_sum3A_810 [1] : vector<128x128xf32> to vector<128xf32>
    %broadcast_in_dim3A_812 = vector.shape_cast %reduce_sum3A_811 : vector<128xf32> to vector<128x1xf32>
    %add3A_813 = arith.addf %add3A_792, %broadcast_in_dim3A_812 : vector<128x1xf32>
    %slice3A_814 = vector.extract_strided_slice %convert_element_type3A_745 {offsets = [0, 256], sizes = [128, 128], strides = [1, 1]} : vector<128x2048xf32> to vector<128x128xf32>
    %dot_general3A_815 = arith.constant dense<0.000000e+00> : vector<128x128xf32>
    %dot_general3A_816 = tpu.matmul %slice3A_814, %convert_element_type3A_1, %dot_general3A_815 {dimension_numbers = #tpu.dot_dimension_numbers<[1], [0], [0], [1], [0, 0, 1, 1], [], []>, transpose_lhs_hint = false} : vector<128x128xf32>, vector<128x128xf32>, vector<128x128xf32> -> vector<128x128xf32>
    %add3A_817 = vector.broadcast %add3A_813 : vector<128x1xf32> to vector<128x128xf32>
    %add3A_818 = arith.addf %dot_general3A_816, %add3A_817 : vector<128x128xf32>
    %mul3A_819 = arith.mulf %slice3A_814, %add3A_818 : vector<128x128xf32>
    %reduce_sum3A_820 = arith.constant dense<0.000000e+00> : vector<128xf32>
    %reduce_sum3A_821 = vector.multi_reduction <add>, %mul3A_819, %reduce_sum3A_820 [0] : vector<128x128xf32> to vector<128xf32>
    %convert_element_type3A_822 = arith.fptosi %reduce_sum3A_821 : vector<128xf32> to vector<128xi32>
    %add3A_823 = vector.broadcast %add3A_771 : i32 to vector<128xi32>
    %add3A_824 = arith.addi %convert_element_type3A_822, %add3A_823 : vector<128xi32>
    %swap3A_825 = arith.constant 0 : index
    %swap3A_826 = arith.constant 2 : index
    %swap3A_827 = arith.constant 256 : index
    %swap3A_828 = vector.load %arg2[%swap3A_825, %swap3A_826, %swap3A_827] : memref<1x4x2048xi32, #tpu.memory_space<vmem>>, vector<1x1x128xi32>
    %swap3A_829 = vector.shape_cast %swap3A_828 : vector<1x1x128xi32> to vector<128xi32>
    %swap3A_830 = vector.shape_cast %add3A_824 : vector<128xi32> to vector<1x1x128xi32>
    tpu.vector_store %arg2[%swap3A_825, %swap3A_826, %swap3A_827], %swap3A_830 {strides = array<i32>} : memref<1x4x2048xi32, #tpu.memory_space<vmem>>, vector<1x1x128xi32>,
    %reduce_sum3A_831 = arith.constant dense<0.000000e+00> : vector<128xf32>
    %reduce_sum3A_832 = vector.multi_reduction <add>, %slice3A_814, %reduce_sum3A_831 [1] : vector<128x128xf32> to vector<128xf32>
    %broadcast_in_dim3A_833 = vector.shape_cast %reduce_sum3A_832 : vector<128xf32> to vector<128x1xf32>
    %add3A_834 = arith.addf %add3A_813, %broadcast_in_dim3A_833 : vector<128x1xf32>
    %slice3A_835 = vector.extract_strided_slice %convert_element_type3A_745 {offsets = [0, 384], sizes = [128, 128], strides = [1, 1]} : vector<128x2048xf32> to vector<128x128xf32>
    %dot_general3A_836 = arith.constant dense<0.000000e+00> : vector<128x128xf32>
    %dot_general3A_837 = tpu.matmul %slice3A_835, %convert_element_type3A_1, %dot_general3A_836 {dimension_numbers = #tpu.dot_dimension_numbers<[1], [0], [0], [1], [0, 0, 1, 1], [], []>, transpose_lhs_hint = false} : vector<128x128xf32>, vector<128x128xf32>, vector<128x128xf32> -> vector<128x128xf32>
    %add3A_838 = vector.broadcast %add3A_834 : vector<128x1xf32> to vector<128x128xf32>
    %add3A_839 = arith.addf %dot_general3A_837, %add3A_838 : vector<128x128xf32>
    %mul3A_840 = arith.mulf %slice3A_835, %add3A_839 : vector<128x128xf32>
    %reduce_sum3A_841 = arith.constant dense<0.000000e+00> : vector<128xf32>
    %reduce_sum3A_842 = vector.multi_reduction <add>, %mul3A_840, %reduce_sum3A_841 [0] : vector<128x128xf32> to vector<128xf32>
    %convert_element_type3A_843 = arith.fptosi %reduce_sum3A_842 : vector<128xf32> to vector<128xi32>
    %add3A_844 = vector.broadcast %add3A_771 : i32 to vector<128xi32>
    %add3A_845 = arith.addi %convert_element_type3A_843, %add3A_844 : vector<128xi32>
    %swap3A_846 = arith.constant 0 : index
    %swap3A_847 = arith.constant 2 : index
    %swap3A_848 = arith.constant 384 : index
    %swap3A_849 = vector.load %arg2[%swap3A_846, %swap3A_847, %swap3A_848] : memref<1x4x2048xi32, #tpu.memory_space<vmem>>, vector<1x1x128xi32>
    %swap3A_850 = vector.shape_cast %swap3A_849 : vector<1x1x128xi32> to vector<128xi32>
    %swap3A_851 = vector.shape_cast %add3A_845 : vector<128xi32> to vector<1x1x128xi32>
    tpu.vector_store %arg2[%swap3A_846, %swap3A_847, %swap3A_848], %swap3A_851 {strides = array<i32>} : memref<1x4x2048xi32, #tpu.memory_space<vmem>>, vector<1x1x128xi32>,
    %reduce_sum3A_852 = arith.constant dense<0.000000e+00> : vector<128xf32>
    %reduce_sum3A_853 = vector.multi_reduction <add>, %slice3A_835, %reduce_sum3A_852 [1] : vector<128x128xf32> to vector<128xf32>
    %broadcast_in_dim3A_854 = vector.shape_cast %reduce_sum3A_853 : vector<128xf32> to vector<128x1xf32>
    %add3A_855 = arith.addf %add3A_834, %broadcast_in_dim3A_854 : vector<128x1xf32>
    %slice3A_856 = vector.extract_strided_slice %convert_element_type3A_745 {offsets = [0, 512], sizes = [128, 128], strides = [1, 1]} : vector<128x2048xf32> to vector<128x128xf32>
    %dot_general3A_857 = arith.constant dense<0.000000e+00> : vector<128x128xf32>
    %dot_general3A_858 = tpu.matmul %slice3A_856, %convert_element_type3A_1, %dot_general3A_857 {dimension_numbers = #tpu.dot_dimension_numbers<[1], [0], [0], [1], [0, 0, 1, 1], [], []>, transpose_lhs_hint = false} : vector<128x128xf32>, vector<128x128xf32>, vector<128x128xf32> -> vector<128x128xf32>
    %add3A_859 = vector.broadcast %add3A_855 : vector<128x1xf32> to vector<128x128xf32>
    %add3A_860 = arith.addf %dot_general3A_858, %add3A_859 : vector<128x128xf32>
    %mul3A_861 = arith.mulf %slice3A_856, %add3A_860 : vector<128x128xf32>
    %reduce_sum3A_862 = arith.constant dense<0.000000e+00> : vector<128xf32>
    %reduce_sum3A_863 = vector.multi_reduction <add>, %mul3A_861, %reduce_sum3A_862 [0] : vector<128x128xf32> to vector<128xf32>
    %convert_element_type3A_864 = arith.fptosi %reduce_sum3A_863 : vector<128xf32> to vector<128xi32>
    %add3A_865 = vector.broadcast %add3A_771 : i32 to vector<128xi32>
    %add3A_866 = arith.addi %convert_element_type3A_864, %add3A_865 : vector<128xi32>
    %swap3A_867 = arith.constant 0 : index
    %swap3A_868 = arith.constant 2 : index
    %swap3A_869 = arith.constant 512 : index
    %swap3A_870 = vector.load %arg2[%swap3A_867, %swap3A_868, %swap3A_869] : memref<1x4x2048xi32, #tpu.memory_space<vmem>>, vector<1x1x128xi32>
    %swap3A_871 = vector.shape_cast %swap3A_870 : vector<1x1x128xi32> to vector<128xi32>
    %swap3A_872 = vector.shape_cast %add3A_866 : vector<128xi32> to vector<1x1x128xi32>
    tpu.vector_store %arg2[%swap3A_867, %swap3A_868, %swap3A_869], %swap3A_872 {strides = array<i32>} : memref<1x4x2048xi32, #tpu.memory_space<vmem>>, vector<1x1x128xi32>,
    %reduce_sum3A_873 = arith.constant dense<0.000000e+00> : vector<128xf32>
    %reduce_sum3A_874 = vector.multi_reduction <add>, %slice3A_856, %reduce_sum3A_873 [1] : vector<128x128xf32> to vector<128xf32>
    %broadcast_in_dim3A_875 = vector.shape_cast %reduce_sum3A_874 : vector<128xf32> to vector<128x1xf32>
    %add3A_876 = arith.addf %add3A_855, %broadcast_in_dim3A_875 : vector<128x1xf32>
    %slice3A_877 = vector.extract_strided_slice %convert_element_type3A_745 {offsets = [0, 640], sizes = [128, 128], strides = [1, 1]} : vector<128x2048xf32> to vector<128x128xf32>
    %dot_general3A_878 = arith.constant dense<0.000000e+00> : vector<128x128xf32>
    %dot_general3A_879 = tpu.matmul %slice3A_877, %convert_element_type3A_1, %dot_general3A_878 {dimension_numbers = #tpu.dot_dimension_numbers<[1], [0], [0], [1], [0, 0, 1, 1], [], []>, transpose_lhs_hint = false} : vector<128x128xf32>, vector<128x128xf32>, vector<128x128xf32> -> vector<128x128xf32>
    %add3A_880 = vector.broadcast %add3A_876 : vector<128x1xf32> to vector<128x128xf32>
    %add3A_881 = arith.addf %dot_general3A_879, %add3A_880 : vector<128x128xf32>
    %mul3A_882 = arith.mulf %slice3A_877, %add3A_881 : vector<128x128xf32>
    %reduce_sum3A_883 = arith.constant dense<0.000000e+00> : vector<128xf32>
    %reduce_sum3A_884 = vector.multi_reduction <add>, %mul3A_882, %reduce_sum3A_883 [0] : vector<128x128xf32> to vector<128xf32>
    %convert_element_type3A_885 = arith.fptosi %reduce_sum3A_884 : vector<128xf32> to vector<128xi32>
    %add3A_886 = vector.broadcast %add3A_771 : i32 to vector<128xi32>
    %add3A_887 = arith.addi %convert_element_type3A_885, %add3A_886 : vector<128xi32>
    %swap3A_888 = arith.constant 0 : index
    %swap3A_889 = arith.constant 2 : index
    %swap3A_890 = arith.constant 640 : index
    %swap3A_891 = vector.load %arg2[%swap3A_888, %swap3A_889, %swap3A_890] : memref<1x4x2048xi32, #tpu.memory_space<vmem>>, vector<1x1x128xi32>
    %swap3A_892 = vector.shape_cast %swap3A_891 : vector<1x1x128xi32> to vector<128xi32>
    %swap3A_893 = vector.shape_cast %add3A_887 : vector<128xi32> to vector<1x1x128xi32>
    tpu.vector_store %arg2[%swap3A_888, %swap3A_889, %swap3A_890], %swap3A_893 {strides = array<i32>} : memref<1x4x2048xi32, #tpu.memory_space<vmem>>, vector<1x1x128xi32>,
    %reduce_sum3A_894 = arith.constant dense<0.000000e+00> : vector<128xf32>
    %reduce_sum3A_895 = vector.multi_reduction <add>, %slice3A_877, %reduce_sum3A_894 [1] : vector<128x128xf32> to vector<128xf32>
    %broadcast_in_dim3A_896 = vector.shape_cast %reduce_sum3A_895 : vector<128xf32> to vector<128x1xf32>
    %add3A_897 = arith.addf %add3A_876, %broadcast_in_dim3A_896 : vector<128x1xf32>
    %slice3A_898 = vector.extract_strided_slice %convert_element_type3A_745 {offsets = [0, 768], sizes = [128, 128], strides = [1, 1]} : vector<128x2048xf32> to vector<128x128xf32>
    %dot_general3A_899 = arith.constant dense<0.000000e+00> : vector<128x128xf32>
    %dot_general3A_900 = tpu.matmul %slice3A_898, %convert_element_type3A_1, %dot_general3A_899 {dimension_numbers = #tpu.dot_dimension_numbers<[1], [0], [0], [1], [0, 0, 1, 1], [], []>, transpose_lhs_hint = false} : vector<128x128xf32>, vector<128x128xf32>, vector<128x128xf32> -> vector<128x128xf32>
    %add3A_901 = vector.broadcast %add3A_897 : vector<128x1xf32> to vector<128x128xf32>
    %add3A_902 = arith.addf %dot_general3A_900, %add3A_901 : vector<128x128xf32>
    %mul3A_903 = arith.mulf %slice3A_898, %add3A_902 : vector<128x128xf32>
    %reduce_sum3A_904 = arith.constant dense<0.000000e+00> : vector<128xf32>
    %reduce_sum3A_905 = vector.multi_reduction <add>, %mul3A_903, %reduce_sum3A_904 [0] : vector<128x128xf32> to vector<128xf32>
    %convert_element_type3A_906 = arith.fptosi %reduce_sum3A_905 : vector<128xf32> to vector<128xi32>
    %add3A_907 = vector.broadcast %add3A_771 : i32 to vector<128xi32>
    %add3A_908 = arith.addi %convert_element_type3A_906, %add3A_907 : vector<128xi32>
    %swap3A_909 = arith.constant 0 : index
    %swap3A_910 = arith.constant 2 : index
    %swap3A_911 = arith.constant 768 : index
    %swap3A_912 = vector.load %arg2[%swap3A_909, %swap3A_910, %swap3A_911] : memref<1x4x2048xi32, #tpu.memory_space<vmem>>, vector<1x1x128xi32>
    %swap3A_913 = vector.shape_cast %swap3A_912 : vector<1x1x128xi32> to vector<128xi32>
    %swap3A_914 = vector.shape_cast %add3A_908 : vector<128xi32> to vector<1x1x128xi32>
    tpu.vector_store %arg2[%swap3A_909, %swap3A_910, %swap3A_911], %swap3A_914 {strides = array<i32>} : memref<1x4x2048xi32, #tpu.memory_space<vmem>>, vector<1x1x128xi32>,
    %reduce_sum3A_915 = arith.constant dense<0.000000e+00> : vector<128xf32>
    %reduce_sum3A_916 = vector.multi_reduction <add>, %slice3A_898, %reduce_sum3A_915 [1] : vector<128x128xf32> to vector<128xf32>
    %broadcast_in_dim3A_917 = vector.shape_cast %reduce_sum3A_916 : vector<128xf32> to vector<128x1xf32>
    %add3A_918 = arith.addf %add3A_897, %broadcast_in_dim3A_917 : vector<128x1xf32>
    %slice3A_919 = vector.extract_strided_slice %convert_element_type3A_745 {offsets = [0, 896], sizes = [128, 128], strides = [1, 1]} : vector<128x2048xf32> to vector<128x128xf32>
    %dot_general3A_920 = arith.constant dense<0.000000e+00> : vector<128x128xf32>
    %dot_general3A_921 = tpu.matmul %slice3A_919, %convert_element_type3A_1, %dot_general3A_920 {dimension_numbers = #tpu.dot_dimension_numbers<[1], [0], [0], [1], [0, 0, 1, 1], [], []>, transpose_lhs_hint = false} : vector<128x128xf32>, vector<128x128xf32>, vector<128x128xf32> -> vector<128x128xf32>
    %add3A_922 = vector.broadcast %add3A_918 : vector<128x1xf32> to vector<128x128xf32>
    %add3A_923 = arith.addf %dot_general3A_921, %add3A_922 : vector<128x128xf32>
    %mul3A_924 = arith.mulf %slice3A_919, %add3A_923 : vector<128x128xf32>
    %reduce_sum3A_925 = arith.constant dense<0.000000e+00> : vector<128xf32>
    %reduce_sum3A_926 = vector.multi_reduction <add>, %mul3A_924, %reduce_sum3A_925 [0] : vector<128x128xf32> to vector<128xf32>
    %convert_element_type3A_927 = arith.fptosi %reduce_sum3A_926 : vector<128xf32> to vector<128xi32>
    %add3A_928 = vector.broadcast %add3A_771 : i32 to vector<128xi32>
    %add3A_929 = arith.addi %convert_element_type3A_927, %add3A_928 : vector<128xi32>
    %swap3A_930 = arith.constant 0 : index
    %swap3A_931 = arith.constant 2 : index
    %swap3A_932 = arith.constant 896 : index
    %swap3A_933 = vector.load %arg2[%swap3A_930, %swap3A_931, %swap3A_932] : memref<1x4x2048xi32, #tpu.memory_space<vmem>>, vector<1x1x128xi32>
    %swap3A_934 = vector.shape_cast %swap3A_933 : vector<1x1x128xi32> to vector<128xi32>
    %swap3A_935 = vector.shape_cast %add3A_929 : vector<128xi32> to vector<1x1x128xi32>
    tpu.vector_store %arg2[%swap3A_930, %swap3A_931, %swap3A_932], %swap3A_935 {strides = array<i32>} : memref<1x4x2048xi32, #tpu.memory_space<vmem>>, vector<1x1x128xi32>,
    %reduce_sum3A_936 = arith.constant dense<0.000000e+00> : vector<128xf32>
    %reduce_sum3A_937 = vector.multi_reduction <add>, %slice3A_919, %reduce_sum3A_936 [1] : vector<128x128xf32> to vector<128xf32>
    %broadcast_in_dim3A_938 = vector.shape_cast %reduce_sum3A_937 : vector<128xf32> to vector<128x1xf32>
    %add3A_939 = arith.addf %add3A_918, %broadcast_in_dim3A_938 : vector<128x1xf32>
    %slice3A_940 = vector.extract_strided_slice %convert_element_type3A_745 {offsets = [0, 1024], sizes = [128, 128], strides = [1, 1]} : vector<128x2048xf32> to vector<128x128xf32>
    %dot_general3A_941 = arith.constant dense<0.000000e+00> : vector<128x128xf32>
    %dot_general3A_942 = tpu.matmul %slice3A_940, %convert_element_type3A_1, %dot_general3A_941 {dimension_numbers = #tpu.dot_dimension_numbers<[1], [0], [0], [1], [0, 0, 1, 1], [], []>, transpose_lhs_hint = false} : vector<128x128xf32>, vector<128x128xf32>, vector<128x128xf32> -> vector<128x128xf32>
    %add3A_943 = vector.broadcast %add3A_939 : vector<128x1xf32> to vector<128x128xf32>
    %add3A_944 = arith.addf %dot_general3A_942, %add3A_943 : vector<128x128xf32>
    %mul3A_945 = arith.mulf %slice3A_940, %add3A_944 : vector<128x128xf32>
    %reduce_sum3A_946 = arith.constant dense<0.000000e+00> : vector<128xf32>
    %reduce_sum3A_947 = vector.multi_reduction <add>, %mul3A_945, %reduce_sum3A_946 [0] : vector<128x128xf32> to vector<128xf32>
    %convert_element_type3A_948 = arith.fptosi %reduce_sum3A_947 : vector<128xf32> to vector<128xi32>
    %add3A_949 = vector.broadcast %add3A_771 : i32 to vector<128xi32>
    %add3A_950 = arith.addi %convert_element_type3A_948, %add3A_949 : vector<128xi32>
    %swap3A_951 = arith.constant 0 : index
    %swap3A_952 = arith.constant 2 : index
    %swap3A_953 = arith.constant 1024 : index
    %swap3A_954 = vector.load %arg2[%swap3A_951, %swap3A_952, %swap3A_953] : memref<1x4x2048xi32, #tpu.memory_space<vmem>>, vector<1x1x128xi32>
    %swap3A_955 = vector.shape_cast %swap3A_954 : vector<1x1x128xi32> to vector<128xi32>
    %swap3A_956 = vector.shape_cast %add3A_950 : vector<128xi32> to vector<1x1x128xi32>
    tpu.vector_store %arg2[%swap3A_951, %swap3A_952, %swap3A_953], %swap3A_956 {strides = array<i32>} : memref<1x4x2048xi32, #tpu.memory_space<vmem>>, vector<1x1x128xi32>,
    %reduce_sum3A_957 = arith.constant dense<0.000000e+00> : vector<128xf32>
    %reduce_sum3A_958 = vector.multi_reduction <add>, %slice3A_940, %reduce_sum3A_957 [1] : vector<128x128xf32> to vector<128xf32>
    %broadcast_in_dim3A_959 = vector.shape_cast %reduce_sum3A_958 : vector<128xf32> to vector<128x1xf32>
    %add3A_960 = arith.addf %add3A_939, %broadcast_in_dim3A_959 : vector<128x1xf32>
    %slice3A_961 = vector.extract_strided_slice %convert_element_type3A_745 {offsets = [0, 1152], sizes = [128, 128], strides = [1, 1]} : vector<128x2048xf32> to vector<128x128xf32>
    %dot_general3A_962 = arith.constant dense<0.000000e+00> : vector<128x128xf32>
    %dot_general3A_963 = tpu.matmul %slice3A_961, %convert_element_type3A_1, %dot_general3A_962 {dimension_numbers = #tpu.dot_dimension_numbers<[1], [0], [0], [1], [0, 0, 1, 1], [], []>, transpose_lhs_hint = false} : vector<128x128xf32>, vector<128x128xf32>, vector<128x128xf32> -> vector<128x128xf32>
    %add3A_964 = vector.broadcast %add3A_960 : vector<128x1xf32> to vector<128x128xf32>
    %add3A_965 = arith.addf %dot_general3A_963, %add3A_964 : vector<128x128xf32>
    %mul3A_966 = arith.mulf %slice3A_961, %add3A_965 : vector<128x128xf32>
    %reduce_sum3A_967 = arith.constant dense<0.000000e+00> : vector<128xf32>
    %reduce_sum3A_968 = vector.multi_reduction <add>, %mul3A_966, %reduce_sum3A_967 [0] : vector<128x128xf32> to vector<128xf32>
    %convert_element_type3A_969 = arith.fptosi %reduce_sum3A_968 : vector<128xf32> to vector<128xi32>
    %add3A_970 = vector.broadcast %add3A_771 : i32 to vector<128xi32>
    %add3A_971 = arith.addi %convert_element_type3A_969, %add3A_970 : vector<128xi32>
    %swap3A_972 = arith.constant 0 : index
    %swap3A_973 = arith.constant 2 : index
    %swap3A_974 = arith.constant 1152 : index
    %swap3A_975 = vector.load %arg2[%swap3A_972, %swap3A_973, %swap3A_974] : memref<1x4x2048xi32, #tpu.memory_space<vmem>>, vector<1x1x128xi32>
    %swap3A_976 = vector.shape_cast %swap3A_975 : vector<1x1x128xi32> to vector<128xi32>
    %swap3A_977 = vector.shape_cast %add3A_971 : vector<128xi32> to vector<1x1x128xi32>
    tpu.vector_store %arg2[%swap3A_972, %swap3A_973, %swap3A_974], %swap3A_977 {strides = array<i32>} : memref<1x4x2048xi32, #tpu.memory_space<vmem>>, vector<1x1x128xi32>,
    %reduce_sum3A_978 = arith.constant dense<0.000000e+00> : vector<128xf32>
    %reduce_sum3A_979 = vector.multi_reduction <add>, %slice3A_961, %reduce_sum3A_978 [1] : vector<128x128xf32> to vector<128xf32>
    %broadcast_in_dim3A_980 = vector.shape_cast %reduce_sum3A_979 : vector<128xf32> to vector<128x1xf32>
    %add3A_981 = arith.addf %add3A_960, %broadcast_in_dim3A_980 : vector<128x1xf32>
    %slice3A_982 = vector.extract_strided_slice %convert_element_type3A_745 {offsets = [0, 1280], sizes = [128, 128], strides = [1, 1]} : vector<128x2048xf32> to vector<128x128xf32>
    %dot_general3A_983 = arith.constant dense<0.000000e+00> : vector<128x128xf32>
    %dot_general3A_984 = tpu.matmul %slice3A_982, %convert_element_type3A_1, %dot_general3A_983 {dimension_numbers = #tpu.dot_dimension_numbers<[1], [0], [0], [1], [0, 0, 1, 1], [], []>, transpose_lhs_hint = false} : vector<128x128xf32>, vector<128x128xf32>, vector<128x128xf32> -> vector<128x128xf32>
    %add3A_985 = vector.broadcast %add3A_981 : vector<128x1xf32> to vector<128x128xf32>
    %add3A_986 = arith.addf %dot_general3A_984, %add3A_985 : vector<128x128xf32>
    %mul3A_987 = arith.mulf %slice3A_982, %add3A_986 : vector<128x128xf32>
    %reduce_sum3A_988 = arith.constant dense<0.000000e+00> : vector<128xf32>
    %reduce_sum3A_989 = vector.multi_reduction <add>, %mul3A_987, %reduce_sum3A_988 [0] : vector<128x128xf32> to vector<128xf32>
    %convert_element_type3A_990 = arith.fptosi %reduce_sum3A_989 : vector<128xf32> to vector<128xi32>
    %add3A_991 = vector.broadcast %add3A_771 : i32 to vector<128xi32>
    %add3A_992 = arith.addi %convert_element_type3A_990, %add3A_991 : vector<128xi32>
    %swap3A_993 = arith.constant 0 : index
    %swap3A_994 = arith.constant 2 : index
    %swap3A_995 = arith.constant 1280 : index
    %swap3A_996 = vector.load %arg2[%swap3A_993, %swap3A_994, %swap3A_995] : memref<1x4x2048xi32, #tpu.memory_space<vmem>>, vector<1x1x128xi32>
    %swap3A_997 = vector.shape_cast %swap3A_996 : vector<1x1x128xi32> to vector<128xi32>
    %swap3A_998 = vector.shape_cast %add3A_992 : vector<128xi32> to vector<1x1x128xi32>
    tpu.vector_store %arg2[%swap3A_993, %swap3A_994, %swap3A_995], %swap3A_998 {strides = array<i32>} : memref<1x4x2048xi32, #tpu.memory_space<vmem>>, vector<1x1x128xi32>,
    %reduce_sum3A_999 = arith.constant dense<0.000000e+00> : vector<128xf32>
    %reduce_sum3A_1000 = vector.multi_reduction <add>, %slice3A_982, %reduce_sum3A_999 [1] : vector<128x128xf32> to vector<128xf32>
    %broadcast_in_dim3A_1001 = vector.shape_cast %reduce_sum3A_1000 : vector<128xf32> to vector<128x1xf32>
    %add3A_1002 = arith.addf %add3A_981, %broadcast_in_dim3A_1001 : vector<128x1xf32>
    %slice3A_1003 = vector.extract_strided_slice %convert_element_type3A_745 {offsets = [0, 1408], sizes = [128, 128], strides = [1, 1]} : vector<128x2048xf32> to vector<128x128xf32>
    %dot_general3A_1004 = arith.constant dense<0.000000e+00> : vector<128x128xf32>
    %dot_general3A_1005 = tpu.matmul %slice3A_1003, %convert_element_type3A_1, %dot_general3A_1004 {dimension_numbers = #tpu.dot_dimension_numbers<[1], [0], [0], [1], [0, 0, 1, 1], [], []>, transpose_lhs_hint = false} : vector<128x128xf32>, vector<128x128xf32>, vector<128x128xf32> -> vector<128x128xf32>
    %add3A_1006 = vector.broadcast %add3A_1002 : vector<128x1xf32> to vector<128x128xf32>
    %add3A_1007 = arith.addf %dot_general3A_1005, %add3A_1006 : vector<128x128xf32>
    %mul3A_1008 = arith.mulf %slice3A_1003, %add3A_1007 : vector<128x128xf32>
    %reduce_sum3A_1009 = arith.constant dense<0.000000e+00> : vector<128xf32>
    %reduce_sum3A_1010 = vector.multi_reduction <add>, %mul3A_1008, %reduce_sum3A_1009 [0] : vector<128x128xf32> to vector<128xf32>
    %convert_element_type3A_1011 = arith.fptosi %reduce_sum3A_1010 : vector<128xf32> to vector<128xi32>
    %add3A_1012 = vector.broadcast %add3A_771 : i32 to vector<128xi32>
    %add3A_1013 = arith.addi %convert_element_type3A_1011, %add3A_1012 : vector<128xi32>
    %swap3A_1014 = arith.constant 0 : index
    %swap3A_1015 = arith.constant 2 : index
    %swap3A_1016 = arith.constant 1408 : index
    %swap3A_1017 = vector.load %arg2[%swap3A_1014, %swap3A_1015, %swap3A_1016] : memref<1x4x2048xi32, #tpu.memory_space<vmem>>, vector<1x1x128xi32>
    %swap3A_1018 = vector.shape_cast %swap3A_1017 : vector<1x1x128xi32> to vector<128xi32>
    %swap3A_1019 = vector.shape_cast %add3A_1013 : vector<128xi32> to vector<1x1x128xi32>
    tpu.vector_store %arg2[%swap3A_1014, %swap3A_1015, %swap3A_1016], %swap3A_1019 {strides = array<i32>} : memref<1x4x2048xi32, #tpu.memory_space<vmem>>, vector<1x1x128xi32>,
    %reduce_sum3A_1020 = arith.constant dense<0.000000e+00> : vector<128xf32>
    %reduce_sum3A_1021 = vector.multi_reduction <add>, %slice3A_1003, %reduce_sum3A_1020 [1] : vector<128x128xf32> to vector<128xf32>
    %broadcast_in_dim3A_1022 = vector.shape_cast %reduce_sum3A_1021 : vector<128xf32> to vector<128x1xf32>
    %add3A_1023 = arith.addf %add3A_1002, %broadcast_in_dim3A_1022 : vector<128x1xf32>
    %slice3A_1024 = vector.extract_strided_slice %convert_element_type3A_745 {offsets = [0, 1536], sizes = [128, 128], strides = [1, 1]} : vector<128x2048xf32> to vector<128x128xf32>
    %dot_general3A_1025 = arith.constant dense<0.000000e+00> : vector<128x128xf32>
    %dot_general3A_1026 = tpu.matmul %slice3A_1024, %convert_element_type3A_1, %dot_general3A_1025 {dimension_numbers = #tpu.dot_dimension_numbers<[1], [0], [0], [1], [0, 0, 1, 1], [], []>, transpose_lhs_hint = false} : vector<128x128xf32>, vector<128x128xf32>, vector<128x128xf32> -> vector<128x128xf32>
    %add3A_1027 = vector.broadcast %add3A_1023 : vector<128x1xf32> to vector<128x128xf32>
    %add3A_1028 = arith.addf %dot_general3A_1026, %add3A_1027 : vector<128x128xf32>
    %mul3A_1029 = arith.mulf %slice3A_1024, %add3A_1028 : vector<128x128xf32>
    %reduce_sum3A_1030 = arith.constant dense<0.000000e+00> : vector<128xf32>
    %reduce_sum3A_1031 = vector.multi_reduction <add>, %mul3A_1029, %reduce_sum3A_1030 [0] : vector<128x128xf32> to vector<128xf32>
    %convert_element_type3A_1032 = arith.fptosi %reduce_sum3A_1031 : vector<128xf32> to vector<128xi32>
    %add3A_1033 = vector.broadcast %add3A_771 : i32 to vector<128xi32>
    %add3A_1034 = arith.addi %convert_element_type3A_1032, %add3A_1033 : vector<128xi32>
    %swap3A_1035 = arith.constant 0 : index
    %swap3A_1036 = arith.constant 2 : index
    %swap3A_1037 = arith.constant 1536 : index
    %swap3A_1038 = vector.load %arg2[%swap3A_1035, %swap3A_1036, %swap3A_1037] : memref<1x4x2048xi32, #tpu.memory_space<vmem>>, vector<1x1x128xi32>
    %swap3A_1039 = vector.shape_cast %swap3A_1038 : vector<1x1x128xi32> to vector<128xi32>
    %swap3A_1040 = vector.shape_cast %add3A_1034 : vector<128xi32> to vector<1x1x128xi32>
    tpu.vector_store %arg2[%swap3A_1035, %swap3A_1036, %swap3A_1037], %swap3A_1040 {strides = array<i32>} : memref<1x4x2048xi32, #tpu.memory_space<vmem>>, vector<1x1x128xi32>,
    %reduce_sum3A_1041 = arith.constant dense<0.000000e+00> : vector<128xf32>
    %reduce_sum3A_1042 = vector.multi_reduction <add>, %slice3A_1024, %reduce_sum3A_1041 [1] : vector<128x128xf32> to vector<128xf32>
    %broadcast_in_dim3A_1043 = vector.shape_cast %reduce_sum3A_1042 : vector<128xf32> to vector<128x1xf32>
    %add3A_1044 = arith.addf %add3A_1023, %broadcast_in_dim3A_1043 : vector<128x1xf32>
    %slice3A_1045 = vector.extract_strided_slice %convert_element_type3A_745 {offsets = [0, 1664], sizes = [128, 128], strides = [1, 1]} : vector<128x2048xf32> to vector<128x128xf32>
    %dot_general3A_1046 = arith.constant dense<0.000000e+00> : vector<128x128xf32>
    %dot_general3A_1047 = tpu.matmul %slice3A_1045, %convert_element_type3A_1, %dot_general3A_1046 {dimension_numbers = #tpu.dot_dimension_numbers<[1], [0], [0], [1], [0, 0, 1, 1], [], []>, transpose_lhs_hint = false} : vector<128x128xf32>, vector<128x128xf32>, vector<128x128xf32> -> vector<128x128xf32>
    %add3A_1048 = vector.broadcast %add3A_1044 : vector<128x1xf32> to vector<128x128xf32>
    %add3A_1049 = arith.addf %dot_general3A_1047, %add3A_1048 : vector<128x128xf32>
    %mul3A_1050 = arith.mulf %slice3A_1045, %add3A_1049 : vector<128x128xf32>
    %reduce_sum3A_1051 = arith.constant dense<0.000000e+00> : vector<128xf32>
    %reduce_sum3A_1052 = vector.multi_reduction <add>, %mul3A_1050, %reduce_sum3A_1051 [0] : vector<128x128xf32> to vector<128xf32>
    %convert_element_type3A_1053 = arith.fptosi %reduce_sum3A_1052 : vector<128xf32> to vector<128xi32>
    %add3A_1054 = vector.broadcast %add3A_771 : i32 to vector<128xi32>
    %add3A_1055 = arith.addi %convert_element_type3A_1053, %add3A_1054 : vector<128xi32>
    %swap3A_1056 = arith.constant 0 : index
    %swap3A_1057 = arith.constant 2 : index
    %swap3A_1058 = arith.constant 1664 : index
    %swap3A_1059 = vector.load %arg2[%swap3A_1056, %swap3A_1057, %swap3A_1058] : memref<1x4x2048xi32, #tpu.memory_space<vmem>>, vector<1x1x128xi32>
    %swap3A_1060 = vector.shape_cast %swap3A_1059 : vector<1x1x128xi32> to vector<128xi32>
    %swap3A_1061 = vector.shape_cast %add3A_1055 : vector<128xi32> to vector<1x1x128xi32>
    tpu.vector_store %arg2[%swap3A_1056, %swap3A_1057, %swap3A_1058], %swap3A_1061 {strides = array<i32>} : memref<1x4x2048xi32, #tpu.memory_space<vmem>>, vector<1x1x128xi32>,
    %reduce_sum3A_1062 = arith.constant dense<0.000000e+00> : vector<128xf32>
    %reduce_sum3A_1063 = vector.multi_reduction <add>, %slice3A_1045, %reduce_sum3A_1062 [1] : vector<128x128xf32> to vector<128xf32>
    %broadcast_in_dim3A_1064 = vector.shape_cast %reduce_sum3A_1063 : vector<128xf32> to vector<128x1xf32>
    %add3A_1065 = arith.addf %add3A_1044, %broadcast_in_dim3A_1064 : vector<128x1xf32>
    %slice3A_1066 = vector.extract_strided_slice %convert_element_type3A_745 {offsets = [0, 1792], sizes = [128, 128], strides = [1, 1]} : vector<128x2048xf32> to vector<128x128xf32>
    %dot_general3A_1067 = arith.constant dense<0.000000e+00> : vector<128x128xf32>
    %dot_general3A_1068 = tpu.matmul %slice3A_1066, %convert_element_type3A_1, %dot_general3A_1067 {dimension_numbers = #tpu.dot_dimension_numbers<[1], [0], [0], [1], [0, 0, 1, 1], [], []>, transpose_lhs_hint = false} : vector<128x128xf32>, vector<128x128xf32>, vector<128x128xf32> -> vector<128x128xf32>
    %add3A_1069 = vector.broadcast %add3A_1065 : vector<128x1xf32> to vector<128x128xf32>
    %add3A_1070 = arith.addf %dot_general3A_1068, %add3A_1069 : vector<128x128xf32>
    %mul3A_1071 = arith.mulf %slice3A_1066, %add3A_1070 : vector<128x128xf32>
    %reduce_sum3A_1072 = arith.constant dense<0.000000e+00> : vector<128xf32>
    %reduce_sum3A_1073 = vector.multi_reduction <add>, %mul3A_1071, %reduce_sum3A_1072 [0] : vector<128x128xf32> to vector<128xf32>
    %convert_element_type3A_1074 = arith.fptosi %reduce_sum3A_1073 : vector<128xf32> to vector<128xi32>
    %add3A_1075 = vector.broadcast %add3A_771 : i32 to vector<128xi32>
    %add3A_1076 = arith.addi %convert_element_type3A_1074, %add3A_1075 : vector<128xi32>
    %swap3A_1077 = arith.constant 0 : index
    %swap3A_1078 = arith.constant 2 : index
    %swap3A_1079 = arith.constant 1792 : index
    %swap3A_1080 = vector.load %arg2[%swap3A_1077, %swap3A_1078, %swap3A_1079] : memref<1x4x2048xi32, #tpu.memory_space<vmem>>, vector<1x1x128xi32>
    %swap3A_1081 = vector.shape_cast %swap3A_1080 : vector<1x1x128xi32> to vector<128xi32>
    %swap3A_1082 = vector.shape_cast %add3A_1076 : vector<128xi32> to vector<1x1x128xi32>
    tpu.vector_store %arg2[%swap3A_1077, %swap3A_1078, %swap3A_1079], %swap3A_1082 {strides = array<i32>} : memref<1x4x2048xi32, #tpu.memory_space<vmem>>, vector<1x1x128xi32>,
    %reduce_sum3A_1083 = arith.constant dense<0.000000e+00> : vector<128xf32>
    %reduce_sum3A_1084 = vector.multi_reduction <add>, %slice3A_1066, %reduce_sum3A_1083 [1] : vector<128x128xf32> to vector<128xf32>
    %broadcast_in_dim3A_1085 = vector.shape_cast %reduce_sum3A_1084 : vector<128xf32> to vector<128x1xf32>
    %add3A_1086 = arith.addf %add3A_1065, %broadcast_in_dim3A_1085 : vector<128x1xf32>
    %slice3A_1087 = vector.extract_strided_slice %convert_element_type3A_745 {offsets = [0, 1920], sizes = [128, 128], strides = [1, 1]} : vector<128x2048xf32> to vector<128x128xf32>
    %dot_general3A_1088 = arith.constant dense<0.000000e+00> : vector<128x128xf32>
    %dot_general3A_1089 = tpu.matmul %slice3A_1087, %convert_element_type3A_1, %dot_general3A_1088 {dimension_numbers = #tpu.dot_dimension_numbers<[1], [0], [0], [1], [0, 0, 1, 1], [], []>, transpose_lhs_hint = false} : vector<128x128xf32>, vector<128x128xf32>, vector<128x128xf32> -> vector<128x128xf32>
    %add3A_1090 = vector.broadcast %add3A_1086 : vector<128x1xf32> to vector<128x128xf32>
    %add3A_1091 = arith.addf %dot_general3A_1089, %add3A_1090 : vector<128x128xf32>
    %mul3A_1092 = arith.mulf %slice3A_1087, %add3A_1091 : vector<128x128xf32>
    %reduce_sum3A_1093 = arith.constant dense<0.000000e+00> : vector<128xf32>
    %reduce_sum3A_1094 = vector.multi_reduction <add>, %mul3A_1092, %reduce_sum3A_1093 [0] : vector<128x128xf32> to vector<128xf32>
    %convert_element_type3A_1095 = arith.fptosi %reduce_sum3A_1094 : vector<128xf32> to vector<128xi32>
    %add3A_1096 = vector.broadcast %add3A_771 : i32 to vector<128xi32>
    %add3A_1097 = arith.addi %convert_element_type3A_1095, %add3A_1096 : vector<128xi32>
    %swap3A_1098 = arith.constant 0 : index
    %swap3A_1099 = arith.constant 2 : index
    %swap3A_1100 = arith.constant 1920 : index
    %swap3A_1101 = vector.load %arg2[%swap3A_1098, %swap3A_1099, %swap3A_1100] : memref<1x4x2048xi32, #tpu.memory_space<vmem>>, vector<1x1x128xi32>
    %swap3A_1102 = vector.shape_cast %swap3A_1101 : vector<1x1x128xi32> to vector<128xi32>
    %swap3A_1103 = vector.shape_cast %add3A_1097 : vector<128xi32> to vector<1x1x128xi32>
    tpu.vector_store %arg2[%swap3A_1098, %swap3A_1099, %swap3A_1100], %swap3A_1103 {strides = array<i32>} : memref<1x4x2048xi32, #tpu.memory_space<vmem>>, vector<1x1x128xi32>,
    %get3A_1104 = arith.constant 0 : index
    %get3A_1105 = arith.constant 3 : index
    %get3A_1106 = arith.constant 0 : index
    %get3A_1107 = vector.load %arg1[%get3A_1104, %get3A_1105, %get3A_1106] : memref<1x4x2048xi32, #tpu.memory_space<vmem>>, vector<1x1x2048xi32>
    %get3A_1108 = vector.shape_cast %get3A_1107 : vector<1x1x2048xi32> to vector<2048xi32>
    %broadcast_in_dim3A_1109 = vector.shape_cast %get3A_1108 : vector<2048xi32> to vector<1x2048xi32>
    %broadcast_in_dim3A_1110 = vector.shape_cast %broadcast_in_dim3A_1109 : vector<1x2048xi32> to vector<1x2048xi32>
    %broadcast_in_dim3A_1111 = vector.broadcast %broadcast_in_dim3A_1110 : vector<1x2048xi32> to vector<128x2048xi32>
    %add3A_1112 = arith.constant 192 : i32
    %add3A_1113 = vector.broadcast %add3A_1112 : i32 to vector<128x2048xi32>
    %add3A_1114 = arith.addi %iota3A_2, %add3A_1113 : vector<128x2048xi32>
    %eq3A_1115 = arith.cmpi eq, %broadcast_in_dim3A_1111, %add3A_1114 : vector<128x2048xi32>
    %convert_element_type3A_1116 = arith.extui %eq3A_1115 : vector<128x2048xi1> to vector<128x2048xi32>
    %convert_element_type3A_1117 = arith.sitofp %convert_element_type3A_1116 : vector<128x2048xi32> to vector<128x2048xf32>
    %gt3A_1118 = arith.cmpi sgt, %add3A_1114, %broadcast_in_dim3A_1111 : vector<128x2048xi32>
    %convert_element_type3A_1119 = arith.extui %gt3A_1118 : vector<128x2048xi1> to vector<128x2048xi32>
    %convert_element_type3A_1120 = arith.sitofp %convert_element_type3A_1119 : vector<128x2048xi32> to vector<128x2048xf32>
    %reduce_sum3A_1121 = arith.constant dense<0.000000e+00> : vector<128xf32>
    %reduce_sum3A_1122 = vector.multi_reduction <add>, %convert_element_type3A_1120, %reduce_sum3A_1121 [1] : vector<128x2048xf32> to vector<128xf32>
    %broadcast_in_dim3A_1123 = vector.shape_cast %reduce_sum3A_1122 : vector<128xf32> to vector<128x1xf32>
    %jit3A_1124 = arith.constant 64 : i32
    %eq3A_1125 = arith.constant 0 : i32
    %eq3A_1126 = arith.cmpi eq, %jit3A_1124, %eq3A_1125 : i32
    %jit3A_1127 = arith.constant 1 : i32
    %select_n3A_1128 = arith.select %eq3A_1126, %jit3A_1127, %jit3A_1124 : i32
    %rem3A_1129 = arith.remsi %arg0, %select_n3A_1128 : i32
    %ne3A_1130 = arith.constant 0 : i32
    %ne3A_1131 = arith.cmpi ne, %rem3A_1129, %ne3A_1130 : i32
    %lt3A_1132 = arith.constant 0 : i32
    %lt3A_1133 = arith.cmpi slt, %rem3A_1129, %lt3A_1132 : i32
    %lt3A_1134 = arith.constant 0 : i32
    %lt3A_1135 = arith.cmpi slt, %select_n3A_1128, %lt3A_1134 : i32
    %ne3A_1136 = arith.xori %lt3A_1133, %lt3A_1135 : i1
    %and3A_1137 = arith.andi %ne3A_1136, %ne3A_1131 : i1
    %add3A_1138 = arith.addi %rem3A_1129, %select_n3A_1128 : i32
    %select_n3A_1139 = arith.select %and3A_1137, %add3A_1138, %rem3A_1129 : i32
    %mul3A_1140 = arith.constant 8192 : i32
    %mul3A_1141 = arith.muli %select_n3A_1139, %mul3A_1140 : i32
    %add3A_1142 = arith.constant 6144 : i32
    %add3A_1143 = arith.addi %mul3A_1141, %add3A_1142 : i32
    %slice3A_1144 = vector.extract_strided_slice %convert_element_type3A_1117 {offsets = [0, 0], sizes = [128, 128], strides = [1, 1]} : vector<128x2048xf32> to vector<128x128xf32>
    %dot_general3A_1145 = arith.constant dense<0.000000e+00> : vector<128x128xf32>
    %dot_general3A_1146 = tpu.matmul %slice3A_1144, %convert_element_type3A_1, %dot_general3A_1145 {dimension_numbers = #tpu.dot_dimension_numbers<[1], [0], [0], [1], [0, 0, 1, 1], [], []>, transpose_lhs_hint = false} : vector<128x128xf32>, vector<128x128xf32>, vector<128x128xf32> -> vector<128x128xf32>
    %add3A_1147 = vector.broadcast %broadcast_in_dim3A_1123 : vector<128x1xf32> to vector<128x128xf32>
    %add3A_1148 = arith.addf %dot_general3A_1146, %add3A_1147 : vector<128x128xf32>
    %mul3A_1149 = arith.mulf %slice3A_1144, %add3A_1148 : vector<128x128xf32>
    %reduce_sum3A_1150 = arith.constant dense<0.000000e+00> : vector<128xf32>
    %reduce_sum3A_1151 = vector.multi_reduction <add>, %mul3A_1149, %reduce_sum3A_1150 [0] : vector<128x128xf32> to vector<128xf32>
    %convert_element_type3A_1152 = arith.fptosi %reduce_sum3A_1151 : vector<128xf32> to vector<128xi32>
    %add3A_1153 = vector.broadcast %add3A_1143 : i32 to vector<128xi32>
    %add3A_1154 = arith.addi %convert_element_type3A_1152, %add3A_1153 : vector<128xi32>
    %swap3A_1155 = arith.constant 0 : index
    %swap3A_1156 = arith.constant 3 : index
    %swap3A_1157 = arith.constant 0 : index
    %swap3A_1158 = vector.load %arg2[%swap3A_1155, %swap3A_1156, %swap3A_1157] : memref<1x4x2048xi32, #tpu.memory_space<vmem>>, vector<1x1x128xi32>
    %swap3A_1159 = vector.shape_cast %swap3A_1158 : vector<1x1x128xi32> to vector<128xi32>
    %swap3A_1160 = vector.shape_cast %add3A_1154 : vector<128xi32> to vector<1x1x128xi32>
    tpu.vector_store %arg2[%swap3A_1155, %swap3A_1156, %swap3A_1157], %swap3A_1160 {strides = array<i32>} : memref<1x4x2048xi32, #tpu.memory_space<vmem>>, vector<1x1x128xi32>,
    %reduce_sum3A_1161 = arith.constant dense<0.000000e+00> : vector<128xf32>
    %reduce_sum3A_1162 = vector.multi_reduction <add>, %slice3A_1144, %reduce_sum3A_1161 [1] : vector<128x128xf32> to vector<128xf32>
    %broadcast_in_dim3A_1163 = vector.shape_cast %reduce_sum3A_1162 : vector<128xf32> to vector<128x1xf32>
    %add3A_1164 = arith.addf %broadcast_in_dim3A_1123, %broadcast_in_dim3A_1163 : vector<128x1xf32>
    %slice3A_1165 = vector.extract_strided_slice %convert_element_type3A_1117 {offsets = [0, 128], sizes = [128, 128], strides = [1, 1]} : vector<128x2048xf32> to vector<128x128xf32>
    %dot_general3A_1166 = arith.constant dense<0.000000e+00> : vector<128x128xf32>
    %dot_general3A_1167 = tpu.matmul %slice3A_1165, %convert_element_type3A_1, %dot_general3A_1166 {dimension_numbers = #tpu.dot_dimension_numbers<[1], [0], [0], [1], [0, 0, 1, 1], [], []>, transpose_lhs_hint = false} : vector<128x128xf32>, vector<128x128xf32>, vector<128x128xf32> -> vector<128x128xf32>
    %add3A_1168 = vector.broadcast %add3A_1164 : vector<128x1xf32> to vector<128x128xf32>
    %add3A_1169 = arith.addf %dot_general3A_1167, %add3A_1168 : vector<128x128xf32>
    %mul3A_1170 = arith.mulf %slice3A_1165, %add3A_1169 : vector<128x128xf32>
    %reduce_sum3A_1171 = arith.constant dense<0.000000e+00> : vector<128xf32>
    %reduce_sum3A_1172 = vector.multi_reduction <add>, %mul3A_1170, %reduce_sum3A_1171 [0] : vector<128x128xf32> to vector<128xf32>
    %convert_element_type3A_1173 = arith.fptosi %reduce_sum3A_1172 : vector<128xf32> to vector<128xi32>
    %add3A_1174 = vector.broadcast %add3A_1143 : i32 to vector<128xi32>
    %add3A_1175 = arith.addi %convert_element_type3A_1173, %add3A_1174 : vector<128xi32>
    %swap3A_1176 = arith.constant 0 : index
    %swap3A_1177 = arith.constant 3 : index
    %swap3A_1178 = arith.constant 128 : index
    %swap3A_1179 = vector.load %arg2[%swap3A_1176, %swap3A_1177, %swap3A_1178] : memref<1x4x2048xi32, #tpu.memory_space<vmem>>, vector<1x1x128xi32>
    %swap3A_1180 = vector.shape_cast %swap3A_1179 : vector<1x1x128xi32> to vector<128xi32>
    %swap3A_1181 = vector.shape_cast %add3A_1175 : vector<128xi32> to vector<1x1x128xi32>
    tpu.vector_store %arg2[%swap3A_1176, %swap3A_1177, %swap3A_1178], %swap3A_1181 {strides = array<i32>} : memref<1x4x2048xi32, #tpu.memory_space<vmem>>, vector<1x1x128xi32>,
    %reduce_sum3A_1182 = arith.constant dense<0.000000e+00> : vector<128xf32>
    %reduce_sum3A_1183 = vector.multi_reduction <add>, %slice3A_1165, %reduce_sum3A_1182 [1] : vector<128x128xf32> to vector<128xf32>
    %broadcast_in_dim3A_1184 = vector.shape_cast %reduce_sum3A_1183 : vector<128xf32> to vector<128x1xf32>
    %add3A_1185 = arith.addf %add3A_1164, %broadcast_in_dim3A_1184 : vector<128x1xf32>
    %slice3A_1186 = vector.extract_strided_slice %convert_element_type3A_1117 {offsets = [0, 256], sizes = [128, 128], strides = [1, 1]} : vector<128x2048xf32> to vector<128x128xf32>
    %dot_general3A_1187 = arith.constant dense<0.000000e+00> : vector<128x128xf32>
    %dot_general3A_1188 = tpu.matmul %slice3A_1186, %convert_element_type3A_1, %dot_general3A_1187 {dimension_numbers = #tpu.dot_dimension_numbers<[1], [0], [0], [1], [0, 0, 1, 1], [], []>, transpose_lhs_hint = false} : vector<128x128xf32>, vector<128x128xf32>, vector<128x128xf32> -> vector<128x128xf32>
    %add3A_1189 = vector.broadcast %add3A_1185 : vector<128x1xf32> to vector<128x128xf32>
    %add3A_1190 = arith.addf %dot_general3A_1188, %add3A_1189 : vector<128x128xf32>
    %mul3A_1191 = arith.mulf %slice3A_1186, %add3A_1190 : vector<128x128xf32>
    %reduce_sum3A_1192 = arith.constant dense<0.000000e+00> : vector<128xf32>
    %reduce_sum3A_1193 = vector.multi_reduction <add>, %mul3A_1191, %reduce_sum3A_1192 [0] : vector<128x128xf32> to vector<128xf32>
    %convert_element_type3A_1194 = arith.fptosi %reduce_sum3A_1193 : vector<128xf32> to vector<128xi32>
    %add3A_1195 = vector.broadcast %add3A_1143 : i32 to vector<128xi32>
    %add3A_1196 = arith.addi %convert_element_type3A_1194, %add3A_1195 : vector<128xi32>
    %swap3A_1197 = arith.constant 0 : index
    %swap3A_1198 = arith.constant 3 : index
    %swap3A_1199 = arith.constant 256 : index
    %swap3A_1200 = vector.load %arg2[%swap3A_1197, %swap3A_1198, %swap3A_1199] : memref<1x4x2048xi32, #tpu.memory_space<vmem>>, vector<1x1x128xi32>
    %swap3A_1201 = vector.shape_cast %swap3A_1200 : vector<1x1x128xi32> to vector<128xi32>
    %swap3A_1202 = vector.shape_cast %add3A_1196 : vector<128xi32> to vector<1x1x128xi32>
    tpu.vector_store %arg2[%swap3A_1197, %swap3A_1198, %swap3A_1199], %swap3A_1202 {strides = array<i32>} : memref<1x4x2048xi32, #tpu.memory_space<vmem>>, vector<1x1x128xi32>,
    %reduce_sum3A_1203 = arith.constant dense<0.000000e+00> : vector<128xf32>
    %reduce_sum3A_1204 = vector.multi_reduction <add>, %slice3A_1186, %reduce_sum3A_1203 [1] : vector<128x128xf32> to vector<128xf32>
    %broadcast_in_dim3A_1205 = vector.shape_cast %reduce_sum3A_1204 : vector<128xf32> to vector<128x1xf32>
    %add3A_1206 = arith.addf %add3A_1185, %broadcast_in_dim3A_1205 : vector<128x1xf32>
    %slice3A_1207 = vector.extract_strided_slice %convert_element_type3A_1117 {offsets = [0, 384], sizes = [128, 128], strides = [1, 1]} : vector<128x2048xf32> to vector<128x128xf32>
    %dot_general3A_1208 = arith.constant dense<0.000000e+00> : vector<128x128xf32>
    %dot_general3A_1209 = tpu.matmul %slice3A_1207, %convert_element_type3A_1, %dot_general3A_1208 {dimension_numbers = #tpu.dot_dimension_numbers<[1], [0], [0], [1], [0, 0, 1, 1], [], []>, transpose_lhs_hint = false} : vector<128x128xf32>, vector<128x128xf32>, vector<128x128xf32> -> vector<128x128xf32>
    %add3A_1210 = vector.broadcast %add3A_1206 : vector<128x1xf32> to vector<128x128xf32>
    %add3A_1211 = arith.addf %dot_general3A_1209, %add3A_1210 : vector<128x128xf32>
    %mul3A_1212 = arith.mulf %slice3A_1207, %add3A_1211 : vector<128x128xf32>
    %reduce_sum3A_1213 = arith.constant dense<0.000000e+00> : vector<128xf32>
    %reduce_sum3A_1214 = vector.multi_reduction <add>, %mul3A_1212, %reduce_sum3A_1213 [0] : vector<128x128xf32> to vector<128xf32>
    %convert_element_type3A_1215 = arith.fptosi %reduce_sum3A_1214 : vector<128xf32> to vector<128xi32>
    %add3A_1216 = vector.broadcast %add3A_1143 : i32 to vector<128xi32>
    %add3A_1217 = arith.addi %convert_element_type3A_1215, %add3A_1216 : vector<128xi32>
    %swap3A_1218 = arith.constant 0 : index
    %swap3A_1219 = arith.constant 3 : index
    %swap3A_1220 = arith.constant 384 : index
    %swap3A_1221 = vector.load %arg2[%swap3A_1218, %swap3A_1219, %swap3A_1220] : memref<1x4x2048xi32, #tpu.memory_space<vmem>>, vector<1x1x128xi32>
    %swap3A_1222 = vector.shape_cast %swap3A_1221 : vector<1x1x128xi32> to vector<128xi32>
    %swap3A_1223 = vector.shape_cast %add3A_1217 : vector<128xi32> to vector<1x1x128xi32>
    tpu.vector_store %arg2[%swap3A_1218, %swap3A_1219, %swap3A_1220], %swap3A_1223 {strides = array<i32>} : memref<1x4x2048xi32, #tpu.memory_space<vmem>>, vector<1x1x128xi32>,
    %reduce_sum3A_1224 = arith.constant dense<0.000000e+00> : vector<128xf32>
    %reduce_sum3A_1225 = vector.multi_reduction <add>, %slice3A_1207, %reduce_sum3A_1224 [1] : vector<128x128xf32> to vector<128xf32>
    %broadcast_in_dim3A_1226 = vector.shape_cast %reduce_sum3A_1225 : vector<128xf32> to vector<128x1xf32>
    %add3A_1227 = arith.addf %add3A_1206, %broadcast_in_dim3A_1226 : vector<128x1xf32>
    %slice3A_1228 = vector.extract_strided_slice %convert_element_type3A_1117 {offsets = [0, 512], sizes = [128, 128], strides = [1, 1]} : vector<128x2048xf32> to vector<128x128xf32>
    %dot_general3A_1229 = arith.constant dense<0.000000e+00> : vector<128x128xf32>
    %dot_general3A_1230 = tpu.matmul %slice3A_1228, %convert_element_type3A_1, %dot_general3A_1229 {dimension_numbers = #tpu.dot_dimension_numbers<[1], [0], [0], [1], [0, 0, 1, 1], [], []>, transpose_lhs_hint = false} : vector<128x128xf32>, vector<128x128xf32>, vector<128x128xf32> -> vector<128x128xf32>
    %add3A_1231 = vector.broadcast %add3A_1227 : vector<128x1xf32> to vector<128x128xf32>
    %add3A_1232 = arith.addf %dot_general3A_1230, %add3A_1231 : vector<128x128xf32>
    %mul3A_1233 = arith.mulf %slice3A_1228, %add3A_1232 : vector<128x128xf32>
    %reduce_sum3A_1234 = arith.constant dense<0.000000e+00> : vector<128xf32>
    %reduce_sum3A_1235 = vector.multi_reduction <add>, %mul3A_1233, %reduce_sum3A_1234 [0] : vector<128x128xf32> to vector<128xf32>
    %convert_element_type3A_1236 = arith.fptosi %reduce_sum3A_1235 : vector<128xf32> to vector<128xi32>
    %add3A_1237 = vector.broadcast %add3A_1143 : i32 to vector<128xi32>
    %add3A_1238 = arith.addi %convert_element_type3A_1236, %add3A_1237 : vector<128xi32>
    %swap3A_1239 = arith.constant 0 : index
    %swap3A_1240 = arith.constant 3 : index
    %swap3A_1241 = arith.constant 512 : index
    %swap3A_1242 = vector.load %arg2[%swap3A_1239, %swap3A_1240, %swap3A_1241] : memref<1x4x2048xi32, #tpu.memory_space<vmem>>, vector<1x1x128xi32>
    %swap3A_1243 = vector.shape_cast %swap3A_1242 : vector<1x1x128xi32> to vector<128xi32>
    %swap3A_1244 = vector.shape_cast %add3A_1238 : vector<128xi32> to vector<1x1x128xi32>
    tpu.vector_store %arg2[%swap3A_1239, %swap3A_1240, %swap3A_1241], %swap3A_1244 {strides = array<i32>} : memref<1x4x2048xi32, #tpu.memory_space<vmem>>, vector<1x1x128xi32>,
    %reduce_sum3A_1245 = arith.constant dense<0.000000e+00> : vector<128xf32>
    %reduce_sum3A_1246 = vector.multi_reduction <add>, %slice3A_1228, %reduce_sum3A_1245 [1] : vector<128x128xf32> to vector<128xf32>
    %broadcast_in_dim3A_1247 = vector.shape_cast %reduce_sum3A_1246 : vector<128xf32> to vector<128x1xf32>
    %add3A_1248 = arith.addf %add3A_1227, %broadcast_in_dim3A_1247 : vector<128x1xf32>
    %slice3A_1249 = vector.extract_strided_slice %convert_element_type3A_1117 {offsets = [0, 640], sizes = [128, 128], strides = [1, 1]} : vector<128x2048xf32> to vector<128x128xf32>
    %dot_general3A_1250 = arith.constant dense<0.000000e+00> : vector<128x128xf32>
    %dot_general3A_1251 = tpu.matmul %slice3A_1249, %convert_element_type3A_1, %dot_general3A_1250 {dimension_numbers = #tpu.dot_dimension_numbers<[1], [0], [0], [1], [0, 0, 1, 1], [], []>, transpose_lhs_hint = false} : vector<128x128xf32>, vector<128x128xf32>, vector<128x128xf32> -> vector<128x128xf32>
    %add3A_1252 = vector.broadcast %add3A_1248 : vector<128x1xf32> to vector<128x128xf32>
    %add3A_1253 = arith.addf %dot_general3A_1251, %add3A_1252 : vector<128x128xf32>
    %mul3A_1254 = arith.mulf %slice3A_1249, %add3A_1253 : vector<128x128xf32>
    %reduce_sum3A_1255 = arith.constant dense<0.000000e+00> : vector<128xf32>
    %reduce_sum3A_1256 = vector.multi_reduction <add>, %mul3A_1254, %reduce_sum3A_1255 [0] : vector<128x128xf32> to vector<128xf32>
    %convert_element_type3A_1257 = arith.fptosi %reduce_sum3A_1256 : vector<128xf32> to vector<128xi32>
    %add3A_1258 = vector.broadcast %add3A_1143 : i32 to vector<128xi32>
    %add3A_1259 = arith.addi %convert_element_type3A_1257, %add3A_1258 : vector<128xi32>
    %swap3A_1260 = arith.constant 0 : index
    %swap3A_1261 = arith.constant 3 : index
    %swap3A_1262 = arith.constant 640 : index
    %swap3A_1263 = vector.load %arg2[%swap3A_1260, %swap3A_1261, %swap3A_1262] : memref<1x4x2048xi32, #tpu.memory_space<vmem>>, vector<1x1x128xi32>
    %swap3A_1264 = vector.shape_cast %swap3A_1263 : vector<1x1x128xi32> to vector<128xi32>
    %swap3A_1265 = vector.shape_cast %add3A_1259 : vector<128xi32> to vector<1x1x128xi32>
    tpu.vector_store %arg2[%swap3A_1260, %swap3A_1261, %swap3A_1262], %swap3A_1265 {strides = array<i32>} : memref<1x4x2048xi32, #tpu.memory_space<vmem>>, vector<1x1x128xi32>,
    %reduce_sum3A_1266 = arith.constant dense<0.000000e+00> : vector<128xf32>
    %reduce_sum3A_1267 = vector.multi_reduction <add>, %slice3A_1249, %reduce_sum3A_1266 [1] : vector<128x128xf32> to vector<128xf32>
    %broadcast_in_dim3A_1268 = vector.shape_cast %reduce_sum3A_1267 : vector<128xf32> to vector<128x1xf32>
    %add3A_1269 = arith.addf %add3A_1248, %broadcast_in_dim3A_1268 : vector<128x1xf32>
    %slice3A_1270 = vector.extract_strided_slice %convert_element_type3A_1117 {offsets = [0, 768], sizes = [128, 128], strides = [1, 1]} : vector<128x2048xf32> to vector<128x128xf32>
    %dot_general3A_1271 = arith.constant dense<0.000000e+00> : vector<128x128xf32>
    %dot_general3A_1272 = tpu.matmul %slice3A_1270, %convert_element_type3A_1, %dot_general3A_1271 {dimension_numbers = #tpu.dot_dimension_numbers<[1], [0], [0], [1], [0, 0, 1, 1], [], []>, transpose_lhs_hint = false} : vector<128x128xf32>, vector<128x128xf32>, vector<128x128xf32> -> vector<128x128xf32>
    %add3A_1273 = vector.broadcast %add3A_1269 : vector<128x1xf32> to vector<128x128xf32>
    %add3A_1274 = arith.addf %dot_general3A_1272, %add3A_1273 : vector<128x128xf32>
    %mul3A_1275 = arith.mulf %slice3A_1270, %add3A_1274 : vector<128x128xf32>
    %reduce_sum3A_1276 = arith.constant dense<0.000000e+00> : vector<128xf32>
    %reduce_sum3A_1277 = vector.multi_reduction <add>, %mul3A_1275, %reduce_sum3A_1276 [0] : vector<128x128xf32> to vector<128xf32>
    %convert_element_type3A_1278 = arith.fptosi %reduce_sum3A_1277 : vector<128xf32> to vector<128xi32>
    %add3A_1279 = vector.broadcast %add3A_1143 : i32 to vector<128xi32>
    %add3A_1280 = arith.addi %convert_element_type3A_1278, %add3A_1279 : vector<128xi32>
    %swap3A_1281 = arith.constant 0 : index
    %swap3A_1282 = arith.constant 3 : index
    %swap3A_1283 = arith.constant 768 : index
    %swap3A_1284 = vector.load %arg2[%swap3A_1281, %swap3A_1282, %swap3A_1283] : memref<1x4x2048xi32, #tpu.memory_space<vmem>>, vector<1x1x128xi32>
    %swap3A_1285 = vector.shape_cast %swap3A_1284 : vector<1x1x128xi32> to vector<128xi32>
    %swap3A_1286 = vector.shape_cast %add3A_1280 : vector<128xi32> to vector<1x1x128xi32>
    tpu.vector_store %arg2[%swap3A_1281, %swap3A_1282, %swap3A_1283], %swap3A_1286 {strides = array<i32>} : memref<1x4x2048xi32, #tpu.memory_space<vmem>>, vector<1x1x128xi32>,
    %reduce_sum3A_1287 = arith.constant dense<0.000000e+00> : vector<128xf32>
    %reduce_sum3A_1288 = vector.multi_reduction <add>, %slice3A_1270, %reduce_sum3A_1287 [1] : vector<128x128xf32> to vector<128xf32>
    %broadcast_in_dim3A_1289 = vector.shape_cast %reduce_sum3A_1288 : vector<128xf32> to vector<128x1xf32>
    %add3A_1290 = arith.addf %add3A_1269, %broadcast_in_dim3A_1289 : vector<128x1xf32>
    %slice3A_1291 = vector.extract_strided_slice %convert_element_type3A_1117 {offsets = [0, 896], sizes = [128, 128], strides = [1, 1]} : vector<128x2048xf32> to vector<128x128xf32>
    %dot_general3A_1292 = arith.constant dense<0.000000e+00> : vector<128x128xf32>
    %dot_general3A_1293 = tpu.matmul %slice3A_1291, %convert_element_type3A_1, %dot_general3A_1292 {dimension_numbers = #tpu.dot_dimension_numbers<[1], [0], [0], [1], [0, 0, 1, 1], [], []>, transpose_lhs_hint = false} : vector<128x128xf32>, vector<128x128xf32>, vector<128x128xf32> -> vector<128x128xf32>
    %add3A_1294 = vector.broadcast %add3A_1290 : vector<128x1xf32> to vector<128x128xf32>
    %add3A_1295 = arith.addf %dot_general3A_1293, %add3A_1294 : vector<128x128xf32>
    %mul3A_1296 = arith.mulf %slice3A_1291, %add3A_1295 : vector<128x128xf32>
    %reduce_sum3A_1297 = arith.constant dense<0.000000e+00> : vector<128xf32>
    %reduce_sum3A_1298 = vector.multi_reduction <add>, %mul3A_1296, %reduce_sum3A_1297 [0] : vector<128x128xf32> to vector<128xf32>
    %convert_element_type3A_1299 = arith.fptosi %reduce_sum3A_1298 : vector<128xf32> to vector<128xi32>
    %add3A_1300 = vector.broadcast %add3A_1143 : i32 to vector<128xi32>
    %add3A_1301 = arith.addi %convert_element_type3A_1299, %add3A_1300 : vector<128xi32>
    %swap3A_1302 = arith.constant 0 : index
    %swap3A_1303 = arith.constant 3 : index
    %swap3A_1304 = arith.constant 896 : index
    %swap3A_1305 = vector.load %arg2[%swap3A_1302, %swap3A_1303, %swap3A_1304] : memref<1x4x2048xi32, #tpu.memory_space<vmem>>, vector<1x1x128xi32>
    %swap3A_1306 = vector.shape_cast %swap3A_1305 : vector<1x1x128xi32> to vector<128xi32>
    %swap3A_1307 = vector.shape_cast %add3A_1301 : vector<128xi32> to vector<1x1x128xi32>
    tpu.vector_store %arg2[%swap3A_1302, %swap3A_1303, %swap3A_1304], %swap3A_1307 {strides = array<i32>} : memref<1x4x2048xi32, #tpu.memory_space<vmem>>, vector<1x1x128xi32>,
    %reduce_sum3A_1308 = arith.constant dense<0.000000e+00> : vector<128xf32>
    %reduce_sum3A_1309 = vector.multi_reduction <add>, %slice3A_1291, %reduce_sum3A_1308 [1] : vector<128x128xf32> to vector<128xf32>
    %broadcast_in_dim3A_1310 = vector.shape_cast %reduce_sum3A_1309 : vector<128xf32> to vector<128x1xf32>
    %add3A_1311 = arith.addf %add3A_1290, %broadcast_in_dim3A_1310 : vector<128x1xf32>
    %slice3A_1312 = vector.extract_strided_slice %convert_element_type3A_1117 {offsets = [0, 1024], sizes = [128, 128], strides = [1, 1]} : vector<128x2048xf32> to vector<128x128xf32>
    %dot_general3A_1313 = arith.constant dense<0.000000e+00> : vector<128x128xf32>
    %dot_general3A_1314 = tpu.matmul %slice3A_1312, %convert_element_type3A_1, %dot_general3A_1313 {dimension_numbers = #tpu.dot_dimension_numbers<[1], [0], [0], [1], [0, 0, 1, 1], [], []>, transpose_lhs_hint = false} : vector<128x128xf32>, vector<128x128xf32>, vector<128x128xf32> -> vector<128x128xf32>
    %add3A_1315 = vector.broadcast %add3A_1311 : vector<128x1xf32> to vector<128x128xf32>
    %add3A_1316 = arith.addf %dot_general3A_1314, %add3A_1315 : vector<128x128xf32>
    %mul3A_1317 = arith.mulf %slice3A_1312, %add3A_1316 : vector<128x128xf32>
    %reduce_sum3A_1318 = arith.constant dense<0.000000e+00> : vector<128xf32>
    %reduce_sum3A_1319 = vector.multi_reduction <add>, %mul3A_1317, %reduce_sum3A_1318 [0] : vector<128x128xf32> to vector<128xf32>
    %convert_element_type3A_1320 = arith.fptosi %reduce_sum3A_1319 : vector<128xf32> to vector<128xi32>
    %add3A_1321 = vector.broadcast %add3A_1143 : i32 to vector<128xi32>
    %add3A_1322 = arith.addi %convert_element_type3A_1320, %add3A_1321 : vector<128xi32>
    %swap3A_1323 = arith.constant 0 : index
    %swap3A_1324 = arith.constant 3 : index
    %swap3A_1325 = arith.constant 1024 : index
    %swap3A_1326 = vector.load %arg2[%swap3A_1323, %swap3A_1324, %swap3A_1325] : memref<1x4x2048xi32, #tpu.memory_space<vmem>>, vector<1x1x128xi32>
    %swap3A_1327 = vector.shape_cast %swap3A_1326 : vector<1x1x128xi32> to vector<128xi32>
    %swap3A_1328 = vector.shape_cast %add3A_1322 : vector<128xi32> to vector<1x1x128xi32>
    tpu.vector_store %arg2[%swap3A_1323, %swap3A_1324, %swap3A_1325], %swap3A_1328 {strides = array<i32>} : memref<1x4x2048xi32, #tpu.memory_space<vmem>>, vector<1x1x128xi32>,
    %reduce_sum3A_1329 = arith.constant dense<0.000000e+00> : vector<128xf32>
    %reduce_sum3A_1330 = vector.multi_reduction <add>, %slice3A_1312, %reduce_sum3A_1329 [1] : vector<128x128xf32> to vector<128xf32>
    %broadcast_in_dim3A_1331 = vector.shape_cast %reduce_sum3A_1330 : vector<128xf32> to vector<128x1xf32>
    %add3A_1332 = arith.addf %add3A_1311, %broadcast_in_dim3A_1331 : vector<128x1xf32>
    %slice3A_1333 = vector.extract_strided_slice %convert_element_type3A_1117 {offsets = [0, 1152], sizes = [128, 128], strides = [1, 1]} : vector<128x2048xf32> to vector<128x128xf32>
    %dot_general3A_1334 = arith.constant dense<0.000000e+00> : vector<128x128xf32>
    %dot_general3A_1335 = tpu.matmul %slice3A_1333, %convert_element_type3A_1, %dot_general3A_1334 {dimension_numbers = #tpu.dot_dimension_numbers<[1], [0], [0], [1], [0, 0, 1, 1], [], []>, transpose_lhs_hint = false} : vector<128x128xf32>, vector<128x128xf32>, vector<128x128xf32> -> vector<128x128xf32>
    %add3A_1336 = vector.broadcast %add3A_1332 : vector<128x1xf32> to vector<128x128xf32>
    %add3A_1337 = arith.addf %dot_general3A_1335, %add3A_1336 : vector<128x128xf32>
    %mul3A_1338 = arith.mulf %slice3A_1333, %add3A_1337 : vector<128x128xf32>
    %reduce_sum3A_1339 = arith.constant dense<0.000000e+00> : vector<128xf32>
    %reduce_sum3A_1340 = vector.multi_reduction <add>, %mul3A_1338, %reduce_sum3A_1339 [0] : vector<128x128xf32> to vector<128xf32>
    %convert_element_type3A_1341 = arith.fptosi %reduce_sum3A_1340 : vector<128xf32> to vector<128xi32>
    %add3A_1342 = vector.broadcast %add3A_1143 : i32 to vector<128xi32>
    %add3A_1343 = arith.addi %convert_element_type3A_1341, %add3A_1342 : vector<128xi32>
    %swap3A_1344 = arith.constant 0 : index
    %swap3A_1345 = arith.constant 3 : index
    %swap3A_1346 = arith.constant 1152 : index
    %swap3A_1347 = vector.load %arg2[%swap3A_1344, %swap3A_1345, %swap3A_1346] : memref<1x4x2048xi32, #tpu.memory_space<vmem>>, vector<1x1x128xi32>
    %swap3A_1348 = vector.shape_cast %swap3A_1347 : vector<1x1x128xi32> to vector<128xi32>
    %swap3A_1349 = vector.shape_cast %add3A_1343 : vector<128xi32> to vector<1x1x128xi32>
    tpu.vector_store %arg2[%swap3A_1344, %swap3A_1345, %swap3A_1346], %swap3A_1349 {strides = array<i32>} : memref<1x4x2048xi32, #tpu.memory_space<vmem>>, vector<1x1x128xi32>,
    %reduce_sum3A_1350 = arith.constant dense<0.000000e+00> : vector<128xf32>
    %reduce_sum3A_1351 = vector.multi_reduction <add>, %slice3A_1333, %reduce_sum3A_1350 [1] : vector<128x128xf32> to vector<128xf32>
    %broadcast_in_dim3A_1352 = vector.shape_cast %reduce_sum3A_1351 : vector<128xf32> to vector<128x1xf32>
    %add3A_1353 = arith.addf %add3A_1332, %broadcast_in_dim3A_1352 : vector<128x1xf32>
    %slice3A_1354 = vector.extract_strided_slice %convert_element_type3A_1117 {offsets = [0, 1280], sizes = [128, 128], strides = [1, 1]} : vector<128x2048xf32> to vector<128x128xf32>
    %dot_general3A_1355 = arith.constant dense<0.000000e+00> : vector<128x128xf32>
    %dot_general3A_1356 = tpu.matmul %slice3A_1354, %convert_element_type3A_1, %dot_general3A_1355 {dimension_numbers = #tpu.dot_dimension_numbers<[1], [0], [0], [1], [0, 0, 1, 1], [], []>, transpose_lhs_hint = false} : vector<128x128xf32>, vector<128x128xf32>, vector<128x128xf32> -> vector<128x128xf32>
    %add3A_1357 = vector.broadcast %add3A_1353 : vector<128x1xf32> to vector<128x128xf32>
    %add3A_1358 = arith.addf %dot_general3A_1356, %add3A_1357 : vector<128x128xf32>
    %mul3A_1359 = arith.mulf %slice3A_1354, %add3A_1358 : vector<128x128xf32>
    %reduce_sum3A_1360 = arith.constant dense<0.000000e+00> : vector<128xf32>
    %reduce_sum3A_1361 = vector.multi_reduction <add>, %mul3A_1359, %reduce_sum3A_1360 [0] : vector<128x128xf32> to vector<128xf32>
    %convert_element_type3A_1362 = arith.fptosi %reduce_sum3A_1361 : vector<128xf32> to vector<128xi32>
    %add3A_1363 = vector.broadcast %add3A_1143 : i32 to vector<128xi32>
    %add3A_1364 = arith.addi %convert_element_type3A_1362, %add3A_1363 : vector<128xi32>
    %swap3A_1365 = arith.constant 0 : index
    %swap3A_1366 = arith.constant 3 : index
    %swap3A_1367 = arith.constant 1280 : index
    %swap3A_1368 = vector.load %arg2[%swap3A_1365, %swap3A_1366, %swap3A_1367] : memref<1x4x2048xi32, #tpu.memory_space<vmem>>, vector<1x1x128xi32>
    %swap3A_1369 = vector.shape_cast %swap3A_1368 : vector<1x1x128xi32> to vector<128xi32>
    %swap3A_1370 = vector.shape_cast %add3A_1364 : vector<128xi32> to vector<1x1x128xi32>
    tpu.vector_store %arg2[%swap3A_1365, %swap3A_1366, %swap3A_1367], %swap3A_1370 {strides = array<i32>} : memref<1x4x2048xi32, #tpu.memory_space<vmem>>, vector<1x1x128xi32>,
    %reduce_sum3A_1371 = arith.constant dense<0.000000e+00> : vector<128xf32>
    %reduce_sum3A_1372 = vector.multi_reduction <add>, %slice3A_1354, %reduce_sum3A_1371 [1] : vector<128x128xf32> to vector<128xf32>
    %broadcast_in_dim3A_1373 = vector.shape_cast %reduce_sum3A_1372 : vector<128xf32> to vector<128x1xf32>
    %add3A_1374 = arith.addf %add3A_1353, %broadcast_in_dim3A_1373 : vector<128x1xf32>
    %slice3A_1375 = vector.extract_strided_slice %convert_element_type3A_1117 {offsets = [0, 1408], sizes = [128, 128], strides = [1, 1]} : vector<128x2048xf32> to vector<128x128xf32>
    %dot_general3A_1376 = arith.constant dense<0.000000e+00> : vector<128x128xf32>
    %dot_general3A_1377 = tpu.matmul %slice3A_1375, %convert_element_type3A_1, %dot_general3A_1376 {dimension_numbers = #tpu.dot_dimension_numbers<[1], [0], [0], [1], [0, 0, 1, 1], [], []>, transpose_lhs_hint = false} : vector<128x128xf32>, vector<128x128xf32>, vector<128x128xf32> -> vector<128x128xf32>
    %add3A_1378 = vector.broadcast %add3A_1374 : vector<128x1xf32> to vector<128x128xf32>
    %add3A_1379 = arith.addf %dot_general3A_1377, %add3A_1378 : vector<128x128xf32>
    %mul3A_1380 = arith.mulf %slice3A_1375, %add3A_1379 : vector<128x128xf32>
    %reduce_sum3A_1381 = arith.constant dense<0.000000e+00> : vector<128xf32>
    %reduce_sum3A_1382 = vector.multi_reduction <add>, %mul3A_1380, %reduce_sum3A_1381 [0] : vector<128x128xf32> to vector<128xf32>
    %convert_element_type3A_1383 = arith.fptosi %reduce_sum3A_1382 : vector<128xf32> to vector<128xi32>
    %add3A_1384 = vector.broadcast %add3A_1143 : i32 to vector<128xi32>
    %add3A_1385 = arith.addi %convert_element_type3A_1383, %add3A_1384 : vector<128xi32>
    %swap3A_1386 = arith.constant 0 : index
    %swap3A_1387 = arith.constant 3 : index
    %swap3A_1388 = arith.constant 1408 : index
    %swap3A_1389 = vector.load %arg2[%swap3A_1386, %swap3A_1387, %swap3A_1388] : memref<1x4x2048xi32, #tpu.memory_space<vmem>>, vector<1x1x128xi32>
    %swap3A_1390 = vector.shape_cast %swap3A_1389 : vector<1x1x128xi32> to vector<128xi32>
    %swap3A_1391 = vector.shape_cast %add3A_1385 : vector<128xi32> to vector<1x1x128xi32>
    tpu.vector_store %arg2[%swap3A_1386, %swap3A_1387, %swap3A_1388], %swap3A_1391 {strides = array<i32>} : memref<1x4x2048xi32, #tpu.memory_space<vmem>>, vector<1x1x128xi32>,
    %reduce_sum3A_1392 = arith.constant dense<0.000000e+00> : vector<128xf32>
    %reduce_sum3A_1393 = vector.multi_reduction <add>, %slice3A_1375, %reduce_sum3A_1392 [1] : vector<128x128xf32> to vector<128xf32>
    %broadcast_in_dim3A_1394 = vector.shape_cast %reduce_sum3A_1393 : vector<128xf32> to vector<128x1xf32>
    %add3A_1395 = arith.addf %add3A_1374, %broadcast_in_dim3A_1394 : vector<128x1xf32>
    %slice3A_1396 = vector.extract_strided_slice %convert_element_type3A_1117 {offsets = [0, 1536], sizes = [128, 128], strides = [1, 1]} : vector<128x2048xf32> to vector<128x128xf32>
    %dot_general3A_1397 = arith.constant dense<0.000000e+00> : vector<128x128xf32>
    %dot_general3A_1398 = tpu.matmul %slice3A_1396, %convert_element_type3A_1, %dot_general3A_1397 {dimension_numbers = #tpu.dot_dimension_numbers<[1], [0], [0], [1], [0, 0, 1, 1], [], []>, transpose_lhs_hint = false} : vector<128x128xf32>, vector<128x128xf32>, vector<128x128xf32> -> vector<128x128xf32>
    %add3A_1399 = vector.broadcast %add3A_1395 : vector<128x1xf32> to vector<128x128xf32>
    %add3A_1400 = arith.addf %dot_general3A_1398, %add3A_1399 : vector<128x128xf32>
    %mul3A_1401 = arith.mulf %slice3A_1396, %add3A_1400 : vector<128x128xf32>
    %reduce_sum3A_1402 = arith.constant dense<0.000000e+00> : vector<128xf32>
    %reduce_sum3A_1403 = vector.multi_reduction <add>, %mul3A_1401, %reduce_sum3A_1402 [0] : vector<128x128xf32> to vector<128xf32>
    %convert_element_type3A_1404 = arith.fptosi %reduce_sum3A_1403 : vector<128xf32> to vector<128xi32>
    %add3A_1405 = vector.broadcast %add3A_1143 : i32 to vector<128xi32>
    %add3A_1406 = arith.addi %convert_element_type3A_1404, %add3A_1405 : vector<128xi32>
    %swap3A_1407 = arith.constant 0 : index
    %swap3A_1408 = arith.constant 3 : index
    %swap3A_1409 = arith.constant 1536 : index
    %swap3A_1410 = vector.load %arg2[%swap3A_1407, %swap3A_1408, %swap3A_1409] : memref<1x4x2048xi32, #tpu.memory_space<vmem>>, vector<1x1x128xi32>
    %swap3A_1411 = vector.shape_cast %swap3A_1410 : vector<1x1x128xi32> to vector<128xi32>
    %swap3A_1412 = vector.shape_cast %add3A_1406 : vector<128xi32> to vector<1x1x128xi32>
    tpu.vector_store %arg2[%swap3A_1407, %swap3A_1408, %swap3A_1409], %swap3A_1412 {strides = array<i32>} : memref<1x4x2048xi32, #tpu.memory_space<vmem>>, vector<1x1x128xi32>,
    %reduce_sum3A_1413 = arith.constant dense<0.000000e+00> : vector<128xf32>
    %reduce_sum3A_1414 = vector.multi_reduction <add>, %slice3A_1396, %reduce_sum3A_1413 [1] : vector<128x128xf32> to vector<128xf32>
    %broadcast_in_dim3A_1415 = vector.shape_cast %reduce_sum3A_1414 : vector<128xf32> to vector<128x1xf32>
    %add3A_1416 = arith.addf %add3A_1395, %broadcast_in_dim3A_1415 : vector<128x1xf32>
    %slice3A_1417 = vector.extract_strided_slice %convert_element_type3A_1117 {offsets = [0, 1664], sizes = [128, 128], strides = [1, 1]} : vector<128x2048xf32> to vector<128x128xf32>
    %dot_general3A_1418 = arith.constant dense<0.000000e+00> : vector<128x128xf32>
    %dot_general3A_1419 = tpu.matmul %slice3A_1417, %convert_element_type3A_1, %dot_general3A_1418 {dimension_numbers = #tpu.dot_dimension_numbers<[1], [0], [0], [1], [0, 0, 1, 1], [], []>, transpose_lhs_hint = false} : vector<128x128xf32>, vector<128x128xf32>, vector<128x128xf32> -> vector<128x128xf32>
    %add3A_1420 = vector.broadcast %add3A_1416 : vector<128x1xf32> to vector<128x128xf32>
    %add3A_1421 = arith.addf %dot_general3A_1419, %add3A_1420 : vector<128x128xf32>
    %mul3A_1422 = arith.mulf %slice3A_1417, %add3A_1421 : vector<128x128xf32>
    %reduce_sum3A_1423 = arith.constant dense<0.000000e+00> : vector<128xf32>
    %reduce_sum3A_1424 = vector.multi_reduction <add>, %mul3A_1422, %reduce_sum3A_1423 [0] : vector<128x128xf32> to vector<128xf32>
    %convert_element_type3A_1425 = arith.fptosi %reduce_sum3A_1424 : vector<128xf32> to vector<128xi32>
    %add3A_1426 = vector.broadcast %add3A_1143 : i32 to vector<128xi32>
    %add3A_1427 = arith.addi %convert_element_type3A_1425, %add3A_1426 : vector<128xi32>
    %swap3A_1428 = arith.constant 0 : index
    %swap3A_1429 = arith.constant 3 : index
    %swap3A_1430 = arith.constant 1664 : index
    %swap3A_1431 = vector.load %arg2[%swap3A_1428, %swap3A_1429, %swap3A_1430] : memref<1x4x2048xi32, #tpu.memory_space<vmem>>, vector<1x1x128xi32>
    %swap3A_1432 = vector.shape_cast %swap3A_1431 : vector<1x1x128xi32> to vector<128xi32>
    %swap3A_1433 = vector.shape_cast %add3A_1427 : vector<128xi32> to vector<1x1x128xi32>
    tpu.vector_store %arg2[%swap3A_1428, %swap3A_1429, %swap3A_1430], %swap3A_1433 {strides = array<i32>} : memref<1x4x2048xi32, #tpu.memory_space<vmem>>, vector<1x1x128xi32>,
    %reduce_sum3A_1434 = arith.constant dense<0.000000e+00> : vector<128xf32>
    %reduce_sum3A_1435 = vector.multi_reduction <add>, %slice3A_1417, %reduce_sum3A_1434 [1] : vector<128x128xf32> to vector<128xf32>
    %broadcast_in_dim3A_1436 = vector.shape_cast %reduce_sum3A_1435 : vector<128xf32> to vector<128x1xf32>
    %add3A_1437 = arith.addf %add3A_1416, %broadcast_in_dim3A_1436 : vector<128x1xf32>
    %slice3A_1438 = vector.extract_strided_slice %convert_element_type3A_1117 {offsets = [0, 1792], sizes = [128, 128], strides = [1, 1]} : vector<128x2048xf32> to vector<128x128xf32>
    %dot_general3A_1439 = arith.constant dense<0.000000e+00> : vector<128x128xf32>
    %dot_general3A_1440 = tpu.matmul %slice3A_1438, %convert_element_type3A_1, %dot_general3A_1439 {dimension_numbers = #tpu.dot_dimension_numbers<[1], [0], [0], [1], [0, 0, 1, 1], [], []>, transpose_lhs_hint = false} : vector<128x128xf32>, vector<128x128xf32>, vector<128x128xf32> -> vector<128x128xf32>
    %add3A_1441 = vector.broadcast %add3A_1437 : vector<128x1xf32> to vector<128x128xf32>
    %add3A_1442 = arith.addf %dot_general3A_1440, %add3A_1441 : vector<128x128xf32>
    %mul3A_1443 = arith.mulf %slice3A_1438, %add3A_1442 : vector<128x128xf32>
    %reduce_sum3A_1444 = arith.constant dense<0.000000e+00> : vector<128xf32>
    %reduce_sum3A_1445 = vector.multi_reduction <add>, %mul3A_1443, %reduce_sum3A_1444 [0] : vector<128x128xf32> to vector<128xf32>
    %convert_element_type3A_1446 = arith.fptosi %reduce_sum3A_1445 : vector<128xf32> to vector<128xi32>
    %add3A_1447 = vector.broadcast %add3A_1143 : i32 to vector<128xi32>
    %add3A_1448 = arith.addi %convert_element_type3A_1446, %add3A_1447 : vector<128xi32>
    %swap3A_1449 = arith.constant 0 : index
    %swap3A_1450 = arith.constant 3 : index
    %swap3A_1451 = arith.constant 1792 : index
    %swap3A_1452 = vector.load %arg2[%swap3A_1449, %swap3A_1450, %swap3A_1451] : memref<1x4x2048xi32, #tpu.memory_space<vmem>>, vector<1x1x128xi32>
    %swap3A_1453 = vector.shape_cast %swap3A_1452 : vector<1x1x128xi32> to vector<128xi32>
    %swap3A_1454 = vector.shape_cast %add3A_1448 : vector<128xi32> to vector<1x1x128xi32>
    tpu.vector_store %arg2[%swap3A_1449, %swap3A_1450, %swap3A_1451], %swap3A_1454 {strides = array<i32>} : memref<1x4x2048xi32, #tpu.memory_space<vmem>>, vector<1x1x128xi32>,
    %reduce_sum3A_1455 = arith.constant dense<0.000000e+00> : vector<128xf32>
    %reduce_sum3A_1456 = vector.multi_reduction <add>, %slice3A_1438, %reduce_sum3A_1455 [1] : vector<128x128xf32> to vector<128xf32>
    %broadcast_in_dim3A_1457 = vector.shape_cast %reduce_sum3A_1456 : vector<128xf32> to vector<128x1xf32>
    %add3A_1458 = arith.addf %add3A_1437, %broadcast_in_dim3A_1457 : vector<128x1xf32>
    %slice3A_1459 = vector.extract_strided_slice %convert_element_type3A_1117 {offsets = [0, 1920], sizes = [128, 128], strides = [1, 1]} : vector<128x2048xf32> to vector<128x128xf32>
    %dot_general3A_1460 = arith.constant dense<0.000000e+00> : vector<128x128xf32>
    %dot_general3A_1461 = tpu.matmul %slice3A_1459, %convert_element_type3A_1, %dot_general3A_1460 {dimension_numbers = #tpu.dot_dimension_numbers<[1], [0], [0], [1], [0, 0, 1, 1], [], []>, transpose_lhs_hint = false} : vector<128x128xf32>, vector<128x128xf32>, vector<128x128xf32> -> vector<128x128xf32>
    %add3A_1462 = vector.broadcast %add3A_1458 : vector<128x1xf32> to vector<128x128xf32>
    %add3A_1463 = arith.addf %dot_general3A_1461, %add3A_1462 : vector<128x128xf32>
    %mul3A_1464 = arith.mulf %slice3A_1459, %add3A_1463 : vector<128x128xf32>
    %reduce_sum3A_1465 = arith.constant dense<0.000000e+00> : vector<128xf32>
    %reduce_sum3A_1466 = vector.multi_reduction <add>, %mul3A_1464, %reduce_sum3A_1465 [0] : vector<128x128xf32> to vector<128xf32>
    %convert_element_type3A_1467 = arith.fptosi %reduce_sum3A_1466 : vector<128xf32> to vector<128xi32>
    %add3A_1468 = vector.broadcast %add3A_1143 : i32 to vector<128xi32>
    %add3A_1469 = arith.addi %convert_element_type3A_1467, %add3A_1468 : vector<128xi32>
    %swap3A_1470 = arith.constant 0 : index
    %swap3A_1471 = arith.constant 3 : index
    %swap3A_1472 = arith.constant 1920 : index
    %swap3A_1473 = vector.load %arg2[%swap3A_1470, %swap3A_1471, %swap3A_1472] : memref<1x4x2048xi32, #tpu.memory_space<vmem>>, vector<1x1x128xi32>
    %swap3A_1474 = vector.shape_cast %swap3A_1473 : vector<1x1x128xi32> to vector<128xi32>
    %swap3A_1475 = vector.shape_cast %add3A_1469 : vector<128xi32> to vector<1x1x128xi32>
    tpu.vector_store %arg2[%swap3A_1470, %swap3A_1471, %swap3A_1472], %swap3A_1475 {strides = array<i32>} : memref<1x4x2048xi32, #tpu.memory_space<vmem>>, vector<1x1x128xi32>,
    return
  }
  func.func @transform_0(%arg0: i32) -> (i32, i32, i32) {
    %c0_i32 = arith.constant 0 : i32
    %c0_i32_0 = arith.constant 0 : i32
    %c0_i32_1 = arith.constant 0 : i32
    return %arg0, %c0_i32, %c0_i32_0 : i32, i32, i32
  }
  func.func @transform_1(%arg0: i32) -> (i32, i32, i32) {
    %c0_i32 = arith.constant 0 : i32
    %c0_i32_0 = arith.constant 0 : i32
    %c0_i32_1 = arith.constant 0 : i32
    return %arg0, %c0_i32, %c0_i32_0 : i32, i32, i32
  }
}

module attributes {stable_mosaic.version = 14 : i64} {
  func.func @_attn_body(%arg0: i32, %arg1: i32, %arg2: memref<1x8x256x128xf32, #tpu.memory_space<vmem>>, %arg3: memref<1x8x256x128xf32, #tpu.memory_space<vmem>>, %arg4: memref<1x8x256x128xf32, #tpu.memory_space<vmem>>, %arg5: memref<1x8x256x128xf32, #tpu.memory_space<vmem>>, %arg6: memref<1x8x256xf32, #tpu.memory_space<vmem>>) attributes {dimension_semantics = [#tpu.dimension_semantics<arbitrary>, #tpu.dimension_semantics<arbitrary>], iteration_bounds = array<i64: 64, 4>, scalar_prefetch = 0 : i64, scratch_operands = 0 : i64, tpu.core_type = #tpu.core_type<tc>, window_params = [{transform_indices = @transform_0, window_bounds = array<i64: 1, 8, 256, 128>}, {transform_indices = @transform_1, window_bounds = array<i64: 1, 8, 256, 128>}, {transform_indices = @transform_2, window_bounds = array<i64: 1, 8, 256, 128>}, {transform_indices = @transform_3, window_bounds = array<i64: 1, 8, 256, 128>}, {transform_indices = @transform_4, window_bounds = array<i64: 1, 8, 256>}]} {
    %get3A = arith.constant 0 : index
    %get3A_0 = arith.constant 0 : index
    %get3A_1 = arith.constant 0 : index
    %get3A_2 = arith.constant 0 : index
    %get3A_3 = vector.load %arg2[%get3A, %get3A_0, %get3A_1, %get3A_2] : memref<1x8x256x128xf32, #tpu.memory_space<vmem>>, vector<1x1x256x128xf32>
    %get3A_4 = vector.shape_cast %get3A_3 : vector<1x1x256x128xf32> to vector<256x128xf32>
    %get3A_5 = arith.constant 0 : index
    %get3A_6 = arith.constant 0 : index
    %get3A_7 = arith.constant 0 : index
    %get3A_8 = arith.constant 0 : index
    %get3A_9 = vector.load %arg3[%get3A_5, %get3A_6, %get3A_7, %get3A_8] : memref<1x8x256x128xf32, #tpu.memory_space<vmem>>, vector<1x1x256x128xf32>
    %get3A_10 = vector.shape_cast %get3A_9 : vector<1x1x256x128xf32> to vector<256x128xf32>
    %get3A_11 = arith.constant 0 : index
    %get3A_12 = arith.constant 0 : index
    %get3A_13 = arith.constant 0 : index
    %get3A_14 = arith.constant 0 : index
    %get3A_15 = vector.load %arg4[%get3A_11, %get3A_12, %get3A_13, %get3A_14] : memref<1x8x256x128xf32, #tpu.memory_space<vmem>>, vector<1x1x256x128xf32>
    %get3A_16 = vector.shape_cast %get3A_15 : vector<1x1x256x128xf32> to vector<256x128xf32>
    %dot_general3A = arith.constant dense<0.000000e+00> : vector<256x256xf32>
    %dot_general3A_17 = tpu.matmul %get3A_4, %get3A_10, %dot_general3A {dimension_numbers = #tpu.dot_dimension_numbers<[1], [1], [0], [0], [0, 0, 1, 0], [], []>, transpose_lhs_hint = false} : vector<256x128xf32>, vector<256x128xf32>, vector<256x256xf32> -> vector<256x256xf32>
    %reduce_max3A = arith.constant dense<0xFF800000> : vector<256xf32>
    %reduce_max3A_18 = vector.multi_reduction <maximumf>, %dot_general3A_17, %reduce_max3A [1] : vector<256x256xf32> to vector<256xf32>
    %broadcast_in_dim3A = vector.shape_cast %reduce_max3A_18 : vector<256xf32> to vector<256x1xf32>
    %sub3A = vector.broadcast %broadcast_in_dim3A : vector<256x1xf32> to vector<256x256xf32>
    %sub3A_19 = arith.subf %dot_general3A_17, %sub3A : vector<256x256xf32>
    %exp3A = math.exp %sub3A_19 : vector<256x256xf32>
    %reduce_sum3A = arith.constant dense<0.000000e+00> : vector<256xf32>
    %reduce_sum3A_20 = vector.multi_reduction <add>, %exp3A, %reduce_sum3A [1] : vector<256x256xf32> to vector<256xf32>
    %broadcast_in_dim3A_21 = vector.shape_cast %reduce_sum3A_20 : vector<256xf32> to vector<256x1xf32>
    %log3A = math.log %broadcast_in_dim3A_21 : vector<256x1xf32>
    %add3A = arith.addf %broadcast_in_dim3A, %log3A : vector<256x1xf32>
    %sub3A_22 = vector.broadcast %add3A : vector<256x1xf32> to vector<256x256xf32>
    %sub3A_23 = arith.subf %dot_general3A_17, %sub3A_22 : vector<256x256xf32>
    %exp3A_24 = math.exp %sub3A_23 : vector<256x256xf32>
    %dot_general3A_25 = arith.constant dense<0.000000e+00> : vector<256x128xf32>
    %dot_general3A_26 = tpu.matmul %exp3A_24, %get3A_16, %dot_general3A_25 {dimension_numbers = #tpu.dot_dimension_numbers<[1], [0], [0], [1], [0, 0, 1, 1], [], []>, transpose_lhs_hint = false} : vector<256x256xf32>, vector<256x128xf32>, vector<256x128xf32> -> vector<256x128xf32>
    %swap3A = arith.constant 0 : index
    %swap3A_27 = arith.constant 0 : index
    %swap3A_28 = arith.constant 0 : index
    %swap3A_29 = arith.constant 0 : index
    %swap3A_30 = vector.load %arg5[%swap3A, %swap3A_27, %swap3A_28, %swap3A_29] : memref<1x8x256x128xf32, #tpu.memory_space<vmem>>, vector<1x1x256x128xf32>
    %swap3A_31 = vector.shape_cast %swap3A_30 : vector<1x1x256x128xf32> to vector<256x128xf32>
    %swap3A_32 = vector.shape_cast %dot_general3A_26 : vector<256x128xf32> to vector<1x1x256x128xf32>
    tpu.vector_store %arg5[%swap3A, %swap3A_27, %swap3A_28, %swap3A_29], %swap3A_32 {strides = array<i32>} : memref<1x8x256x128xf32, #tpu.memory_space<vmem>>, vector<1x1x256x128xf32>,
    %squeeze3A = vector.shape_cast %add3A : vector<256x1xf32> to vector<256xf32>
    %swap3A_33 = arith.constant 0 : index
    %swap3A_34 = arith.constant 0 : index
    %swap3A_35 = arith.constant 0 : index
    %swap3A_36 = vector.load %arg6[%swap3A_33, %swap3A_34, %swap3A_35] : memref<1x8x256xf32, #tpu.memory_space<vmem>>, vector<1x1x256xf32>
    %swap3A_37 = vector.shape_cast %swap3A_36 : vector<1x1x256xf32> to vector<256xf32>
    %swap3A_38 = vector.shape_cast %squeeze3A : vector<256xf32> to vector<1x1x256xf32>
    tpu.vector_store %arg6[%swap3A_33, %swap3A_34, %swap3A_35], %swap3A_38 {strides = array<i32>} : memref<1x8x256xf32, #tpu.memory_space<vmem>>, vector<1x1x256xf32>,
    %get3A_39 = arith.constant 0 : index
    %get3A_40 = arith.constant 1 : index
    %get3A_41 = arith.constant 0 : index
    %get3A_42 = arith.constant 0 : index
    %get3A_43 = vector.load %arg2[%get3A_39, %get3A_40, %get3A_41, %get3A_42] : memref<1x8x256x128xf32, #tpu.memory_space<vmem>>, vector<1x1x256x128xf32>
    %get3A_44 = vector.shape_cast %get3A_43 : vector<1x1x256x128xf32> to vector<256x128xf32>
    %get3A_45 = arith.constant 0 : index
    %get3A_46 = arith.constant 1 : index
    %get3A_47 = arith.constant 0 : index
    %get3A_48 = arith.constant 0 : index
    %get3A_49 = vector.load %arg3[%get3A_45, %get3A_46, %get3A_47, %get3A_48] : memref<1x8x256x128xf32, #tpu.memory_space<vmem>>, vector<1x1x256x128xf32>
    %get3A_50 = vector.shape_cast %get3A_49 : vector<1x1x256x128xf32> to vector<256x128xf32>
    %get3A_51 = arith.constant 0 : index
    %get3A_52 = arith.constant 1 : index
    %get3A_53 = arith.constant 0 : index
    %get3A_54 = arith.constant 0 : index
    %get3A_55 = vector.load %arg4[%get3A_51, %get3A_52, %get3A_53, %get3A_54] : memref<1x8x256x128xf32, #tpu.memory_space<vmem>>, vector<1x1x256x128xf32>
    %get3A_56 = vector.shape_cast %get3A_55 : vector<1x1x256x128xf32> to vector<256x128xf32>
    %dot_general3A_57 = arith.constant dense<0.000000e+00> : vector<256x256xf32>
    %dot_general3A_58 = tpu.matmul %get3A_44, %get3A_50, %dot_general3A_57 {dimension_numbers = #tpu.dot_dimension_numbers<[1], [1], [0], [0], [0, 0, 1, 0], [], []>, transpose_lhs_hint = false} : vector<256x128xf32>, vector<256x128xf32>, vector<256x256xf32> -> vector<256x256xf32>
    %reduce_max3A_59 = arith.constant dense<0xFF800000> : vector<256xf32>
    %reduce_max3A_60 = vector.multi_reduction <maximumf>, %dot_general3A_58, %reduce_max3A_59 [1] : vector<256x256xf32> to vector<256xf32>
    %broadcast_in_dim3A_61 = vector.shape_cast %reduce_max3A_60 : vector<256xf32> to vector<256x1xf32>
    %sub3A_62 = vector.broadcast %broadcast_in_dim3A_61 : vector<256x1xf32> to vector<256x256xf32>
    %sub3A_63 = arith.subf %dot_general3A_58, %sub3A_62 : vector<256x256xf32>
    %exp3A_64 = math.exp %sub3A_63 : vector<256x256xf32>
    %reduce_sum3A_65 = arith.constant dense<0.000000e+00> : vector<256xf32>
    %reduce_sum3A_66 = vector.multi_reduction <add>, %exp3A_64, %reduce_sum3A_65 [1] : vector<256x256xf32> to vector<256xf32>
    %broadcast_in_dim3A_67 = vector.shape_cast %reduce_sum3A_66 : vector<256xf32> to vector<256x1xf32>
    %log3A_68 = math.log %broadcast_in_dim3A_67 : vector<256x1xf32>
    %add3A_69 = arith.addf %broadcast_in_dim3A_61, %log3A_68 : vector<256x1xf32>
    %sub3A_70 = vector.broadcast %add3A_69 : vector<256x1xf32> to vector<256x256xf32>
    %sub3A_71 = arith.subf %dot_general3A_58, %sub3A_70 : vector<256x256xf32>
    %exp3A_72 = math.exp %sub3A_71 : vector<256x256xf32>
    %dot_general3A_73 = arith.constant dense<0.000000e+00> : vector<256x128xf32>
    %dot_general3A_74 = tpu.matmul %exp3A_72, %get3A_56, %dot_general3A_73 {dimension_numbers = #tpu.dot_dimension_numbers<[1], [0], [0], [1], [0, 0, 1, 1], [], []>, transpose_lhs_hint = false} : vector<256x256xf32>, vector<256x128xf32>, vector<256x128xf32> -> vector<256x128xf32>
    %swap3A_75 = arith.constant 0 : index
    %swap3A_76 = arith.constant 1 : index
    %swap3A_77 = arith.constant 0 : index
    %swap3A_78 = arith.constant 0 : index
    %swap3A_79 = vector.load %arg5[%swap3A_75, %swap3A_76, %swap3A_77, %swap3A_78] : memref<1x8x256x128xf32, #tpu.memory_space<vmem>>, vector<1x1x256x128xf32>
    %swap3A_80 = vector.shape_cast %swap3A_79 : vector<1x1x256x128xf32> to vector<256x128xf32>
    %swap3A_81 = vector.shape_cast %dot_general3A_74 : vector<256x128xf32> to vector<1x1x256x128xf32>
    tpu.vector_store %arg5[%swap3A_75, %swap3A_76, %swap3A_77, %swap3A_78], %swap3A_81 {strides = array<i32>} : memref<1x8x256x128xf32, #tpu.memory_space<vmem>>, vector<1x1x256x128xf32>,
    %squeeze3A_82 = vector.shape_cast %add3A_69 : vector<256x1xf32> to vector<256xf32>
    %swap3A_83 = arith.constant 0 : index
    %swap3A_84 = arith.constant 1 : index
    %swap3A_85 = arith.constant 0 : index
    %swap3A_86 = vector.load %arg6[%swap3A_83, %swap3A_84, %swap3A_85] : memref<1x8x256xf32, #tpu.memory_space<vmem>>, vector<1x1x256xf32>
    %swap3A_87 = vector.shape_cast %swap3A_86 : vector<1x1x256xf32> to vector<256xf32>
    %swap3A_88 = vector.shape_cast %squeeze3A_82 : vector<256xf32> to vector<1x1x256xf32>
    tpu.vector_store %arg6[%swap3A_83, %swap3A_84, %swap3A_85], %swap3A_88 {strides = array<i32>} : memref<1x8x256xf32, #tpu.memory_space<vmem>>, vector<1x1x256xf32>,
    %get3A_89 = arith.constant 0 : index
    %get3A_90 = arith.constant 2 : index
    %get3A_91 = arith.constant 0 : index
    %get3A_92 = arith.constant 0 : index
    %get3A_93 = vector.load %arg2[%get3A_89, %get3A_90, %get3A_91, %get3A_92] : memref<1x8x256x128xf32, #tpu.memory_space<vmem>>, vector<1x1x256x128xf32>
    %get3A_94 = vector.shape_cast %get3A_93 : vector<1x1x256x128xf32> to vector<256x128xf32>
    %get3A_95 = arith.constant 0 : index
    %get3A_96 = arith.constant 2 : index
    %get3A_97 = arith.constant 0 : index
    %get3A_98 = arith.constant 0 : index
    %get3A_99 = vector.load %arg3[%get3A_95, %get3A_96, %get3A_97, %get3A_98] : memref<1x8x256x128xf32, #tpu.memory_space<vmem>>, vector<1x1x256x128xf32>
    %get3A_100 = vector.shape_cast %get3A_99 : vector<1x1x256x128xf32> to vector<256x128xf32>
    %get3A_101 = arith.constant 0 : index
    %get3A_102 = arith.constant 2 : index
    %get3A_103 = arith.constant 0 : index
    %get3A_104 = arith.constant 0 : index
    %get3A_105 = vector.load %arg4[%get3A_101, %get3A_102, %get3A_103, %get3A_104] : memref<1x8x256x128xf32, #tpu.memory_space<vmem>>, vector<1x1x256x128xf32>
    %get3A_106 = vector.shape_cast %get3A_105 : vector<1x1x256x128xf32> to vector<256x128xf32>
    %dot_general3A_107 = arith.constant dense<0.000000e+00> : vector<256x256xf32>
    %dot_general3A_108 = tpu.matmul %get3A_94, %get3A_100, %dot_general3A_107 {dimension_numbers = #tpu.dot_dimension_numbers<[1], [1], [0], [0], [0, 0, 1, 0], [], []>, transpose_lhs_hint = false} : vector<256x128xf32>, vector<256x128xf32>, vector<256x256xf32> -> vector<256x256xf32>
    %reduce_max3A_109 = arith.constant dense<0xFF800000> : vector<256xf32>
    %reduce_max3A_110 = vector.multi_reduction <maximumf>, %dot_general3A_108, %reduce_max3A_109 [1] : vector<256x256xf32> to vector<256xf32>
    %broadcast_in_dim3A_111 = vector.shape_cast %reduce_max3A_110 : vector<256xf32> to vector<256x1xf32>
    %sub3A_112 = vector.broadcast %broadcast_in_dim3A_111 : vector<256x1xf32> to vector<256x256xf32>
    %sub3A_113 = arith.subf %dot_general3A_108, %sub3A_112 : vector<256x256xf32>
    %exp3A_114 = math.exp %sub3A_113 : vector<256x256xf32>
    %reduce_sum3A_115 = arith.constant dense<0.000000e+00> : vector<256xf32>
    %reduce_sum3A_116 = vector.multi_reduction <add>, %exp3A_114, %reduce_sum3A_115 [1] : vector<256x256xf32> to vector<256xf32>
    %broadcast_in_dim3A_117 = vector.shape_cast %reduce_sum3A_116 : vector<256xf32> to vector<256x1xf32>
    %log3A_118 = math.log %broadcast_in_dim3A_117 : vector<256x1xf32>
    %add3A_119 = arith.addf %broadcast_in_dim3A_111, %log3A_118 : vector<256x1xf32>
    %sub3A_120 = vector.broadcast %add3A_119 : vector<256x1xf32> to vector<256x256xf32>
    %sub3A_121 = arith.subf %dot_general3A_108, %sub3A_120 : vector<256x256xf32>
    %exp3A_122 = math.exp %sub3A_121 : vector<256x256xf32>
    %dot_general3A_123 = arith.constant dense<0.000000e+00> : vector<256x128xf32>
    %dot_general3A_124 = tpu.matmul %exp3A_122, %get3A_106, %dot_general3A_123 {dimension_numbers = #tpu.dot_dimension_numbers<[1], [0], [0], [1], [0, 0, 1, 1], [], []>, transpose_lhs_hint = false} : vector<256x256xf32>, vector<256x128xf32>, vector<256x128xf32> -> vector<256x128xf32>
    %swap3A_125 = arith.constant 0 : index
    %swap3A_126 = arith.constant 2 : index
    %swap3A_127 = arith.constant 0 : index
    %swap3A_128 = arith.constant 0 : index
    %swap3A_129 = vector.load %arg5[%swap3A_125, %swap3A_126, %swap3A_127, %swap3A_128] : memref<1x8x256x128xf32, #tpu.memory_space<vmem>>, vector<1x1x256x128xf32>
    %swap3A_130 = vector.shape_cast %swap3A_129 : vector<1x1x256x128xf32> to vector<256x128xf32>
    %swap3A_131 = vector.shape_cast %dot_general3A_124 : vector<256x128xf32> to vector<1x1x256x128xf32>
    tpu.vector_store %arg5[%swap3A_125, %swap3A_126, %swap3A_127, %swap3A_128], %swap3A_131 {strides = array<i32>} : memref<1x8x256x128xf32, #tpu.memory_space<vmem>>, vector<1x1x256x128xf32>,
    %squeeze3A_132 = vector.shape_cast %add3A_119 : vector<256x1xf32> to vector<256xf32>
    %swap3A_133 = arith.constant 0 : index
    %swap3A_134 = arith.constant 2 : index
    %swap3A_135 = arith.constant 0 : index
    %swap3A_136 = vector.load %arg6[%swap3A_133, %swap3A_134, %swap3A_135] : memref<1x8x256xf32, #tpu.memory_space<vmem>>, vector<1x1x256xf32>
    %swap3A_137 = vector.shape_cast %swap3A_136 : vector<1x1x256xf32> to vector<256xf32>
    %swap3A_138 = vector.shape_cast %squeeze3A_132 : vector<256xf32> to vector<1x1x256xf32>
    tpu.vector_store %arg6[%swap3A_133, %swap3A_134, %swap3A_135], %swap3A_138 {strides = array<i32>} : memref<1x8x256xf32, #tpu.memory_space<vmem>>, vector<1x1x256xf32>,
    %get3A_139 = arith.constant 0 : index
    %get3A_140 = arith.constant 3 : index
    %get3A_141 = arith.constant 0 : index
    %get3A_142 = arith.constant 0 : index
    %get3A_143 = vector.load %arg2[%get3A_139, %get3A_140, %get3A_141, %get3A_142] : memref<1x8x256x128xf32, #tpu.memory_space<vmem>>, vector<1x1x256x128xf32>
    %get3A_144 = vector.shape_cast %get3A_143 : vector<1x1x256x128xf32> to vector<256x128xf32>
    %get3A_145 = arith.constant 0 : index
    %get3A_146 = arith.constant 3 : index
    %get3A_147 = arith.constant 0 : index
    %get3A_148 = arith.constant 0 : index
    %get3A_149 = vector.load %arg3[%get3A_145, %get3A_146, %get3A_147, %get3A_148] : memref<1x8x256x128xf32, #tpu.memory_space<vmem>>, vector<1x1x256x128xf32>
    %get3A_150 = vector.shape_cast %get3A_149 : vector<1x1x256x128xf32> to vector<256x128xf32>
    %get3A_151 = arith.constant 0 : index
    %get3A_152 = arith.constant 3 : index
    %get3A_153 = arith.constant 0 : index
    %get3A_154 = arith.constant 0 : index
    %get3A_155 = vector.load %arg4[%get3A_151, %get3A_152, %get3A_153, %get3A_154] : memref<1x8x256x128xf32, #tpu.memory_space<vmem>>, vector<1x1x256x128xf32>
    %get3A_156 = vector.shape_cast %get3A_155 : vector<1x1x256x128xf32> to vector<256x128xf32>
    %dot_general3A_157 = arith.constant dense<0.000000e+00> : vector<256x256xf32>
    %dot_general3A_158 = tpu.matmul %get3A_144, %get3A_150, %dot_general3A_157 {dimension_numbers = #tpu.dot_dimension_numbers<[1], [1], [0], [0], [0, 0, 1, 0], [], []>, transpose_lhs_hint = false} : vector<256x128xf32>, vector<256x128xf32>, vector<256x256xf32> -> vector<256x256xf32>
    %reduce_max3A_159 = arith.constant dense<0xFF800000> : vector<256xf32>
    %reduce_max3A_160 = vector.multi_reduction <maximumf>, %dot_general3A_158, %reduce_max3A_159 [1] : vector<256x256xf32> to vector<256xf32>
    %broadcast_in_dim3A_161 = vector.shape_cast %reduce_max3A_160 : vector<256xf32> to vector<256x1xf32>
    %sub3A_162 = vector.broadcast %broadcast_in_dim3A_161 : vector<256x1xf32> to vector<256x256xf32>
    %sub3A_163 = arith.subf %dot_general3A_158, %sub3A_162 : vector<256x256xf32>
    %exp3A_164 = math.exp %sub3A_163 : vector<256x256xf32>
    %reduce_sum3A_165 = arith.constant dense<0.000000e+00> : vector<256xf32>
    %reduce_sum3A_166 = vector.multi_reduction <add>, %exp3A_164, %reduce_sum3A_165 [1] : vector<256x256xf32> to vector<256xf32>
    %broadcast_in_dim3A_167 = vector.shape_cast %reduce_sum3A_166 : vector<256xf32> to vector<256x1xf32>
    %log3A_168 = math.log %broadcast_in_dim3A_167 : vector<256x1xf32>
    %add3A_169 = arith.addf %broadcast_in_dim3A_161, %log3A_168 : vector<256x1xf32>
    %sub3A_170 = vector.broadcast %add3A_169 : vector<256x1xf32> to vector<256x256xf32>
    %sub3A_171 = arith.subf %dot_general3A_158, %sub3A_170 : vector<256x256xf32>
    %exp3A_172 = math.exp %sub3A_171 : vector<256x256xf32>
    %dot_general3A_173 = arith.constant dense<0.000000e+00> : vector<256x128xf32>
    %dot_general3A_174 = tpu.matmul %exp3A_172, %get3A_156, %dot_general3A_173 {dimension_numbers = #tpu.dot_dimension_numbers<[1], [0], [0], [1], [0, 0, 1, 1], [], []>, transpose_lhs_hint = false} : vector<256x256xf32>, vector<256x128xf32>, vector<256x128xf32> -> vector<256x128xf32>
    %swap3A_175 = arith.constant 0 : index
    %swap3A_176 = arith.constant 3 : index
    %swap3A_177 = arith.constant 0 : index
    %swap3A_178 = arith.constant 0 : index
    %swap3A_179 = vector.load %arg5[%swap3A_175, %swap3A_176, %swap3A_177, %swap3A_178] : memref<1x8x256x128xf32, #tpu.memory_space<vmem>>, vector<1x1x256x128xf32>
    %swap3A_180 = vector.shape_cast %swap3A_179 : vector<1x1x256x128xf32> to vector<256x128xf32>
    %swap3A_181 = vector.shape_cast %dot_general3A_174 : vector<256x128xf32> to vector<1x1x256x128xf32>
    tpu.vector_store %arg5[%swap3A_175, %swap3A_176, %swap3A_177, %swap3A_178], %swap3A_181 {strides = array<i32>} : memref<1x8x256x128xf32, #tpu.memory_space<vmem>>, vector<1x1x256x128xf32>,
    %squeeze3A_182 = vector.shape_cast %add3A_169 : vector<256x1xf32> to vector<256xf32>
    %swap3A_183 = arith.constant 0 : index
    %swap3A_184 = arith.constant 3 : index
    %swap3A_185 = arith.constant 0 : index
    %swap3A_186 = vector.load %arg6[%swap3A_183, %swap3A_184, %swap3A_185] : memref<1x8x256xf32, #tpu.memory_space<vmem>>, vector<1x1x256xf32>
    %swap3A_187 = vector.shape_cast %swap3A_186 : vector<1x1x256xf32> to vector<256xf32>
    %swap3A_188 = vector.shape_cast %squeeze3A_182 : vector<256xf32> to vector<1x1x256xf32>
    tpu.vector_store %arg6[%swap3A_183, %swap3A_184, %swap3A_185], %swap3A_188 {strides = array<i32>} : memref<1x8x256xf32, #tpu.memory_space<vmem>>, vector<1x1x256xf32>,
    %get3A_189 = arith.constant 0 : index
    %get3A_190 = arith.constant 4 : index
    %get3A_191 = arith.constant 0 : index
    %get3A_192 = arith.constant 0 : index
    %get3A_193 = vector.load %arg2[%get3A_189, %get3A_190, %get3A_191, %get3A_192] : memref<1x8x256x128xf32, #tpu.memory_space<vmem>>, vector<1x1x256x128xf32>
    %get3A_194 = vector.shape_cast %get3A_193 : vector<1x1x256x128xf32> to vector<256x128xf32>
    %get3A_195 = arith.constant 0 : index
    %get3A_196 = arith.constant 4 : index
    %get3A_197 = arith.constant 0 : index
    %get3A_198 = arith.constant 0 : index
    %get3A_199 = vector.load %arg3[%get3A_195, %get3A_196, %get3A_197, %get3A_198] : memref<1x8x256x128xf32, #tpu.memory_space<vmem>>, vector<1x1x256x128xf32>
    %get3A_200 = vector.shape_cast %get3A_199 : vector<1x1x256x128xf32> to vector<256x128xf32>
    %get3A_201 = arith.constant 0 : index
    %get3A_202 = arith.constant 4 : index
    %get3A_203 = arith.constant 0 : index
    %get3A_204 = arith.constant 0 : index
    %get3A_205 = vector.load %arg4[%get3A_201, %get3A_202, %get3A_203, %get3A_204] : memref<1x8x256x128xf32, #tpu.memory_space<vmem>>, vector<1x1x256x128xf32>
    %get3A_206 = vector.shape_cast %get3A_205 : vector<1x1x256x128xf32> to vector<256x128xf32>
    %dot_general3A_207 = arith.constant dense<0.000000e+00> : vector<256x256xf32>
    %dot_general3A_208 = tpu.matmul %get3A_194, %get3A_200, %dot_general3A_207 {dimension_numbers = #tpu.dot_dimension_numbers<[1], [1], [0], [0], [0, 0, 1, 0], [], []>, transpose_lhs_hint = false} : vector<256x128xf32>, vector<256x128xf32>, vector<256x256xf32> -> vector<256x256xf32>
    %reduce_max3A_209 = arith.constant dense<0xFF800000> : vector<256xf32>
    %reduce_max3A_210 = vector.multi_reduction <maximumf>, %dot_general3A_208, %reduce_max3A_209 [1] : vector<256x256xf32> to vector<256xf32>
    %broadcast_in_dim3A_211 = vector.shape_cast %reduce_max3A_210 : vector<256xf32> to vector<256x1xf32>
    %sub3A_212 = vector.broadcast %broadcast_in_dim3A_211 : vector<256x1xf32> to vector<256x256xf32>
    %sub3A_213 = arith.subf %dot_general3A_208, %sub3A_212 : vector<256x256xf32>
    %exp3A_214 = math.exp %sub3A_213 : vector<256x256xf32>
    %reduce_sum3A_215 = arith.constant dense<0.000000e+00> : vector<256xf32>
    %reduce_sum3A_216 = vector.multi_reduction <add>, %exp3A_214, %reduce_sum3A_215 [1] : vector<256x256xf32> to vector<256xf32>
    %broadcast_in_dim3A_217 = vector.shape_cast %reduce_sum3A_216 : vector<256xf32> to vector<256x1xf32>
    %log3A_218 = math.log %broadcast_in_dim3A_217 : vector<256x1xf32>
    %add3A_219 = arith.addf %broadcast_in_dim3A_211, %log3A_218 : vector<256x1xf32>
    %sub3A_220 = vector.broadcast %add3A_219 : vector<256x1xf32> to vector<256x256xf32>
    %sub3A_221 = arith.subf %dot_general3A_208, %sub3A_220 : vector<256x256xf32>
    %exp3A_222 = math.exp %sub3A_221 : vector<256x256xf32>
    %dot_general3A_223 = arith.constant dense<0.000000e+00> : vector<256x128xf32>
    %dot_general3A_224 = tpu.matmul %exp3A_222, %get3A_206, %dot_general3A_223 {dimension_numbers = #tpu.dot_dimension_numbers<[1], [0], [0], [1], [0, 0, 1, 1], [], []>, transpose_lhs_hint = false} : vector<256x256xf32>, vector<256x128xf32>, vector<256x128xf32> -> vector<256x128xf32>
    %swap3A_225 = arith.constant 0 : index
    %swap3A_226 = arith.constant 4 : index
    %swap3A_227 = arith.constant 0 : index
    %swap3A_228 = arith.constant 0 : index
    %swap3A_229 = vector.load %arg5[%swap3A_225, %swap3A_226, %swap3A_227, %swap3A_228] : memref<1x8x256x128xf32, #tpu.memory_space<vmem>>, vector<1x1x256x128xf32>
    %swap3A_230 = vector.shape_cast %swap3A_229 : vector<1x1x256x128xf32> to vector<256x128xf32>
    %swap3A_231 = vector.shape_cast %dot_general3A_224 : vector<256x128xf32> to vector<1x1x256x128xf32>
    tpu.vector_store %arg5[%swap3A_225, %swap3A_226, %swap3A_227, %swap3A_228], %swap3A_231 {strides = array<i32>} : memref<1x8x256x128xf32, #tpu.memory_space<vmem>>, vector<1x1x256x128xf32>,
    %squeeze3A_232 = vector.shape_cast %add3A_219 : vector<256x1xf32> to vector<256xf32>
    %swap3A_233 = arith.constant 0 : index
    %swap3A_234 = arith.constant 4 : index
    %swap3A_235 = arith.constant 0 : index
    %swap3A_236 = vector.load %arg6[%swap3A_233, %swap3A_234, %swap3A_235] : memref<1x8x256xf32, #tpu.memory_space<vmem>>, vector<1x1x256xf32>
    %swap3A_237 = vector.shape_cast %swap3A_236 : vector<1x1x256xf32> to vector<256xf32>
    %swap3A_238 = vector.shape_cast %squeeze3A_232 : vector<256xf32> to vector<1x1x256xf32>
    tpu.vector_store %arg6[%swap3A_233, %swap3A_234, %swap3A_235], %swap3A_238 {strides = array<i32>} : memref<1x8x256xf32, #tpu.memory_space<vmem>>, vector<1x1x256xf32>,
    %get3A_239 = arith.constant 0 : index
    %get3A_240 = arith.constant 5 : index
    %get3A_241 = arith.constant 0 : index
    %get3A_242 = arith.constant 0 : index
    %get3A_243 = vector.load %arg2[%get3A_239, %get3A_240, %get3A_241, %get3A_242] : memref<1x8x256x128xf32, #tpu.memory_space<vmem>>, vector<1x1x256x128xf32>
    %get3A_244 = vector.shape_cast %get3A_243 : vector<1x1x256x128xf32> to vector<256x128xf32>
    %get3A_245 = arith.constant 0 : index
    %get3A_246 = arith.constant 5 : index
    %get3A_247 = arith.constant 0 : index
    %get3A_248 = arith.constant 0 : index
    %get3A_249 = vector.load %arg3[%get3A_245, %get3A_246, %get3A_247, %get3A_248] : memref<1x8x256x128xf32, #tpu.memory_space<vmem>>, vector<1x1x256x128xf32>
    %get3A_250 = vector.shape_cast %get3A_249 : vector<1x1x256x128xf32> to vector<256x128xf32>
    %get3A_251 = arith.constant 0 : index
    %get3A_252 = arith.constant 5 : index
    %get3A_253 = arith.constant 0 : index
    %get3A_254 = arith.constant 0 : index
    %get3A_255 = vector.load %arg4[%get3A_251, %get3A_252, %get3A_253, %get3A_254] : memref<1x8x256x128xf32, #tpu.memory_space<vmem>>, vector<1x1x256x128xf32>
    %get3A_256 = vector.shape_cast %get3A_255 : vector<1x1x256x128xf32> to vector<256x128xf32>
    %dot_general3A_257 = arith.constant dense<0.000000e+00> : vector<256x256xf32>
    %dot_general3A_258 = tpu.matmul %get3A_244, %get3A_250, %dot_general3A_257 {dimension_numbers = #tpu.dot_dimension_numbers<[1], [1], [0], [0], [0, 0, 1, 0], [], []>, transpose_lhs_hint = false} : vector<256x128xf32>, vector<256x128xf32>, vector<256x256xf32> -> vector<256x256xf32>
    %reduce_max3A_259 = arith.constant dense<0xFF800000> : vector<256xf32>
    %reduce_max3A_260 = vector.multi_reduction <maximumf>, %dot_general3A_258, %reduce_max3A_259 [1] : vector<256x256xf32> to vector<256xf32>
    %broadcast_in_dim3A_261 = vector.shape_cast %reduce_max3A_260 : vector<256xf32> to vector<256x1xf32>
    %sub3A_262 = vector.broadcast %broadcast_in_dim3A_261 : vector<256x1xf32> to vector<256x256xf32>
    %sub3A_263 = arith.subf %dot_general3A_258, %sub3A_262 : vector<256x256xf32>
    %exp3A_264 = math.exp %sub3A_263 : vector<256x256xf32>
    %reduce_sum3A_265 = arith.constant dense<0.000000e+00> : vector<256xf32>
    %reduce_sum3A_266 = vector.multi_reduction <add>, %exp3A_264, %reduce_sum3A_265 [1] : vector<256x256xf32> to vector<256xf32>
    %broadcast_in_dim3A_267 = vector.shape_cast %reduce_sum3A_266 : vector<256xf32> to vector<256x1xf32>
    %log3A_268 = math.log %broadcast_in_dim3A_267 : vector<256x1xf32>
    %add3A_269 = arith.addf %broadcast_in_dim3A_261, %log3A_268 : vector<256x1xf32>
    %sub3A_270 = vector.broadcast %add3A_269 : vector<256x1xf32> to vector<256x256xf32>
    %sub3A_271 = arith.subf %dot_general3A_258, %sub3A_270 : vector<256x256xf32>
    %exp3A_272 = math.exp %sub3A_271 : vector<256x256xf32>
    %dot_general3A_273 = arith.constant dense<0.000000e+00> : vector<256x128xf32>
    %dot_general3A_274 = tpu.matmul %exp3A_272, %get3A_256, %dot_general3A_273 {dimension_numbers = #tpu.dot_dimension_numbers<[1], [0], [0], [1], [0, 0, 1, 1], [], []>, transpose_lhs_hint = false} : vector<256x256xf32>, vector<256x128xf32>, vector<256x128xf32> -> vector<256x128xf32>
    %swap3A_275 = arith.constant 0 : index
    %swap3A_276 = arith.constant 5 : index
    %swap3A_277 = arith.constant 0 : index
    %swap3A_278 = arith.constant 0 : index
    %swap3A_279 = vector.load %arg5[%swap3A_275, %swap3A_276, %swap3A_277, %swap3A_278] : memref<1x8x256x128xf32, #tpu.memory_space<vmem>>, vector<1x1x256x128xf32>
    %swap3A_280 = vector.shape_cast %swap3A_279 : vector<1x1x256x128xf32> to vector<256x128xf32>
    %swap3A_281 = vector.shape_cast %dot_general3A_274 : vector<256x128xf32> to vector<1x1x256x128xf32>
    tpu.vector_store %arg5[%swap3A_275, %swap3A_276, %swap3A_277, %swap3A_278], %swap3A_281 {strides = array<i32>} : memref<1x8x256x128xf32, #tpu.memory_space<vmem>>, vector<1x1x256x128xf32>,
    %squeeze3A_282 = vector.shape_cast %add3A_269 : vector<256x1xf32> to vector<256xf32>
    %swap3A_283 = arith.constant 0 : index
    %swap3A_284 = arith.constant 5 : index
    %swap3A_285 = arith.constant 0 : index
    %swap3A_286 = vector.load %arg6[%swap3A_283, %swap3A_284, %swap3A_285] : memref<1x8x256xf32, #tpu.memory_space<vmem>>, vector<1x1x256xf32>
    %swap3A_287 = vector.shape_cast %swap3A_286 : vector<1x1x256xf32> to vector<256xf32>
    %swap3A_288 = vector.shape_cast %squeeze3A_282 : vector<256xf32> to vector<1x1x256xf32>
    tpu.vector_store %arg6[%swap3A_283, %swap3A_284, %swap3A_285], %swap3A_288 {strides = array<i32>} : memref<1x8x256xf32, #tpu.memory_space<vmem>>, vector<1x1x256xf32>,
    %get3A_289 = arith.constant 0 : index
    %get3A_290 = arith.constant 6 : index
    %get3A_291 = arith.constant 0 : index
    %get3A_292 = arith.constant 0 : index
    %get3A_293 = vector.load %arg2[%get3A_289, %get3A_290, %get3A_291, %get3A_292] : memref<1x8x256x128xf32, #tpu.memory_space<vmem>>, vector<1x1x256x128xf32>
    %get3A_294 = vector.shape_cast %get3A_293 : vector<1x1x256x128xf32> to vector<256x128xf32>
    %get3A_295 = arith.constant 0 : index
    %get3A_296 = arith.constant 6 : index
    %get3A_297 = arith.constant 0 : index
    %get3A_298 = arith.constant 0 : index
    %get3A_299 = vector.load %arg3[%get3A_295, %get3A_296, %get3A_297, %get3A_298] : memref<1x8x256x128xf32, #tpu.memory_space<vmem>>, vector<1x1x256x128xf32>
    %get3A_300 = vector.shape_cast %get3A_299 : vector<1x1x256x128xf32> to vector<256x128xf32>
    %get3A_301 = arith.constant 0 : index
    %get3A_302 = arith.constant 6 : index
    %get3A_303 = arith.constant 0 : index
    %get3A_304 = arith.constant 0 : index
    %get3A_305 = vector.load %arg4[%get3A_301, %get3A_302, %get3A_303, %get3A_304] : memref<1x8x256x128xf32, #tpu.memory_space<vmem>>, vector<1x1x256x128xf32>
    %get3A_306 = vector.shape_cast %get3A_305 : vector<1x1x256x128xf32> to vector<256x128xf32>
    %dot_general3A_307 = arith.constant dense<0.000000e+00> : vector<256x256xf32>
    %dot_general3A_308 = tpu.matmul %get3A_294, %get3A_300, %dot_general3A_307 {dimension_numbers = #tpu.dot_dimension_numbers<[1], [1], [0], [0], [0, 0, 1, 0], [], []>, transpose_lhs_hint = false} : vector<256x128xf32>, vector<256x128xf32>, vector<256x256xf32> -> vector<256x256xf32>
    %reduce_max3A_309 = arith.constant dense<0xFF800000> : vector<256xf32>
    %reduce_max3A_310 = vector.multi_reduction <maximumf>, %dot_general3A_308, %reduce_max3A_309 [1] : vector<256x256xf32> to vector<256xf32>
    %broadcast_in_dim3A_311 = vector.shape_cast %reduce_max3A_310 : vector<256xf32> to vector<256x1xf32>
    %sub3A_312 = vector.broadcast %broadcast_in_dim3A_311 : vector<256x1xf32> to vector<256x256xf32>
    %sub3A_313 = arith.subf %dot_general3A_308, %sub3A_312 : vector<256x256xf32>
    %exp3A_314 = math.exp %sub3A_313 : vector<256x256xf32>
    %reduce_sum3A_315 = arith.constant dense<0.000000e+00> : vector<256xf32>
    %reduce_sum3A_316 = vector.multi_reduction <add>, %exp3A_314, %reduce_sum3A_315 [1] : vector<256x256xf32> to vector<256xf32>
    %broadcast_in_dim3A_317 = vector.shape_cast %reduce_sum3A_316 : vector<256xf32> to vector<256x1xf32>
    %log3A_318 = math.log %broadcast_in_dim3A_317 : vector<256x1xf32>
    %add3A_319 = arith.addf %broadcast_in_dim3A_311, %log3A_318 : vector<256x1xf32>
    %sub3A_320 = vector.broadcast %add3A_319 : vector<256x1xf32> to vector<256x256xf32>
    %sub3A_321 = arith.subf %dot_general3A_308, %sub3A_320 : vector<256x256xf32>
    %exp3A_322 = math.exp %sub3A_321 : vector<256x256xf32>
    %dot_general3A_323 = arith.constant dense<0.000000e+00> : vector<256x128xf32>
    %dot_general3A_324 = tpu.matmul %exp3A_322, %get3A_306, %dot_general3A_323 {dimension_numbers = #tpu.dot_dimension_numbers<[1], [0], [0], [1], [0, 0, 1, 1], [], []>, transpose_lhs_hint = false} : vector<256x256xf32>, vector<256x128xf32>, vector<256x128xf32> -> vector<256x128xf32>
    %swap3A_325 = arith.constant 0 : index
    %swap3A_326 = arith.constant 6 : index
    %swap3A_327 = arith.constant 0 : index
    %swap3A_328 = arith.constant 0 : index
    %swap3A_329 = vector.load %arg5[%swap3A_325, %swap3A_326, %swap3A_327, %swap3A_328] : memref<1x8x256x128xf32, #tpu.memory_space<vmem>>, vector<1x1x256x128xf32>
    %swap3A_330 = vector.shape_cast %swap3A_329 : vector<1x1x256x128xf32> to vector<256x128xf32>
    %swap3A_331 = vector.shape_cast %dot_general3A_324 : vector<256x128xf32> to vector<1x1x256x128xf32>
    tpu.vector_store %arg5[%swap3A_325, %swap3A_326, %swap3A_327, %swap3A_328], %swap3A_331 {strides = array<i32>} : memref<1x8x256x128xf32, #tpu.memory_space<vmem>>, vector<1x1x256x128xf32>,
    %squeeze3A_332 = vector.shape_cast %add3A_319 : vector<256x1xf32> to vector<256xf32>
    %swap3A_333 = arith.constant 0 : index
    %swap3A_334 = arith.constant 6 : index
    %swap3A_335 = arith.constant 0 : index
    %swap3A_336 = vector.load %arg6[%swap3A_333, %swap3A_334, %swap3A_335] : memref<1x8x256xf32, #tpu.memory_space<vmem>>, vector<1x1x256xf32>
    %swap3A_337 = vector.shape_cast %swap3A_336 : vector<1x1x256xf32> to vector<256xf32>
    %swap3A_338 = vector.shape_cast %squeeze3A_332 : vector<256xf32> to vector<1x1x256xf32>
    tpu.vector_store %arg6[%swap3A_333, %swap3A_334, %swap3A_335], %swap3A_338 {strides = array<i32>} : memref<1x8x256xf32, #tpu.memory_space<vmem>>, vector<1x1x256xf32>,
    %get3A_339 = arith.constant 0 : index
    %get3A_340 = arith.constant 7 : index
    %get3A_341 = arith.constant 0 : index
    %get3A_342 = arith.constant 0 : index
    %get3A_343 = vector.load %arg2[%get3A_339, %get3A_340, %get3A_341, %get3A_342] : memref<1x8x256x128xf32, #tpu.memory_space<vmem>>, vector<1x1x256x128xf32>
    %get3A_344 = vector.shape_cast %get3A_343 : vector<1x1x256x128xf32> to vector<256x128xf32>
    %get3A_345 = arith.constant 0 : index
    %get3A_346 = arith.constant 7 : index
    %get3A_347 = arith.constant 0 : index
    %get3A_348 = arith.constant 0 : index
    %get3A_349 = vector.load %arg3[%get3A_345, %get3A_346, %get3A_347, %get3A_348] : memref<1x8x256x128xf32, #tpu.memory_space<vmem>>, vector<1x1x256x128xf32>
    %get3A_350 = vector.shape_cast %get3A_349 : vector<1x1x256x128xf32> to vector<256x128xf32>
    %get3A_351 = arith.constant 0 : index
    %get3A_352 = arith.constant 7 : index
    %get3A_353 = arith.constant 0 : index
    %get3A_354 = arith.constant 0 : index
    %get3A_355 = vector.load %arg4[%get3A_351, %get3A_352, %get3A_353, %get3A_354] : memref<1x8x256x128xf32, #tpu.memory_space<vmem>>, vector<1x1x256x128xf32>
    %get3A_356 = vector.shape_cast %get3A_355 : vector<1x1x256x128xf32> to vector<256x128xf32>
    %dot_general3A_357 = arith.constant dense<0.000000e+00> : vector<256x256xf32>
    %dot_general3A_358 = tpu.matmul %get3A_344, %get3A_350, %dot_general3A_357 {dimension_numbers = #tpu.dot_dimension_numbers<[1], [1], [0], [0], [0, 0, 1, 0], [], []>, transpose_lhs_hint = false} : vector<256x128xf32>, vector<256x128xf32>, vector<256x256xf32> -> vector<256x256xf32>
    %reduce_max3A_359 = arith.constant dense<0xFF800000> : vector<256xf32>
    %reduce_max3A_360 = vector.multi_reduction <maximumf>, %dot_general3A_358, %reduce_max3A_359 [1] : vector<256x256xf32> to vector<256xf32>
    %broadcast_in_dim3A_361 = vector.shape_cast %reduce_max3A_360 : vector<256xf32> to vector<256x1xf32>
    %sub3A_362 = vector.broadcast %broadcast_in_dim3A_361 : vector<256x1xf32> to vector<256x256xf32>
    %sub3A_363 = arith.subf %dot_general3A_358, %sub3A_362 : vector<256x256xf32>
    %exp3A_364 = math.exp %sub3A_363 : vector<256x256xf32>
    %reduce_sum3A_365 = arith.constant dense<0.000000e+00> : vector<256xf32>
    %reduce_sum3A_366 = vector.multi_reduction <add>, %exp3A_364, %reduce_sum3A_365 [1] : vector<256x256xf32> to vector<256xf32>
    %broadcast_in_dim3A_367 = vector.shape_cast %reduce_sum3A_366 : vector<256xf32> to vector<256x1xf32>
    %log3A_368 = math.log %broadcast_in_dim3A_367 : vector<256x1xf32>
    %add3A_369 = arith.addf %broadcast_in_dim3A_361, %log3A_368 : vector<256x1xf32>
    %sub3A_370 = vector.broadcast %add3A_369 : vector<256x1xf32> to vector<256x256xf32>
    %sub3A_371 = arith.subf %dot_general3A_358, %sub3A_370 : vector<256x256xf32>
    %exp3A_372 = math.exp %sub3A_371 : vector<256x256xf32>
    %dot_general3A_373 = arith.constant dense<0.000000e+00> : vector<256x128xf32>
    %dot_general3A_374 = tpu.matmul %exp3A_372, %get3A_356, %dot_general3A_373 {dimension_numbers = #tpu.dot_dimension_numbers<[1], [0], [0], [1], [0, 0, 1, 1], [], []>, transpose_lhs_hint = false} : vector<256x256xf32>, vector<256x128xf32>, vector<256x128xf32> -> vector<256x128xf32>
    %swap3A_375 = arith.constant 0 : index
    %swap3A_376 = arith.constant 7 : index
    %swap3A_377 = arith.constant 0 : index
    %swap3A_378 = arith.constant 0 : index
    %swap3A_379 = vector.load %arg5[%swap3A_375, %swap3A_376, %swap3A_377, %swap3A_378] : memref<1x8x256x128xf32, #tpu.memory_space<vmem>>, vector<1x1x256x128xf32>
    %swap3A_380 = vector.shape_cast %swap3A_379 : vector<1x1x256x128xf32> to vector<256x128xf32>
    %swap3A_381 = vector.shape_cast %dot_general3A_374 : vector<256x128xf32> to vector<1x1x256x128xf32>
    tpu.vector_store %arg5[%swap3A_375, %swap3A_376, %swap3A_377, %swap3A_378], %swap3A_381 {strides = array<i32>} : memref<1x8x256x128xf32, #tpu.memory_space<vmem>>, vector<1x1x256x128xf32>,
    %squeeze3A_382 = vector.shape_cast %add3A_369 : vector<256x1xf32> to vector<256xf32>
    %swap3A_383 = arith.constant 0 : index
    %swap3A_384 = arith.constant 7 : index
    %swap3A_385 = arith.constant 0 : index
    %swap3A_386 = vector.load %arg6[%swap3A_383, %swap3A_384, %swap3A_385] : memref<1x8x256xf32, #tpu.memory_space<vmem>>, vector<1x1x256xf32>
    %swap3A_387 = vector.shape_cast %swap3A_386 : vector<1x1x256xf32> to vector<256xf32>
    %swap3A_388 = vector.shape_cast %squeeze3A_382 : vector<256xf32> to vector<1x1x256xf32>
    tpu.vector_store %arg6[%swap3A_383, %swap3A_384, %swap3A_385], %swap3A_388 {strides = array<i32>} : memref<1x8x256xf32, #tpu.memory_space<vmem>>, vector<1x1x256xf32>,
    return
  }
  func.func @transform_0(%arg0: i32, %arg1: i32) -> (i32, i32, i32, i32) {
    %c0_i32 = arith.constant 0 : i32
    %c0_i32_0 = arith.constant 0 : i32
    %c0_i32_1 = arith.constant 0 : i32
    return %arg0, %arg1, %c0_i32, %c0_i32_0 : i32, i32, i32, i32
  }
  func.func @transform_1(%arg0: i32, %arg1: i32) -> (i32, i32, i32, i32) {
    %c0_i32 = arith.constant 0 : i32
    %c0_i32_0 = arith.constant 0 : i32
    %c0_i32_1 = arith.constant 0 : i32
    return %arg0, %arg1, %c0_i32, %c0_i32_0 : i32, i32, i32, i32
  }
  func.func @transform_2(%arg0: i32, %arg1: i32) -> (i32, i32, i32, i32) {
    %c0_i32 = arith.constant 0 : i32
    %c0_i32_0 = arith.constant 0 : i32
    %c0_i32_1 = arith.constant 0 : i32
    return %arg0, %arg1, %c0_i32, %c0_i32_0 : i32, i32, i32, i32
  }
  func.func @transform_3(%arg0: i32, %arg1: i32) -> (i32, i32, i32, i32) {
    %c0_i32 = arith.constant 0 : i32
    %c0_i32_0 = arith.constant 0 : i32
    %c0_i32_1 = arith.constant 0 : i32
    return %arg0, %arg1, %c0_i32, %c0_i32_0 : i32, i32, i32, i32
  }
  func.func @transform_4(%arg0: i32, %arg1: i32) -> (i32, i32, i32) {
    %c0_i32 = arith.constant 0 : i32
    %c0_i32_0 = arith.constant 0 : i32
    return %arg0, %arg1, %c0_i32 : i32, i32, i32
  }
}

module attributes {stable_mosaic.version = 14 : i64} {
  func.func @_combine_body(%arg0: i32, %arg1: i32, %arg2: memref<1x4x1024x128xf32, #tpu.memory_space<vmem>>, %arg3: memref<1x4x1024xf32, #tpu.memory_space<vmem>>, %arg4: memref<1x1024x128xf32, #tpu.memory_space<vmem>>) attributes {dimension_semantics = [#tpu.dimension_semantics<arbitrary>, #tpu.dimension_semantics<arbitrary>], iteration_bounds = array<i64: 64, 2>, scalar_prefetch = 0 : i64, scratch_operands = 0 : i64, tpu.core_type = #tpu.core_type<tc>, window_params = [{transform_indices = @transform_0, window_bounds = array<i64: 1, 4, 1024, 128>}, {transform_indices = @transform_1, window_bounds = array<i64: 1, 4, 1024>}, {transform_indices = @transform_2, window_bounds = array<i64: 1, 1024, 128>}]} {
    %get3A = arith.constant 0 : index
    %get3A_0 = arith.constant 0 : index
    %get3A_1 = arith.constant 0 : index
    %get3A_2 = vector.load %arg3[%get3A, %get3A_0, %get3A_1] : memref<1x4x1024xf32, #tpu.memory_space<vmem>>, vector<1x4x1024xf32>
    %get3A_3 = vector.shape_cast %get3A_2 : vector<1x4x1024xf32> to vector<4x1024xf32>
    %reduce_max3A = arith.constant dense<0xFF800000> : vector<1024xf32>
    %reduce_max3A_4 = vector.multi_reduction <maximumf>, %get3A_3, %reduce_max3A [0] : vector<4x1024xf32> to vector<1024xf32>
    %broadcast_in_dim3A = vector.shape_cast %reduce_max3A_4 : vector<1024xf32> to vector<1x1024xf32>
    %sub3A = vector.broadcast %broadcast_in_dim3A : vector<1x1024xf32> to vector<4x1024xf32>
    %sub3A_5 = arith.subf %get3A_3, %sub3A : vector<4x1024xf32>
    %exp3A = math.exp %sub3A_5 : vector<4x1024xf32>
    %reduce_sum3A = arith.constant dense<0.000000e+00> : vector<1024xf32>
    %reduce_sum3A_6 = vector.multi_reduction <add>, %exp3A, %reduce_sum3A [0] : vector<4x1024xf32> to vector<1024xf32>
    %log3A = math.log %reduce_sum3A_6 : vector<1024xf32>
    %add3A = arith.addf %reduce_max3A_4, %log3A : vector<1024xf32>
    %broadcast_in_dim3A_7 = vector.shape_cast %add3A : vector<1024xf32> to vector<1x1024xf32>
    %sub3A_8 = vector.broadcast %broadcast_in_dim3A_7 : vector<1x1024xf32> to vector<4x1024xf32>
    %sub3A_9 = arith.subf %get3A_3, %sub3A_8 : vector<4x1024xf32>
    %exp3A_10 = math.exp %sub3A_9 : vector<4x1024xf32>
    %get3A_11 = arith.constant 0 : index
    %get3A_12 = arith.constant 0 : index
    %get3A_13 = arith.constant 0 : index
    %get3A_14 = arith.constant 0 : index
    %get3A_15 = vector.load %arg2[%get3A_11, %get3A_12, %get3A_13, %get3A_14] : memref<1x4x1024x128xf32, #tpu.memory_space<vmem>>, vector<1x1x1024x128xf32>
    %get3A_16 = vector.shape_cast %get3A_15 : vector<1x1x1024x128xf32> to vector<1024x128xf32>
    %slice3A = vector.extract_strided_slice %exp3A_10 {offsets = [0, 0], sizes = [1, 1024], strides = [1, 1]} : vector<4x1024xf32> to vector<1x1024xf32>
    %squeeze3A = vector.shape_cast %slice3A : vector<1x1024xf32> to vector<1024xf32>
    %broadcast_in_dim3A_17 = vector.shape_cast %squeeze3A : vector<1024xf32> to vector<1024x1xf32>
    %mul3A = vector.broadcast %broadcast_in_dim3A_17 : vector<1024x1xf32> to vector<1024x128xf32>
    %mul3A_18 = arith.mulf %get3A_16, %mul3A : vector<1024x128xf32>
    %get3A_19 = arith.constant 0 : index
    %get3A_20 = arith.constant 1 : index
    %get3A_21 = arith.constant 0 : index
    %get3A_22 = arith.constant 0 : index
    %get3A_23 = vector.load %arg2[%get3A_19, %get3A_20, %get3A_21, %get3A_22] : memref<1x4x1024x128xf32, #tpu.memory_space<vmem>>, vector<1x1x1024x128xf32>
    %get3A_24 = vector.shape_cast %get3A_23 : vector<1x1x1024x128xf32> to vector<1024x128xf32>
    %slice3A_25 = vector.extract_strided_slice %exp3A_10 {offsets = [1, 0], sizes = [1, 1024], strides = [1, 1]} : vector<4x1024xf32> to vector<1x1024xf32>
    %squeeze3A_26 = vector.shape_cast %slice3A_25 : vector<1x1024xf32> to vector<1024xf32>
    %broadcast_in_dim3A_27 = vector.shape_cast %squeeze3A_26 : vector<1024xf32> to vector<1024x1xf32>
    %mul3A_28 = vector.broadcast %broadcast_in_dim3A_27 : vector<1024x1xf32> to vector<1024x128xf32>
    %mul3A_29 = arith.mulf %get3A_24, %mul3A_28 : vector<1024x128xf32>
    %add3A_30 = arith.addf %mul3A_18, %mul3A_29 : vector<1024x128xf32>
    %get3A_31 = arith.constant 0 : index
    %get3A_32 = arith.constant 2 : index
    %get3A_33 = arith.constant 0 : index
    %get3A_34 = arith.constant 0 : index
    %get3A_35 = vector.load %arg2[%get3A_31, %get3A_32, %get3A_33, %get3A_34] : memref<1x4x1024x128xf32, #tpu.memory_space<vmem>>, vector<1x1x1024x128xf32>
    %get3A_36 = vector.shape_cast %get3A_35 : vector<1x1x1024x128xf32> to vector<1024x128xf32>
    %slice3A_37 = vector.extract_strided_slice %exp3A_10 {offsets = [2, 0], sizes = [1, 1024], strides = [1, 1]} : vector<4x1024xf32> to vector<1x1024xf32>
    %squeeze3A_38 = vector.shape_cast %slice3A_37 : vector<1x1024xf32> to vector<1024xf32>
    %broadcast_in_dim3A_39 = vector.shape_cast %squeeze3A_38 : vector<1024xf32> to vector<1024x1xf32>
    %mul3A_40 = vector.broadcast %broadcast_in_dim3A_39 : vector<1024x1xf32> to vector<1024x128xf32>
    %mul3A_41 = arith.mulf %get3A_36, %mul3A_40 : vector<1024x128xf32>
    %add3A_42 = arith.addf %add3A_30, %mul3A_41 : vector<1024x128xf32>
    %get3A_43 = arith.constant 0 : index
    %get3A_44 = arith.constant 3 : index
    %get3A_45 = arith.constant 0 : index
    %get3A_46 = arith.constant 0 : index
    %get3A_47 = vector.load %arg2[%get3A_43, %get3A_44, %get3A_45, %get3A_46] : memref<1x4x1024x128xf32, #tpu.memory_space<vmem>>, vector<1x1x1024x128xf32>
    %get3A_48 = vector.shape_cast %get3A_47 : vector<1x1x1024x128xf32> to vector<1024x128xf32>
    %slice3A_49 = vector.extract_strided_slice %exp3A_10 {offsets = [3, 0], sizes = [1, 1024], strides = [1, 1]} : vector<4x1024xf32> to vector<1x1024xf32>
    %squeeze3A_50 = vector.shape_cast %slice3A_49 : vector<1x1024xf32> to vector<1024xf32>
    %broadcast_in_dim3A_51 = vector.shape_cast %squeeze3A_50 : vector<1024xf32> to vector<1024x1xf32>
    %mul3A_52 = vector.broadcast %broadcast_in_dim3A_51 : vector<1024x1xf32> to vector<1024x128xf32>
    %mul3A_53 = arith.mulf %get3A_48, %mul3A_52 : vector<1024x128xf32>
    %add3A_54 = arith.addf %add3A_42, %mul3A_53 : vector<1024x128xf32>
    %swap3A = arith.constant 0 : index
    %swap3A_55 = arith.constant 0 : index
    %swap3A_56 = arith.constant 0 : index
    %swap3A_57 = vector.load %arg4[%swap3A, %swap3A_55, %swap3A_56] : memref<1x1024x128xf32, #tpu.memory_space<vmem>>, vector<1x1024x128xf32>
    %swap3A_58 = vector.shape_cast %swap3A_57 : vector<1x1024x128xf32> to vector<1024x128xf32>
    %swap3A_59 = vector.shape_cast %add3A_54 : vector<1024x128xf32> to vector<1x1024x128xf32>
    tpu.vector_store %arg4[%swap3A, %swap3A_55, %swap3A_56], %swap3A_59 {strides = array<i32>} : memref<1x1024x128xf32, #tpu.memory_space<vmem>>, vector<1x1024x128xf32>,
    return
  }
  func.func @transform_0(%arg0: i32, %arg1: i32) -> (i32, i32, i32, i32) {
    %c0_i32 = arith.constant 0 : i32
    %c0_i32_0 = arith.constant 0 : i32
    %c0_i32_1 = arith.constant 0 : i32
    return %arg0, %c0_i32, %arg1, %c0_i32_0 : i32, i32, i32, i32
  }
  func.func @transform_1(%arg0: i32, %arg1: i32) -> (i32, i32, i32) {
    %c0_i32 = arith.constant 0 : i32
    %c0_i32_0 = arith.constant 0 : i32
    return %arg0, %c0_i32, %arg1 : i32, i32, i32
  }
  func.func @transform_2(%arg0: i32, %arg1: i32) -> (i32, i32, i32) {
    %c0_i32 = arith.constant 0 : i32
    %c0_i32_0 = arith.constant 0 : i32
    return %arg0, %arg1, %c0_i32 : i32, i32, i32
  }
}

</mosaic_0001>

<sc_bundles>
// kernel: gather_offload_async_start
scs
__scs_entry_jumppad:
0x0: {  	(pc) =	sbr.rel $0x88, $3  }
0x1: {  	(tag) =	ssettag $0x0;
	lr =	simm.s32 $0x1  }
0x2: {  	[smem:$0x3F9B] =	sst lr;
	_ =	strace $0xD0000000  }
0x3: {  	_ = 	snop  }
0x4: {  	_ = 	snop  }
0x5: {  	_ = 	snop  }
0x6: {  	_ = 	snop  }
0x7: {  	_ = 	snop  }
__scs_overlays_trampoline_lowered:
0x8: {  	[smem:$0x3FAA] =	sst s0  }
0x9: {  	[smem:$0x3FAB] =	sst s1  }
0xa: {  	[smem:$0x3FAC] =	sst s2  }
0xb: {  	[smem:$0x3FAD] =	sst s3  }
0xc: {  	[smem:$0x3FAE] =	sst s4  }
0xd: {  	[smem:$0x3FAF] =	sst s5  }
0xe: {  	[smem:$0x3FB0] =	sst s6  }
0xf: {  	[smem:$0x3FB1] =	sst s7  }
0x10: {  	[smem:$0x3FB2] =	sst s8  }
0x11: {  	[smem:$0x3FB3] =	sst s9;
	s0 =	simm.s32 @!p0 $0x0  }
0x12: {  	s1 =	sld [smem:$0x3F99];
	s0 =	simm.s32 @p0 $0x1  }
0x13: {  	[smem:$0x3FB4] =	sst s0;
	s0 =	simm.s32 @!p1 $0x0  }
0x14: {  	s2 =	sld [smem:$0x3F98];
	s0 =	simm.s32 @p1 $0x1  }
0x15: {  	[smem:$0x3FB5] =	sst s0;
	s0 =	simm.s32 @!p2 $0x0  }
0x16: {  	s3 =	sld [smem:$0x3FDB];
	s0 =	simm.s32 @p2 $0x1  }
0x17: {  	s4 =	simm.s32 $0x1BF5;
	[smem:$0x3FB7] =	sst s0  }
0x18: {  	s0 =	sld [smem:$0x3F9A];
	_ =	swait.ge [sflag:s4], $0x0  }
0x19: {  	s7 =	sld [smem:$0x3F9B]  }
0x1a: {  	s8 =	sadd.s32 $0xFFFFE003, lr  }
0x1b: {  	s9 =	sadd.s32 $0xFFFFFEF7, lr;
	s5 =	simm.s32 $0xFFFFFFFF;
	p2 =	slt.u32 s8, $0xFFFFF086  }
0x1c: {  	p1 =	slt.u32 s9, $0xF7A;
	s5 =	simm.s32 @!p2 $0x0  }
0x1d: {  	s5 =	simm.s32 @p1 $0x1;
	p0 =	seq.s32 s7, s2  }
0x1e: {  	s7 =	smul.u32 @!p0 $0xF7A, s2;
	p2 =	seq.s32 @!p0 s5, $0x0  }
0x1f: {  	s9 =	smul.u32 $0xF7A, s1;
	s8 =	simm.s32 @!p0 $0x1BF5;
	p2 =	por !p2, p0  }
0x20: {  	[sflag:s8] =	ssyncset.s32 @!p0 $0xFFFFF086;
	s6 =	sadd.s32 @!p0 s3, s7;
	s7 =	simm.s32 @!p0 $0x108  }
0x21: {  	s3 =	sadd.s32 s3, s9;
	s6 =	sadd.s32 @!p0 $0x88, s6;
	s7 =	simm.s32 @p2 $0x1082  }
0x22: {  	[simem:s7], [sflag:s8] =	dma.local @!p0 [hbm:s6], $0xF7A  }
0x23: {  	s9 =	sor.u32 $0xD0000000, s2;
	s6 =	simm.s32 $0x108;
	_ =	swait.ge @!p0 [sflag:s8], $0x0  }
0x24: {  	s3 =	sadd.s32 $0x88, s3;
	s6 =	simm.s32 @!p1 $0x1082;
	[sflag:s4] =	ssyncset.s32 $0xFFFFF086  }
0x25: {  	[simem:s6], [sflag:s4] =	dma.local [hbm:s3], $0xF7A  }
0x26: {  	[smem:$0x3F9B] =	sst s1;
	(tag) =	ssettag s2;
	_ =	strace s9  }
0x27: {  	s1 =	sld [smem:$0x3FAB]  }
0x28: {  	s2 =	sld [smem:$0x3FAC]  }
0x29: {  	s4 =	sld [smem:$0x3FAE]  }
0x2a: {  	p0 =	seq.s32 s5, $0x0;
	s5 =	sld [smem:$0x3FAF]  }
0x2b: {  	s6 =	sld [smem:$0x3FB0]  }
0x2c: {  	s7 =	sld [smem:$0x3FB1]  }
0x2d: {  	s3 =	simm.s32 $0x108;
	s8 =	sld [smem:$0x3FB2]  }
0x2e: {  	s3 =	simm.s32 @!p0 $0x1082;
	s9 =	sld [smem:$0x3FB3]  }
0x2f: {  	lr =	sadd.s32 s0, s3;
	s0 =	sld [smem:$0x3FAA]  }
0x30: {  	s3 =	sld [smem:$0x3FAD]  }
0x31: {  	[smem:$0x3FB6] =	sst s10  }
0x32: {  	s10 =	sld [smem:$0x3FB4];
	_ =	sdelay $0x3  }
0x33: {  	p0 =	seq.s32 s10, $0x1;
	s10 =	sld [smem:$0x3FB6];
	_ =	sdelay $0x3  }
0x34: {  	[smem:$0x3FB6] =	sst s10  }
0x35: {  	s10 =	sld [smem:$0x3FB5];
	_ =	sdelay $0x3  }
0x36: {  	p1 =	seq.s32 s10, $0x1;
	s10 =	sld [smem:$0x3FB6];
	_ =	sdelay $0x3  }
0x37: {  	[smem:$0x3FB6] =	sst s10  }
0x38: {  	s10 =	sld [smem:$0x3FB7]  }
0x39: {  	_ = 	snop;
	(pc) =	sbr.ind lr, $3  }
0x3a: {  	_ = 	snop  }
0x3b: {  	_ = 	snop  }
0x3c: {  	p2 =	seq.s32 s10, $0x1;
	s10 =	sld [smem:$0x3FB6]  }
0x3d: {  	_ =	shalt  }
0x3e: {  	_ =	shalt  }
0x3f: {  	_ =	shalt  }
0x40: {  	_ =	shalt  }
0x41: {  	_ =	shalt  }
0x42: {  	_ =	shalt  }
0x43: {  	_ =	shalt  }
0x44: {  	_ =	shalt  }
0x45: {  	_ =	shalt  }
0x46: {  	_ =	shalt  }
0x47: {  	_ =	shalt  }
0x48: {  	_ =	shalt  }
0x49: {  	_ =	shalt  }
0x4a: {  	_ =	shalt  }
0x4b: {  	_ =	shalt  }
0x4c: {  	_ =	shalt  }
0x4d: {  	_ =	shalt  }
0x4e: {  	_ =	shalt  }
0x4f: {  	_ =	shalt  }
0x50: {  	_ =	shalt  }
0x51: {  	_ =	shalt  }
0x52: {  	_ =	shalt  }
0x53: {  	_ =	shalt  }
0x54: {  	_ =	shalt  }
0x55: {  	_ =	shalt  }
0x56: {  	_ =	shalt  }
0x57: {  	_ =	shalt  }
0x58: {  	_ =	shalt  }
0x59: {  	_ =	shalt  }
0x5a: {  	_ =	shalt  }
0x5b: {  	_ =	shalt  }
0x5c: {  	_ =	shalt  }
0x5d: {  	_ =	shalt  }
0x5e: {  	_ =	shalt  }
0x5f: {  	_ =	shalt  }
0x60: {  	_ =	shalt  }
0x61: {  	_ =	shalt  }
0x62: {  	_ =	shalt  }
0x63: {  	_ =	shalt  }
0x64: {  	_ =	shalt  }
0x65: {  	_ =	shalt  }
0x66: {  	_ =	shalt  }
0x67: {  	_ =	shalt  }
0x68: {  	_ =	shalt  }
0x69: {  	_ =	shalt  }
0x6a: {  	_ =	shalt  }
0x6b: {  	_ =	shalt  }
0x6c: {  	_ =	shalt  }
0x6d: {  	_ =	shalt  }
0x6e: {  	_ =	shalt  }
0x6f: {  	_ =	shalt  }
0x70: {  	_ =	shalt  }
0x71: {  	_ =	shalt  }
0x72: {  	_ =	shalt  }
0x73: {  	_ =	shalt  }
0x74: {  	_ =	shalt  }
0x75: {  	_ =	shalt  }
0x76: {  	_ =	shalt  }
0x77: {  	_ =	shalt  }
0x78: {  	_ =	shalt  }
0x79: {  	_ =	shalt  }
0x7a: {  	_ =	shalt  }
0x7b: {  	_ =	shalt  }
0x7c: {  	_ =	shalt  }
0x7d: {  	_ =	shalt  }
0x7e: {  	_ =	shalt  }
0x7f: {  	_ =	shalt  }
0x80: {  	_ =	shalt  }
0x81: {  	_ =	shalt  }
0x82: {  	_ =	shalt  }
0x83: {  	_ =	shalt  }
0x84: {  	_ =	shalt  }
0x85: {  	_ =	shalt  }
0x86: {  	_ =	shalt  }
0x87: {  	_ =	shalt  }
.Lfunc_end0:
.L_simem_size_0:
called_computation_lowered:
.L_overlay_start_0:
0x88: {  	s2 =	sld [smem:$0x3FD9]  }
0x89: {  	s3 =	sld [smem:$0x3FFE];
	_ =	sdelay $0x1  }
0x8a: {  	s1 =	srdreg.scid  }
0x8b: {  	s0 =	sand.u32 $0x1, s1  }
0x8c: {  	s16 =	sshll.u32 s0, $0xA;
	s2 =	sadd.s32 s3, s2  }
0x8d: {  	s2 =	sadd.s32 s2, s16  }
0x8e: {  	[smem:$0x3FC2] =	sst s2  }
0x8f: {  	_ = 	snop  }
0x90: {  	(tm) =	ssettm $0x1  }
0x91: {  	s17 =	sld [smem:$0x3FFB];
	_ =	sdelay $0x3  }
0x92: {  	_ =	strace s17  }
0x93: {  	s2 =	sld [smem:$0x3FFC];
	_ =	sdelay $0x3  }
0x94: {  	_ =	strace s2  }
0x95: {  	s2 =	sld [smem:$0x3FFD];
	_ =	sdelay $0x3  }
0x96: {  	_ =	strace s2  }
0x97: {  	_ =	strace $0x8FFFFFFF  }
0x98: {  	s18 =	sld [smem:$0x3FDB];
	_ =	sdelay $0x1  }
0x99: {  	s19 =	simm.s32 $_scs_section_size  }
0x9a: {  	s4 =	simm.s32 $_size__tile_overlayer_lowered;
	s5 =	simm.s32 $_tile_overlayer_lowered  }
0x9b: {  	s22 =	simm.s32 $0x1BFF;
	s21 =	sshll.u32 s5, $0x1;
	s2 =	sadd.s32 s19, s18  }
0x9c: {  	s6 =	simm.s32 $0x0;
	s20 =	sshll.u32 s4, $0x1;
	s4 =	sadd.s32 s21, s2  }
0x9d: {  	[timem:s6], [sflag:s22] =	dma.local [hbm:s4], s20  }
0x9e: {  	_ =	swait.ge [sflag:s22], s20  }
0x9f: {  	s3 =	ssub.s32 $0x0, s20;
	[sflag:s22] =	ssyncset.done $0x0  }
0xa0: {  	[sflag:s22] =	ssyncadd.s32 s3;
	_ =	sdelay $0x1  }
0xa1: {  	s23 =	simm.s32 $0x1B8B  }
0xa2: {  	_ =	swait.ge [sflag:s23], $0x1  }
0xa3: {  	[sflag:s23] =	ssyncset.done $0x0  }
0xa4: {  	s25 =	simm.s32 $0x1B8E;
	s24 =	sld [smem:$0x3FFE];
	[sflag:s23] =	ssyncadd.s32 $0xFFFFFFFF  }
0xa5: {  	s26 =	simm.s32 $execute0_lowered;
	[smem:$0x3FD2] =	sst s25  }
0xa6: {  	s4 =	sshll.u32 s26, $0x1;
	_ =	strace $0x80000049;
	[dreg:$0x1] =	wrdreg $0xFFFFFFFF  }
0xa7: {  	s28 =	simm.s32 $_size_execute0_lowered;
	s2 =	sadd.s32 s2, s4;
	[dreg:$0x0] =	wrdreg $0x0  }
0xa8: {  	s4 =	sshll.u32 s28, $0x1;
	[dreg:$0x2] =	wrdreg s2  }
0xa9: {  	[dreg:$0x3] =	wrdreg s4  }
0xaa: {  	[dreg:$0x4] =	wrdreg $0xC0  }
0xab: {  	_ =	task [dreg:s6], $0x5FFFF  }
0xac: {  	[dreg:$0x1] =	wrdreg $0xFFFFFFFF  }
0xad: {  	[dreg:$0x0] =	wrdreg $0x60  }
0xae: {  	[dreg:$0x2] =	wrdreg s24  }
0xaf: {  	[dreg:$0x3] =	wrdreg $0x9  }
0xb0: {  	_ =	task.clear_ibuf [dreg:s6], $0x4FFFF;
	_ =	strace $0x90000049  }
0xb1: {  	s29 =	simm.s32 $0x9;
	_ =	strace $0x8000004B  }
0xb2: {  	_ =	swait.ge [sflag:s29], $0x1  }
0xb3: {  	[sflag:s29] =	ssyncadd.s32 $0xFFFFFFFF  }
0xb4: {  	_ =	strace $0x9000004B  }
0xb5: {  	_ =	sfence  }
0xb6: {  	s30 =	sld [smem:$0x0];
	_ =	sdelay $0x2  }
0xb7: {  	s31 =	sshll.u32 s1, $0xD;
	s1 =	sshrl.u32 s1, $0x2  }
0xb8: {  	s3 =	sand.u32 $0x4000, s31;
	s1 =	sadd.s32 s1, s30  }
0xb9: {  	s0 =	sor.u32 s3, s0;
	s1 =	sshll.u32 s1, $0x11  }
0xba: {  	s0 =	sor.u32 s1, s0  }
0xbb: {  	s0 =	sadd.s32 $0x8F2B, s0  }
0xbc: {  	[sflag:s0] =	ssyncadd.remote.s32 $0x1  }
0xbd: {  	_ =	sfence.sel $0xFFFF  }
0xbe: {  	[dreg:$0x0] =	wrdreg $0xFFFFFFFF;
	(pc) =	sbr.abs _section_cstart, $3  }
0xbf: {  	[dreg:$0x1] =	wrdreg $0xFFFFFFFF  }
0xc0: {  	_ =	task.clear_ibuf [dreg:s6], $0x2FFFF;
	_ =	strace $0x9FFFFFFF  }
0xc1: {  	(tm) =	ssettm $0x7FFFFFFF  }
tec
execute0_lowered:
.L_overlay_start_1:
0x0: {  	(tag) =	ssettag $0x1  }
0x1: {  	s0 =	srdreg.scid;
	s5 =	rddreg [dreg:$0x0]  }
0x2: {  	s1 =	stileid.u32;
	s6 =	simm.s32 $0x1;
	s9 =	simm.s32 $0x1  }
0x3: {  	s10 =	simm.s32 $0x3;
	s13 =	simm.s32 $0x0;
	s2 =	sshll.u32 s0, $0xD  }
0x4: {  	s12 =	simm.s32 $0x0;
	s3 =	sshll.u32 s1, $0xE;
	s2 =	sand.u32 $0x2000, s2  }
0x5: {  	s0 =	rddreg [dreg:$0x1];
	_ =	strace $0x8000004A;
	s2 =	sor.u32 s3, s2  }
0x6: {  	s4 =	sadd.s32 $0x1832000, s5;
	[sflag:s6] =	ssyncpa.u1 $0x0;
	s8 =	ssub.s32 $0x80000, s2  }
.Ltmp0:
0x7: {  	s3 =	sadd.s32 $0x22000, s5;
	s7 =	sand.u32 $0x3E000, s8;
	(pc) =	sbr.rel .LBB2_1-.Ltmp0, $4  }
0x8: {  	s5 =	sadd.s32 $0x32000, s5;
	s11 =	smov.u32 s2;
	p0 =	sne.s32 s7, $0x0  }
0x9: {  	s8 =	sshrl.u32 s8, $0x12;
	s7 =	simm.s32 $0x2;
	s9 =	simm.s32 @!p0 $0x0  }
0xa: {  	[sflag:s7] =	ssyncpa.u1 $0x0;
	p0 =	por $0x0, $0x0;
	s8 =	sadd.s32 s9, s8  }
0xb: {  	vm0 =	vmmov $0xffff;
	[sflag:s10] =	ssyncpa.u1 $0x0;
	s10 =	simm.s32 $0x0;
	s9 =	sadd.s32 $0x1, s8  }
.LBB2_4:
0xc: {  	vm1 =	veq.s32 v0, $0x80000000;
	v63 =	vand.u32 $0x3F, v0;
	v2 =	vand.u32 $0x1FFF, v2  }
0xd: {  	v0 =	vsel vm1, $0xFFFFFFFF, v63;
	v2 =	vsel vm1, $0xFFFFFFFF, v2  }
0xe: {  	v3 =	vshll.u32 v0, $0xD;
	v4 =	vshll.u32 v2, $0x3  }
0xf: {  	v0 =	vshll.u32 v0, $0x7;
	v3 =	vand.u32 $0xFFFF0000, v3;
	v4 =	vand.u32 $0xFFFFFC00, v4  }
0x10: {  	v0 =	vand.u32 $0x380, v0;
	v3 =	vadd.s32 v3, v4  }
0x11: {  	v2 =	vand.u32 $0x7F, v2;
	v0 =	vor.u32 v0, v3  }
0x12: {  	v0 =	vor.u32 v2, v0;
	_ =	sdelay $0x1  }
0x13: {  	(ifvalue) =	ssetifvalue $0x7FFFFFFF;
	s14 =	sadd.s32 $0x10, s14  }
0x14: {  	[tilespmem:s14], [sflag:$0x1] =	stream.indirect_vreg.gather [hbm4b:s3+s10], $0x1, v1, vm0, $0x4038;
	[tilespmem:$0x8000] =	vst v63  }
0x15: {  	(ifvalue) =	ssetifvalue $0x7FFFFFFF;
	s14 =	sadd.s32 $0x10, s14  }
0x16: {  	[tilespmem:s14], [sflag:$0x1] =	stream.indirect_vreg.gather [hbm4b:s3+s10], $0x1, v0, vm0, $0x4038;
	[tilespmem:$0x8000] =	vst v63  }
0x17: {  	_ =	swait.ge [sflag:s6], $0x2000  }
0x18: {  	s30 =	sshrl.u32 s13, $0x3;
	[sflag:s6] =	ssyncset.done $0x0  }
0x19: {  	s31 =	sand.u32 $0x7, s13;
	s14 =	sadd.s32 s5, s30;
	[sflag:s6] =	ssyncadd.s32 $0xFFFFE000  }
0x1a: {  	[hbm4b:s14+s31] =	stream.linear.scatter [tilespmem:s15], [sflag:$0x3], $0x2000, $0x38;
	[tilespmem:$0x8000] =	vst v63  }
.LBB2_5:
0x1b: {  	s15 =	sadd.s32 $0x40000, s11  }
0x1c: {  	p2 =	sgt.s32 s15, $0x7FFFF  }
0x1d: {  	s15 =	smov.u32 @p2 s2;
	p2 =	sne.s32 s12, s9  }
.Ltmp1:
0x1e: {  	p1 =	slt.u32 s12, $0x2;
	(pc) =	sbr.rel @!p2 .LBB2_6-.Ltmp1, $4  }
0x1f: {  	s14 =	simm.s32 @!p1 $0x3  }
0x20: {  	s16 =	sadd.s32 $0x1, s12;
	_ =	swait.ge @!p1 [sflag:s14], $0x2000  }
0x21: {  	s13 =	smov.u32 s11;
	p0 =	por !p0, !p0;
	[sflag:s14] =	ssyncset.done @!p1 $0x0  }
0x22: {  	s12 =	smov.u32 s16;
	s11 =	smov.u32 s15;
	[sflag:s14] =	ssyncadd.s32 @!p1 $0xFFFFE000  }
.LBB2_1:
0x23: {  	p1 =	sge.u32 s12, s8  }
0x24: {  	s14 =	sxor.u32 @!p1 $0xFFFFFFFF, s12  }
0x25: {  	s31 =	sadd.s32 $0xFFFFFFFF, s12;
	s15 =	sshrl.u32 @!p1 s11, $0x3;
	s14 =	sshll.u32 @!p1 s14, $0xD  }
0x26: {  	s16 =	sand.u32 @!p1 $0x7, s11;
	s15 =	sadd.s32 @!p1 s4, s15;
	s14 =	sand.u32 @!p1 $0x2000, s14  }
0x27: {  	[tilespmem:s14], [sflag:$0x2] =	stream.linear.gather @!p1 [hbm4b:s15+s16], $0x2000, $0x38;
	[tilespmem:$0x8000] =	vst v63  }
0x28: {  	p1 =	sge.u32 s31, s8  }
.Ltmp2:
0x29: {  	_ = 	snop;
	(pc) =	sbr.rel @p1 .LBB2_5-.Ltmp2, $1  }
0x2a: {  	_ =	sdelay $0x3  }
0x2b: {  	s14 =	simm.s32 $0x1  }
0x2c: {  	_ =	swait.ge [sflag:s7], $0x2000;
	s14 =	simm.s32 @!p0 $0x0  }
0x2d: {  	[sflag:s7] =	ssyncset.done $0x0;
	s14 =	sshll.u32 s14, $0xD  }
0x2e: {  	[sflag:s7] =	ssyncadd.s32 $0xFFFFE000;
	(ifvalue) =	ssetifvalue $0x7FFFFFFF;
	v0 =	vld.msk [tilespmem:s14+$0x0 ss:$0x1], $0xffff;
	_ =	sdelay $0x3  }
0x2f: {  	s15 =	sadd.s32 $0x10, s14  }
0x30: {  	v2 =	vld.msk [tilespmem:s15+$0x0 ss:$0x1], $0xffff;
	v1 =	vshrl.u32 v0, $0x6  }
0x31: {  	vm1 =	veq.s32 v0, $0x80000000;
	v0 =	vand.u32 $0x3F, v0;
	v1 =	vand.u32 $0x1FFF, v1  }
0x32: {  	v0 =	vsel vm1, $0xFFFFFFFF, v0;
	v1 =	vsel vm1, $0xFFFFFFFF, v1  }
0x33: {  	v3 =	vshll.u32 v0, $0xD;
	v4 =	vshll.u32 v1, $0x3  }
0x34: {  	v0 =	vshll.u32 v0, $0x7;
	v3 =	vand.u32 $0xFFFF0000, v3;
	v4 =	vand.u32 $0xFFFFFC00, v4  }
0x35: {  	vm1 =	veq.s32 v2, $0x80000000;
	v0 =	vand.u32 $0x380, v0;
	v3 =	vadd.s32 v3, v4  }
0x36: {  	v1 =	vand.u32 $0x7F, v1;
	v0 =	vor.u32 v0, v3;
	v3 =	vshrl.u32 v2, $0x6  }
0x37: {  	s17 =	sadd.s32 $0x10, s15;
	v2 =	vand.u32 $0x3F, v2;
	v1 =	vor.u32 v1, v0;
	v3 =	vand.u32 $0x1FFF, v3  }
0x38: {  	v0 =	vld.msk [tilespmem:s17+$0x0 ss:$0x1], $0xffff;
	v2 =	vsel vm1, $0xFFFFFFFF, v2;
	v3 =	vsel vm1, $0xFFFFFFFF, v3  }
0x39: {  	v63 =	vshll.u32 v2, $0xD;
	v5 =	vshll.u32 v3, $0x3  }
0x3a: {  	s31 =	sshll.u32 s12, $0xD;
	v2 =	vshll.u32 v2, $0x7;
	v4 =	vand.u32 $0xFFFF0000, v63;
	v5 =	vand.u32 $0xFFFFFC00, v5  }
0x3b: {  	s14 =	sor.u32 $0x4000, s14;
	s15 =	sand.u32 $0x2000, s31;
	(ifvalue) =	ssetifvalue $0x7FFFFFFF;
	v2 =	vand.u32 $0x380, v2;
	v4 =	vadd.s32 v4, v5  }
0x3c: {  	[tilespmem:s14], [sflag:$0x1] =	stream.indirect_vreg.gather [hbm4b:s3+s10], $0x1, v1, vm0, $0x4038;
	v1 =	vand.u32 $0x7F, v3;
	v3 =	vor.u32 v2, v4;
	[tilespmem:$0x8000] =	vst v63  }
0x3d: {  	s16 =	simm.s32 $0x20;
	s15 =	sor.u32 $0x4000, s15;
	s17 =	sadd.s32 $0x10, s17;
	v2 =	vshrl.u32 v0, $0x6;
	v1 =	vor.u32 v1, v3  }
.LBB2_3:
0x3e: {  	s16 =	sadd.s32 $0x10, s16;
	vm1 =	veq.s32 v0, $0x80000000;
	v3 =	vand.u32 $0x3F, v0;
	v0 =	vld.msk [tilespmem:s17+$0x0 ss:$0x1], $0xffff;
	v2 =	vand.u32 $0x1FFF, v2  }
0x3f: {  	p1 =	slt.u32 s16, $0x1FF0;
	v3 =	vsel vm1, $0xFFFFFFFF, v3;
	v2 =	vsel vm1, $0xFFFFFFFF, v2  }
.Ltmp3:
0x40: {  	v4 =	vshll.u32 v3, $0xD;
	v5 =	vshll.u32 v2, $0x3;
	(pc) =	sbr.rel @p1 .LBB2_3-.Ltmp3, $4  }
0x41: {  	s14 =	sadd.s32 $0x10, s14;
	v3 =	vshll.u32 v3, $0x7;
	v4 =	vand.u32 $0xFFFF0000, v4;
	v5 =	vand.u32 $0xFFFFFC00, v5;
	(ifvalue) =	ssetifvalue $0x7FFFFFFF  }
0x42: {  	v3 =	vand.u32 $0x380, v3;
	v4 =	vadd.s32 v4, v5;
	[tilespmem:s14], [sflag:$0x1] =	stream.indirect_vreg.gather [hbm4b:s3+s10], $0x1, v1, vm0, $0x4038;
	[tilespmem:$0x8000] =	vst v63  }
0x43: {  	v1 =	vand.u32 $0x7F, v2;
	v3 =	vor.u32 v3, v4  }
0x44: {  	s17 =	sadd.s32 $0x10, s17;
	v2 =	vshrl.u32 v0, $0x6;
	v1 =	vor.u32 v1, v3  }
.Ltmp4:
0x45: {  	_ = 	snop;
	(pc) =	sbr.rel .LBB2_4-.Ltmp4, $1  }
0x46: {  	_ =	sdelay $0x3  }
.LBB2_6:
0x47: {  	_ =	sfence.sel $0x180000  }
0x48: {  	s2 =	simm.s32 $0x2;
	[bflag:$0x0] =	sbarrier.arrive $0xFFFF  }
0x49: {  	s30 =	simm.s32 $0x3;
	[sflag:s2] =	ssyncpa.u1 $0x1  }
0x4a: {  	s31 =	simm.s32 $0x1;
	[sflag:s30] =	ssyncpa.u1 $0x1  }
0x4b: {  	[sflag:s31] =	ssyncpa.u1 $0x1  }
0x4c: {  	p0 =	sne.s32 s1, $0x0;
	_ =	strace $0x9000004A  }
0x4d: {  	s0 =	sadd.s32 @!p0 $0x100000, s0;
	[bflag:$0x2] =	sbarrier.arrive $0xFFFF  }
0x4e: {  	[sflag:s0] =	ssyncadd.tile.s32 @!p0 $0x1;
	_ =	shalt  }
.Lfunc_end2:
_tile_overlayer_lowered:
.L_overlay_start_2:
0x4f: {  	(tag) =	ssettag $0x2  }
0x50: {  	s0 =	rddreg [dreg:$0x0];
	s2 =	stileid.u32  }
0x51: {  	s1 =	rddreg [dreg:$0x1];
	p0 =	sne.s32 s2, $0x0  }
0x52: {  	s3 =	rddreg [dreg:$0x2];
	[bflag:$0x3] =	sbarrier.arrive $0xFFFF;
	s2 =	simm.s32 @!p0 $0x1C01  }
0x53: {  	[timem:s3], [sflag:s2] =	dma.local @!p0 [hbm:s0], s1  }
0x54: {  	s0 =	simm.s32 @!p0 $0x1  }
0x55: {  	_ =	swait.ge @!p0 [sflag:s0], s1  }
0x56: {  	s1 =	ssub.s32 @!p0 $0x0, s1;
	[sflag:s0] =	ssyncset.done @!p0 $0x0  }
0x57: {  	[sflag:s0] =	ssyncadd.s32 @!p0 s1  }
0x58: {  	[bflag:$0x3] =	sbarrier.arrive $0xFFFF  }
0x59: {  	_ =	shalt  }

// kernel: kernel.10.cloned.1.call-start
scs
__scs_entry_jumppad:
0x0: {  	(pc) =	sbr.rel $0x88, $3  }
0x1: {  	(tag) =	ssettag $0x0;
	lr =	simm.s32 $0x1  }
0x2: {  	[smem:$0x3F9B] =	sst lr;
	_ =	strace $0xD0000000  }
0x3: {  	_ = 	snop  }
0x4: {  	_ = 	snop  }
0x5: {  	_ = 	snop  }
0x6: {  	_ = 	snop  }
0x7: {  	_ = 	snop  }
__scs_overlays_trampoline_lowered:
0x8: {  	[smem:$0x3FAA] =	sst s0  }
0x9: {  	[smem:$0x3FAB] =	sst s1  }
0xa: {  	[smem:$0x3FAC] =	sst s2  }
0xb: {  	[smem:$0x3FAD] =	sst s3  }
0xc: {  	[smem:$0x3FAE] =	sst s4  }
0xd: {  	[smem:$0x3FAF] =	sst s5  }
0xe: {  	[smem:$0x3FB0] =	sst s6  }
0xf: {  	[smem:$0x3FB1] =	sst s7  }
0x10: {  	[smem:$0x3FB2] =	sst s8  }
0x11: {  	[smem:$0x3FB3] =	sst s9;
	s0 =	simm.s32 @!p0 $0x0  }
0x12: {  	s1 =	sld [smem:$0x3F99];
	s0 =	simm.s32 @p0 $0x1  }
0x13: {  	[smem:$0x3FB4] =	sst s0;
	s0 =	simm.s32 @!p1 $0x0  }
0x14: {  	s2 =	sld [smem:$0x3F98];
	s0 =	simm.s32 @p1 $0x1  }
0x15: {  	[smem:$0x3FB5] =	sst s0;
	s0 =	simm.s32 @!p2 $0x0  }
0x16: {  	s3 =	sld [smem:$0x3FDB];
	s0 =	simm.s32 @p2 $0x1  }
0x17: {  	s4 =	simm.s32 $0x1BF5;
	[smem:$0x3FB7] =	sst s0  }
0x18: {  	s0 =	sld [smem:$0x3F9A];
	_ =	swait.ge [sflag:s4], $0x0  }
0x19: {  	s7 =	sld [smem:$0x3F9B]  }
0x1a: {  	s8 =	sadd.s32 $0xFFFFE003, lr  }
0x1b: {  	s9 =	sadd.s32 $0xFFFFFEF7, lr;
	s5 =	simm.s32 $0xFFFFFFFF;
	p2 =	slt.u32 s8, $0xFFFFF086  }
0x1c: {  	p1 =	slt.u32 s9, $0xF7A;
	s5 =	simm.s32 @!p2 $0x0  }
0x1d: {  	s5 =	simm.s32 @p1 $0x1;
	p0 =	seq.s32 s7, s2  }
0x1e: {  	s7 =	smul.u32 @!p0 $0xF7A, s2;
	p2 =	seq.s32 @!p0 s5, $0x0  }
0x1f: {  	s9 =	smul.u32 $0xF7A, s1;
	s8 =	simm.s32 @!p0 $0x1BF5;
	p2 =	por !p2, p0  }
0x20: {  	[sflag:s8] =	ssyncset.s32 @!p0 $0xFFFFF086;
	s6 =	sadd.s32 @!p0 s3, s7;
	s7 =	simm.s32 @!p0 $0x108  }
0x21: {  	s3 =	sadd.s32 s3, s9;
	s6 =	sadd.s32 @!p0 $0x88, s6;
	s7 =	simm.s32 @p2 $0x1082  }
0x22: {  	[simem:s7], [sflag:s8] =	dma.local @!p0 [hbm:s6], $0xF7A  }
0x23: {  	s9 =	sor.u32 $0xD0000000, s2;
	s6 =	simm.s32 $0x108;
	_ =	swait.ge @!p0 [sflag:s8], $0x0  }
0x24: {  	s3 =	sadd.s32 $0x88, s3;
	s6 =	simm.s32 @!p1 $0x1082;
	[sflag:s4] =	ssyncset.s32 $0xFFFFF086  }
0x25: {  	[simem:s6], [sflag:s4] =	dma.local [hbm:s3], $0xF7A  }
0x26: {  	[smem:$0x3F9B] =	sst s1;
	(tag) =	ssettag s2;
	_ =	strace s9  }
0x27: {  	s1 =	sld [smem:$0x3FAB]  }
0x28: {  	s2 =	sld [smem:$0x3FAC]  }
0x29: {  	s4 =	sld [smem:$0x3FAE]  }
0x2a: {  	p0 =	seq.s32 s5, $0x0;
	s5 =	sld [smem:$0x3FAF]  }
0x2b: {  	s6 =	sld [smem:$0x3FB0]  }
0x2c: {  	s7 =	sld [smem:$0x3FB1]  }
0x2d: {  	s3 =	simm.s32 $0x108;
	s8 =	sld [smem:$0x3FB2]  }
0x2e: {  	s3 =	simm.s32 @!p0 $0x1082;
	s9 =	sld [smem:$0x3FB3]  }
0x2f: {  	lr =	sadd.s32 s0, s3;
	s0 =	sld [smem:$0x3FAA]  }
0x30: {  	s3 =	sld [smem:$0x3FAD]  }
0x31: {  	[smem:$0x3FB6] =	sst s10  }
0x32: {  	s10 =	sld [smem:$0x3FB4];
	_ =	sdelay $0x3  }
0x33: {  	p0 =	seq.s32 s10, $0x1;
	s10 =	sld [smem:$0x3FB6];
	_ =	sdelay $0x3  }
0x34: {  	[smem:$0x3FB6] =	sst s10  }
0x35: {  	s10 =	sld [smem:$0x3FB5];
	_ =	sdelay $0x3  }
0x36: {  	p1 =	seq.s32 s10, $0x1;
	s10 =	sld [smem:$0x3FB6];
	_ =	sdelay $0x3  }
0x37: {  	[smem:$0x3FB6] =	sst s10  }
0x38: {  	s10 =	sld [smem:$0x3FB7]  }
0x39: {  	_ = 	snop;
	(pc) =	sbr.ind lr, $3  }
0x3a: {  	_ = 	snop  }
0x3b: {  	_ = 	snop  }
0x3c: {  	p2 =	seq.s32 s10, $0x1;
	s10 =	sld [smem:$0x3FB6]  }
0x3d: {  	_ =	shalt  }
0x3e: {  	_ =	shalt  }
0x3f: {  	_ =	shalt  }
0x40: {  	_ =	shalt  }
0x41: {  	_ =	shalt  }
0x42: {  	_ =	shalt  }
0x43: {  	_ =	shalt  }
0x44: {  	_ =	shalt  }
0x45: {  	_ =	shalt  }
0x46: {  	_ =	shalt  }
0x47: {  	_ =	shalt  }
0x48: {  	_ =	shalt  }
0x49: {  	_ =	shalt  }
0x4a: {  	_ =	shalt  }
0x4b: {  	_ =	shalt  }
0x4c: {  	_ =	shalt  }
0x4d: {  	_ =	shalt  }
0x4e: {  	_ =	shalt  }
0x4f: {  	_ =	shalt  }
0x50: {  	_ =	shalt  }
0x51: {  	_ =	shalt  }
0x52: {  	_ =	shalt  }
0x53: {  	_ =	shalt  }
0x54: {  	_ =	shalt  }
0x55: {  	_ =	shalt  }
0x56: {  	_ =	shalt  }
0x57: {  	_ =	shalt  }
0x58: {  	_ =	shalt  }
0x59: {  	_ =	shalt  }
0x5a: {  	_ =	shalt  }
0x5b: {  	_ =	shalt  }
0x5c: {  	_ =	shalt  }
0x5d: {  	_ =	shalt  }
0x5e: {  	_ =	shalt  }
0x5f: {  	_ =	shalt  }
0x60: {  	_ =	shalt  }
0x61: {  	_ =	shalt  }
0x62: {  	_ =	shalt  }
0x63: {  	_ =	shalt  }
0x64: {  	_ =	shalt  }
0x65: {  	_ =	shalt  }
0x66: {  	_ =	shalt  }
0x67: {  	_ =	shalt  }
0x68: {  	_ =	shalt  }
0x69: {  	_ =	shalt  }
0x6a: {  	_ =	shalt  }
0x6b: {  	_ =	shalt  }
0x6c: {  	_ =	shalt  }
0x6d: {  	_ =	shalt  }
0x6e: {  	_ =	shalt  }
0x6f: {  	_ =	shalt  }
0x70: {  	_ =	shalt  }
0x71: {  	_ =	shalt  }
0x72: {  	_ =	shalt  }
0x73: {  	_ =	shalt  }
0x74: {  	_ =	shalt  }
0x75: {  	_ =	shalt  }
0x76: {  	_ =	shalt  }
0x77: {  	_ =	shalt  }
0x78: {  	_ =	shalt  }
0x79: {  	_ =	shalt  }
0x7a: {  	_ =	shalt  }
0x7b: {  	_ =	shalt  }
0x7c: {  	_ =	shalt  }
0x7d: {  	_ =	shalt  }
0x7e: {  	_ =	shalt  }
0x7f: {  	_ =	shalt  }
0x80: {  	_ =	shalt  }
0x81: {  	_ =	shalt  }
0x82: {  	_ =	shalt  }
0x83: {  	_ =	shalt  }
0x84: {  	_ =	shalt  }
0x85: {  	_ =	shalt  }
0x86: {  	_ =	shalt  }
0x87: {  	_ =	shalt  }
.Lfunc_end0:
.L_simem_size_0:
called_computation.2_lowered:
.L_overlay_start_0:
0x88: {  	s2 =	sld [smem:$0x3FD9]  }
0x89: {  	s3 =	sld [smem:$0x3FFE];
	_ =	sdelay $0x1  }
0x8a: {  	s1 =	srdreg.scid  }
0x8b: {  	s0 =	sand.u32 $0x1, s1  }
0x8c: {  	s17 =	sshll.u32 s0, $0xA;
	s2 =	sadd.s32 s3, s2  }
0x8d: {  	s2 =	sadd.s32 s2, s17  }
0x8e: {  	[smem:$0x3FC2] =	sst s2  }
0x8f: {  	_ = 	snop  }
0x90: {  	(tm) =	ssettm $0x1  }
0x91: {  	s18 =	sld [smem:$0x3FFB];
	_ =	sdelay $0x3  }
0x92: {  	_ =	strace s18  }
0x93: {  	s2 =	sld [smem:$0x3FFC];
	_ =	sdelay $0x3  }
0x94: {  	_ =	strace s2  }
0x95: {  	s2 =	sld [smem:$0x3FFD];
	_ =	sdelay $0x3  }
0x96: {  	_ =	strace s2  }
0x97: {  	_ =	strace $0x8FFFFFFF  }
0x98: {  	s19 =	sld [smem:$0x3FDB];
	_ =	sdelay $0x1  }
0x99: {  	s20 =	simm.s32 $_scs_section_size  }
0x9a: {  	s4 =	simm.s32 $_size__tile_overlayer_lowered;
	s5 =	simm.s32 $_tile_overlayer_lowered  }
0x9b: {  	s6 =	simm.s32 $0x1BFF;
	s21 =	sshll.u32 s5, $0x1;
	s3 =	sadd.s32 s20, s19  }
0x9c: {  	s22 =	simm.s32 $0x0;
	s4 =	sshll.u32 s4, $0x1;
	s5 =	sadd.s32 s21, s3  }
0x9d: {  	[timem:s22], [sflag:s6] =	dma.local [hbm:s5], s4  }
0x9e: {  	_ =	swait.ge [sflag:s6], s4  }
0x9f: {  	s4 =	ssub.s32 $0x0, s4;
	[sflag:s6] =	ssyncset.done $0x0  }
0xa0: {  	[sflag:s6] =	ssyncadd.s32 s4;
	_ =	sdelay $0x1  }
0xa1: {  	s23 =	simm.s32 $0x1B8B  }
0xa2: {  	_ =	swait.ge [sflag:s23], $0x1  }
0xa3: {  	[sflag:s23] =	ssyncset.done $0x0  }
0xa4: {  	[sflag:s23] =	ssyncadd.s32 $0xFFFFFFFF  }
0xa5: {  	s4 =	sld [smem:$0x0]  }
0xa6: {  	s5 =	sand.u32 $0xFFFFFFFE, s1  }
0xa7: {  	p0 =	sne.s32 s1, s5  }
0xa8: {  	s5 =	sshll.u32 @p0 s5, $0xE  }
0xa9: {  	s5 =	sadd.s32 @p0 $0x11B8D, s5;
	s6 =	sshll.u32 @p0 s4, $0x11  }
0xaa: {  	s5 =	sor.u32 @p0 s6, s5  }
0xab: {  	[sflag:s5] =	ssyncadd.remote.s32 @p0 $0x1;
	_ =	sdelay $0x1  }
0xac: {  	s5 =	simm.s32 @p0 $0x1B8D  }
0xad: {  	_ =	swait.eq @p0 [sflag:s5], $0x1  }
0xae: {  	[sflag:s5] =	ssyncadd.s32 @p0 $0xFFFFFFFF  }
0xaf: {  	s6 =	sshll.u32 @!p0 s1, $0xE  }
0xb0: {  	s6 =	sor.u32 @!p0 $0x4000, s6;
	s5 =	simm.s32 @!p0 $0x1B8D  }
0xb1: {  	s4 =	sshll.u32 @!p0 s4, $0x11;
	s6 =	sadd.s32 @!p0 $0x11B8D, s6;
	_ =	swait.eq @!p0 [sflag:s5], $0x1  }
0xb2: {  	s4 =	sor.u32 @!p0 s4, s6;
	[sflag:s5] =	ssyncadd.s32 @!p0 $0xFFFFFFFF  }
0xb3: {  	s25 =	simm.s32 $0x1B8E;
	s24 =	sld [smem:$0x3FFE];
	[sflag:s4] =	ssyncadd.remote.s32 @!p0 $0x1  }
0xb4: {  	s26 =	simm.s32 $execute0_lowered;
	[smem:$0x3FD2] =	sst s25  }
0xb5: {  	s5 =	sshll.u32 s26, $0x1;
	_ =	strace $0x8000004C;
	[dreg:$0x1] =	wrdreg $0xFFFFFFFF  }
0xb6: {  	s28 =	simm.s32 $_size_execute0_lowered;
	s3 =	sadd.s32 s3, s5;
	[dreg:$0x0] =	wrdreg $0x0  }
0xb7: {  	s5 =	sshll.u32 s28, $0x1;
	[dreg:$0x2] =	wrdreg s3  }
0xb8: {  	[dreg:$0x3] =	wrdreg s5  }
0xb9: {  	[dreg:$0x4] =	wrdreg $0xC0  }
0xba: {  	_ =	task [dreg:s22], $0x5FFFF  }
0xbb: {  	[dreg:$0x1] =	wrdreg $0xFFFFFFFF  }
0xbc: {  	[dreg:$0x0] =	wrdreg $0x60  }
0xbd: {  	[dreg:$0x2] =	wrdreg s24  }
0xbe: {  	[dreg:$0x3] =	wrdreg $0xA  }
0xbf: {  	_ =	task.clear_ibuf [dreg:s22], $0x4FFFF;
	_ =	strace $0x9000004C  }
0xc0: {  	s29 =	simm.s32 $0xA;
	_ =	strace $0x8000004E  }
0xc1: {  	_ =	swait.ge [sflag:s29], $0x1  }
0xc2: {  	[sflag:s29] =	ssyncadd.s32 $0xFFFFFFFF  }
0xc3: {  	_ =	strace $0x9000004E  }
0xc4: {  	_ =	sfence  }
0xc5: {  	s30 =	sld [smem:$0x0];
	_ =	sdelay $0x2  }
0xc6: {  	s31 =	sshll.u32 s1, $0xD;
	s1 =	sshrl.u32 s1, $0x2  }
0xc7: {  	s4 =	sand.u32 $0x4000, s31;
	s1 =	sadd.s32 s1, s30  }
0xc8: {  	s0 =	sor.u32 s4, s0;
	s1 =	sshll.u32 s1, $0x11  }
0xc9: {  	s0 =	sor.u32 s1, s0  }
0xca: {  	s0 =	sadd.s32 $0x8F2B, s0  }
0xcb: {  	[sflag:s0] =	ssyncadd.remote.s32 $0x1  }
0xcc: {  	_ =	sfence.sel $0xFFFF  }
0xcd: {  	[dreg:$0x0] =	wrdreg $0xFFFFFFFF;
	(pc) =	sbr.abs _section_cstart, $3  }
0xce: {  	[dreg:$0x1] =	wrdreg $0xFFFFFFFF  }
0xcf: {  	_ =	task.clear_ibuf [dreg:s22], $0x2FFFF;
	_ =	strace $0x9FFFFFFF  }
0xd0: {  	(tm) =	ssettm $0x7FFFFFFF  }
0xd1: {  	_ =	shalt  }
tec
execute0_lowered:
.L_overlay_start_1:
0x0: {  	(tag) =	ssettag $0x1  }
0x1: {  	s4 =	rddreg [dreg:$0x0]  }
0x2: {  	s0 =	rddreg [dreg:$0x1];
	s2 =	simm.s32 $0x0;
	s3 =	srdreg.scid  }
0x3: {  	s1 =	stileid.u32;
	s10 =	simm.s32 $0x0;
	[smem:$0x7FF] =	sst s2  }
0x4: {  	s5 =	sand.u32 $0x1, s3;
	s6 =	sshll.u32 s1, $0xF;
	s3 =	sadd.s32 $0x1842000, s4  }
0x5: {  	s8 =	sshll.u32 s1, $0x13;
	_ =	strace $0x8000004D;
	s7 =	sshll.u32 s5, $0xE  }
0x6: {  	s31 =	ssub.s32 $0x2, s5;
	s8 =	sadd.s32 s8, s4;
	s5 =	sshll.u32 s5, $0x12  }
0x7: {  	s6 =	sor.u32 s7, s6;
	s9 =	sshrl.u32 s31, $0x1;
	s5 =	sadd.s32 s5, s8  }
0x8: {  	s8 =	simm.s32 $0x80;
	s6 =	sshrl.u32 s6, $0x3;
	s7 =	ssub.s32 s31, s9  }
0x9: {  	s5 =	sadd.s32 $0x42000, s5;
	s9 =	simm.s32 $0x1;
	s6 =	sadd.s32 s6, s4  }
0xa: {  	s4 =	smax.u32 s7, $0x1;
	s7 =	simm.s32 $0x2;
	s6 =	sadd.s32 $0x12000, s6  }
.LBB2_1:
0xb: {  	s11 =	sadd.s32 $0x0, s6  }
0xc: {  	[tilespmem:s2], [sflag:$0x2] =	stream.linear.gather [hbm4b:s11+s2], $0x80, $0x38;
	[tilespmem:$0x4080] =	vst v63  }
0xd: {  	_ =	swait.ge [sflag:s7], $0x80  }
0xe: {  	[sflag:s7] =	ssyncset.done $0x0  }
0xf: {  	[sflag:s7] =	ssyncadd.s32 $0xFFFFFF80  }
0x10: {  	[tilespmem:s8], [sflag:$0x1] =	stream.indirect.gather [hbm4b:s3+s8], $0x80, s2, s8, $0xb8;
	[tilespmem:$0x4080] =	vst v63  }
0x11: {  	_ =	swait.ge [sflag:s9], $0x4000  }
0x12: {  	[sflag:s9] =	ssyncset.done $0x0  }
0x13: {  	[sflag:s9] =	ssyncadd.s32 $0xFFFFC000  }
0x14: {  	[hbm4b:s5+s2] =	stream.linear.scatter [tilespmem:s8], [sflag:$0x2], $0x4000, $0x38;
	[tilespmem:$0x4080] =	vst v63  }
0x15: {  	s12 =	simm.s32 $0x10;
	_ =	swait.ge [sflag:s7], $0x4000  }
0x16: {  	s13 =	simm.s32 $0x20;
	s11 =	sadd.s32 $0x800, s5;
	[sflag:s7] =	ssyncset.done $0x0  }
.LBB2_2:
0x17: {  	s14 =	sadd.s32 s12, s6  }
0x18: {  	[sflag:s7] =	ssyncadd.s32 $0xFFFFC000;
	s12 =	smov.u32 s13;
	s15 =	sadd.s32 $0x10, s13  }
0x19: {  	[tilespmem:s2], [sflag:$0x2] =	stream.linear.gather [hbm4b:s14+s2], $0x80, $0x38;
	[tilespmem:$0x4080] =	vst v63  }
0x1a: {  	p0 =	sne.s32 s13, $0x7F0;
	_ =	swait.ge [sflag:s7], $0x80  }
0x1b: {  	[sflag:s7] =	ssyncset.done $0x0  }
0x1c: {  	[sflag:s7] =	ssyncadd.s32 $0xFFFFFF80  }
0x1d: {  	[tilespmem:s8], [sflag:$0x1] =	stream.indirect.gather [hbm4b:s3+s8], $0x80, s2, s8, $0xb8;
	[tilespmem:$0x4080] =	vst v63  }
0x1e: {  	_ =	swait.ge [sflag:s9], $0x4000  }
.Ltmp0:
0x1f: {  	[sflag:s9] =	ssyncset.done $0x0;
	(pc) =	sbr.rel @p0 .LBB2_2-.Ltmp0, $4  }
0x20: {  	[sflag:s9] =	ssyncadd.s32 $0xFFFFC000  }
0x21: {  	[hbm4b:s11+s2] =	stream.linear.scatter [tilespmem:s8], [sflag:$0x2], $0x4000, $0x38;
	[tilespmem:$0x4080] =	vst v63  }
0x22: {  	_ =	swait.ge [sflag:s7], $0x4000  }
0x23: {  	s13 =	smov.u32 s15;
	s11 =	sadd.s32 $0x800, s11;
	[sflag:s7] =	ssyncset.done $0x0  }
0x24: {  	s12 =	sadd.s32 s12, s6;
	[sflag:s7] =	ssyncadd.s32 $0xFFFFC000  }
0x25: {  	[tilespmem:s2], [sflag:$0x2] =	stream.linear.gather [hbm4b:s12+s2], $0x80, $0x38;
	[tilespmem:$0x4080] =	vst v63  }
0x26: {  	_ =	swait.ge [sflag:s7], $0x80  }
0x27: {  	[sflag:s7] =	ssyncset.done $0x0  }
0x28: {  	[sflag:s7] =	ssyncadd.s32 $0xFFFFFF80  }
0x29: {  	[tilespmem:s8], [sflag:$0x1] =	stream.indirect.gather [hbm4b:s3+s8], $0x80, s2, s8, $0xb8;
	[tilespmem:$0x4080] =	vst v63  }
0x2a: {  	s10 =	sadd.s32 $0x1, s10;
	_ =	swait.ge [sflag:s9], $0x4000  }
0x2b: {  	p0 =	sne.s32 s10, s4;
	[sflag:s9] =	ssyncset.done $0x0  }
.Ltmp1:
0x2c: {  	[sflag:s9] =	ssyncadd.s32 $0xFFFFC000;
	(pc) =	sbr.rel @p0 .LBB2_1-.Ltmp1, $4  }
0x2d: {  	[hbm4b:s11+s2] =	stream.linear.scatter [tilespmem:s8], [sflag:$0x2], $0x4000, $0x38;
	[tilespmem:$0x4080] =	vst v63  }
0x2e: {  	_ =	swait.ge [sflag:s7], $0x4000  }
0x2f: {  	[sflag:s7] =	ssyncset.done $0x0  }
0x30: {  	[sflag:s7] =	ssyncadd.s32 $0xFFFFC000  }
0x31: {  	_ =	sfence.sel $0x180000  }
0x32: {  	[bflag:$0x0] =	sbarrier.arrive $0xFFFF  }
0x33: {  	p0 =	sne.s32 s1, $0x0;
	_ =	strace $0x9000004D  }
0x34: {  	s0 =	sadd.s32 @!p0 $0x100000, s0;
	[bflag:$0x2] =	sbarrier.arrive $0xFFFF  }
0x35: {  	[sflag:s0] =	ssyncadd.tile.s32 @!p0 $0x1;
	_ =	shalt  }
.Lfunc_end2:
_tile_overlayer_lowered:
.L_overlay_start_2:
0x36: {  	(tag) =	ssettag $0x2  }
0x37: {  	s0 =	rddreg [dreg:$0x0];
	s2 =	stileid.u32  }
0x38: {  	s1 =	rddreg [dreg:$0x1];
	p0 =	sne.s32 s2, $0x0  }
0x39: {  	s3 =	rddreg [dreg:$0x2];
	[bflag:$0x3] =	sbarrier.arrive $0xFFFF;
	s2 =	simm.s32 @!p0 $0x1C02  }
0x3a: {  	[timem:s3], [sflag:s2] =	dma.local @!p0 [hbm:s0], s1  }
0x3b: {  	s0 =	simm.s32 @!p0 $0x2  }
0x3c: {  	_ =	swait.ge @!p0 [sflag:s0], s1  }
0x3d: {  	s1 =	ssub.s32 @!p0 $0x0, s1;
	[sflag:s0] =	ssyncset.done @!p0 $0x0  }
0x3e: {  	[sflag:s0] =	ssyncadd.s32 @!p0 s1  }
0x3f: {  	[bflag:$0x3] =	sbarrier.arrive $0xFFFF  }
0x40: {  	_ =	shalt  }

// kernel: kernel.7.cloned.1.call-start
scs
__scs_entry_jumppad:
0x0: {  	(pc) =	sbr.rel $0x88, $3  }
0x1: {  	(tag) =	ssettag $0x0;
	lr =	simm.s32 $0x1  }
0x2: {  	[smem:$0x3F9B] =	sst lr;
	_ =	strace $0xD0000000  }
0x3: {  	_ = 	snop  }
0x4: {  	_ = 	snop  }
0x5: {  	_ = 	snop  }
0x6: {  	_ = 	snop  }
0x7: {  	_ = 	snop  }
__scs_overlays_trampoline_lowered:
0x8: {  	[smem:$0x3FAA] =	sst s0  }
0x9: {  	[smem:$0x3FAB] =	sst s1  }
0xa: {  	[smem:$0x3FAC] =	sst s2  }
0xb: {  	[smem:$0x3FAD] =	sst s3  }
0xc: {  	[smem:$0x3FAE] =	sst s4  }
0xd: {  	[smem:$0x3FAF] =	sst s5  }
0xe: {  	[smem:$0x3FB0] =	sst s6  }
0xf: {  	[smem:$0x3FB1] =	sst s7  }
0x10: {  	[smem:$0x3FB2] =	sst s8  }
0x11: {  	[smem:$0x3FB3] =	sst s9;
	s0 =	simm.s32 @!p0 $0x0  }
0x12: {  	s1 =	sld [smem:$0x3F99];
	s0 =	simm.s32 @p0 $0x1  }
0x13: {  	[smem:$0x3FB4] =	sst s0;
	s0 =	simm.s32 @!p1 $0x0  }
0x14: {  	s2 =	sld [smem:$0x3F98];
	s0 =	simm.s32 @p1 $0x1  }
0x15: {  	[smem:$0x3FB5] =	sst s0;
	s0 =	simm.s32 @!p2 $0x0  }
0x16: {  	s3 =	sld [smem:$0x3FDB];
	s0 =	simm.s32 @p2 $0x1  }
0x17: {  	s4 =	simm.s32 $0x1BF5;
	[smem:$0x3FB7] =	sst s0  }
0x18: {  	s0 =	sld [smem:$0x3F9A];
	_ =	swait.ge [sflag:s4], $0x0  }
0x19: {  	s7 =	sld [smem:$0x3F9B]  }
0x1a: {  	s8 =	sadd.s32 $0xFFFFE003, lr  }
0x1b: {  	s9 =	sadd.s32 $0xFFFFFEF7, lr;
	s5 =	simm.s32 $0xFFFFFFFF;
	p2 =	slt.u32 s8, $0xFFFFF086  }
0x1c: {  	p1 =	slt.u32 s9, $0xF7A;
	s5 =	simm.s32 @!p2 $0x0  }
0x1d: {  	s5 =	simm.s32 @p1 $0x1;
	p0 =	seq.s32 s7, s2  }
0x1e: {  	s7 =	smul.u32 @!p0 $0xF7A, s2;
	p2 =	seq.s32 @!p0 s5, $0x0  }
0x1f: {  	s9 =	smul.u32 $0xF7A, s1;
	s8 =	simm.s32 @!p0 $0x1BF5;
	p2 =	por !p2, p0  }
0x20: {  	[sflag:s8] =	ssyncset.s32 @!p0 $0xFFFFF086;
	s6 =	sadd.s32 @!p0 s3, s7;
	s7 =	simm.s32 @!p0 $0x108  }
0x21: {  	s3 =	sadd.s32 s3, s9;
	s6 =	sadd.s32 @!p0 $0x88, s6;
	s7 =	simm.s32 @p2 $0x1082  }
0x22: {  	[simem:s7], [sflag:s8] =	dma.local @!p0 [hbm:s6], $0xF7A  }
0x23: {  	s9 =	sor.u32 $0xD0000000, s2;
	s6 =	simm.s32 $0x108;
	_ =	swait.ge @!p0 [sflag:s8], $0x0  }
0x24: {  	s3 =	sadd.s32 $0x88, s3;
	s6 =	simm.s32 @!p1 $0x1082;
	[sflag:s4] =	ssyncset.s32 $0xFFFFF086  }
0x25: {  	[simem:s6], [sflag:s4] =	dma.local [hbm:s3], $0xF7A  }
0x26: {  	[smem:$0x3F9B] =	sst s1;
	(tag) =	ssettag s2;
	_ =	strace s9  }
0x27: {  	s1 =	sld [smem:$0x3FAB]  }
0x28: {  	s2 =	sld [smem:$0x3FAC]  }
0x29: {  	s4 =	sld [smem:$0x3FAE]  }
0x2a: {  	p0 =	seq.s32 s5, $0x0;
	s5 =	sld [smem:$0x3FAF]  }
0x2b: {  	s6 =	sld [smem:$0x3FB0]  }
0x2c: {  	s7 =	sld [smem:$0x3FB1]  }
0x2d: {  	s3 =	simm.s32 $0x108;
	s8 =	sld [smem:$0x3FB2]  }
0x2e: {  	s3 =	simm.s32 @!p0 $0x1082;
	s9 =	sld [smem:$0x3FB3]  }
0x2f: {  	lr =	sadd.s32 s0, s3;
	s0 =	sld [smem:$0x3FAA]  }
0x30: {  	s3 =	sld [smem:$0x3FAD]  }
0x31: {  	[smem:$0x3FB6] =	sst s10  }
0x32: {  	s10 =	sld [smem:$0x3FB4];
	_ =	sdelay $0x3  }
0x33: {  	p0 =	seq.s32 s10, $0x1;
	s10 =	sld [smem:$0x3FB6];
	_ =	sdelay $0x3  }
0x34: {  	[smem:$0x3FB6] =	sst s10  }
0x35: {  	s10 =	sld [smem:$0x3FB5];
	_ =	sdelay $0x3  }
0x36: {  	p1 =	seq.s32 s10, $0x1;
	s10 =	sld [smem:$0x3FB6];
	_ =	sdelay $0x3  }
0x37: {  	[smem:$0x3FB6] =	sst s10  }
0x38: {  	s10 =	sld [smem:$0x3FB7]  }
0x39: {  	_ = 	snop;
	(pc) =	sbr.ind lr, $3  }
0x3a: {  	_ = 	snop  }
0x3b: {  	_ = 	snop  }
0x3c: {  	p2 =	seq.s32 s10, $0x1;
	s10 =	sld [smem:$0x3FB6]  }
0x3d: {  	_ =	shalt  }
0x3e: {  	_ =	shalt  }
0x3f: {  	_ =	shalt  }
0x40: {  	_ =	shalt  }
0x41: {  	_ =	shalt  }
0x42: {  	_ =	shalt  }
0x43: {  	_ =	shalt  }
0x44: {  	_ =	shalt  }
0x45: {  	_ =	shalt  }
0x46: {  	_ =	shalt  }
0x47: {  	_ =	shalt  }
0x48: {  	_ =	shalt  }
0x49: {  	_ =	shalt  }
0x4a: {  	_ =	shalt  }
0x4b: {  	_ =	shalt  }
0x4c: {  	_ =	shalt  }
0x4d: {  	_ =	shalt  }
0x4e: {  	_ =	shalt  }
0x4f: {  	_ =	shalt  }
0x50: {  	_ =	shalt  }
0x51: {  	_ =	shalt  }
0x52: {  	_ =	shalt  }
0x53: {  	_ =	shalt  }
0x54: {  	_ =	shalt  }
0x55: {  	_ =	shalt  }
0x56: {  	_ =	shalt  }
0x57: {  	_ =	shalt  }
0x58: {  	_ =	shalt  }
0x59: {  	_ =	shalt  }
0x5a: {  	_ =	shalt  }
0x5b: {  	_ =	shalt  }
0x5c: {  	_ =	shalt  }
0x5d: {  	_ =	shalt  }
0x5e: {  	_ =	shalt  }
0x5f: {  	_ =	shalt  }
0x60: {  	_ =	shalt  }
0x61: {  	_ =	shalt  }
0x62: {  	_ =	shalt  }
0x63: {  	_ =	shalt  }
0x64: {  	_ =	shalt  }
0x65: {  	_ =	shalt  }
0x66: {  	_ =	shalt  }
0x67: {  	_ =	shalt  }
0x68: {  	_ =	shalt  }
0x69: {  	_ =	shalt  }
0x6a: {  	_ =	shalt  }
0x6b: {  	_ =	shalt  }
0x6c: {  	_ =	shalt  }
0x6d: {  	_ =	shalt  }
0x6e: {  	_ =	shalt  }
0x6f: {  	_ =	shalt  }
0x70: {  	_ =	shalt  }
0x71: {  	_ =	shalt  }
0x72: {  	_ =	shalt  }
0x73: {  	_ =	shalt  }
0x74: {  	_ =	shalt  }
0x75: {  	_ =	shalt  }
0x76: {  	_ =	shalt  }
0x77: {  	_ =	shalt  }
0x78: {  	_ =	shalt  }
0x79: {  	_ =	shalt  }
0x7a: {  	_ =	shalt  }
0x7b: {  	_ =	shalt  }
0x7c: {  	_ =	shalt  }
0x7d: {  	_ =	shalt  }
0x7e: {  	_ =	shalt  }
0x7f: {  	_ =	shalt  }
0x80: {  	_ =	shalt  }
0x81: {  	_ =	shalt  }
0x82: {  	_ =	shalt  }
0x83: {  	_ =	shalt  }
0x84: {  	_ =	shalt  }
0x85: {  	_ =	shalt  }
0x86: {  	_ =	shalt  }
0x87: {  	_ =	shalt  }
.Lfunc_end0:
.L_simem_size_0:
called_computation.1_lowered:
.L_overlay_start_0:
0x88: {  	s2 =	sld [smem:$0x3FD9]  }
0x89: {  	s3 =	sld [smem:$0x3FFE];
	_ =	sdelay $0x1  }
0x8a: {  	s1 =	srdreg.scid  }
0x8b: {  	s0 =	sand.u32 $0x1, s1  }
0x8c: {  	s17 =	sshll.u32 s0, $0xA;
	s2 =	sadd.s32 s3, s2  }
0x8d: {  	s2 =	sadd.s32 s2, s17  }
0x8e: {  	[smem:$0x3FC2] =	sst s2  }
0x8f: {  	_ = 	snop  }
0x90: {  	s2 =	sld [smem:$0x3FC9]  }
0x91: {  	s18 =	sld [smem:$0x3FC8]  }
0x92: {  	s4 =	sld [smem:$0x3FC7];
	(tm) =	ssettm $0x1  }
0x93: {  	s5 =	sld [smem:$0x3FFB];
	_ =	sdelay $0x3  }
0x94: {  	_ =	strace s5  }
0x95: {  	s5 =	sld [smem:$0x3FFC];
	_ =	sdelay $0x3  }
0x96: {  	_ =	strace s5  }
0x97: {  	s5 =	sld [smem:$0x3FFD];
	_ =	sdelay $0x3  }
0x98: {  	_ =	strace s5  }
0x99: {  	_ =	strace $0x8FFFFFFF  }
0x9a: {  	s19 =	sld [smem:$0x3FDB];
	_ =	sdelay $0x1  }
0x9b: {  	s6 =	simm.s32 $_scs_section_size  }
0x9c: {  	s7 =	simm.s32 $_size__tile_overlayer_lowered;
	s8 =	simm.s32 $_tile_overlayer_lowered  }
0x9d: {  	s22 =	simm.s32 $0x1BFF;
	s21 =	sshll.u32 s8, $0x1;
	s5 =	sadd.s32 s6, s19  }
0x9e: {  	s9 =	simm.s32 $0x0;
	s20 =	sshll.u32 s7, $0x1;
	s7 =	sadd.s32 s21, s5  }
0x9f: {  	[timem:s9], [sflag:s22] =	dma.local [hbm:s7], s20  }
0xa0: {  	_ =	swait.ge [sflag:s22], s20  }
0xa1: {  	s6 =	ssub.s32 $0x0, s20;
	[sflag:s22] =	ssyncset.done $0x0  }
0xa2: {  	[sflag:s22] =	ssyncadd.s32 s6;
	_ =	sdelay $0x1  }
0xa3: {  	s23 =	simm.s32 $0x1B8B  }
0xa4: {  	_ =	swait.ge [sflag:s23], $0x1  }
0xa5: {  	[sflag:s23] =	ssyncset.done $0x0  }
0xa6: {  	s25 =	simm.s32 $0x1B8E;
	s24 =	sld [smem:$0x3FFE];
	[sflag:s23] =	ssyncadd.s32 $0xFFFFFFFF  }
0xa7: {  	s26 =	simm.s32 $execute0_lowered;
	[smem:$0x3FD2] =	sst s25  }
0xa8: {  	s7 =	sshll.u32 s26, $0x1;
	_ =	strace $0x80000046;
	[dreg:$0x1] =	wrdreg $0xFFFFFFFF  }
0xa9: {  	s28 =	simm.s32 $_size_execute0_lowered;
	s5 =	sadd.s32 s5, s7;
	[dreg:$0x0] =	wrdreg $0x0  }
0xaa: {  	s7 =	sshll.u32 s28, $0x1;
	[dreg:$0x2] =	wrdreg s5  }
0xab: {  	[dreg:$0x3] =	wrdreg s7  }
0xac: {  	[dreg:$0x4] =	wrdreg $0xC0  }
0xad: {  	_ =	task [dreg:s9], $0x5FFFF  }
0xae: {  	[dreg:$0x1] =	wrdreg $0xFFFFFFFF  }
0xaf: {  	[dreg:$0x0] =	wrdreg $0x60  }
0xb0: {  	[dreg:$0x2] =	wrdreg s2  }
0xb1: {  	[dreg:$0x3] =	wrdreg s18  }
0xb2: {  	[dreg:$0x4] =	wrdreg s4  }
0xb3: {  	[dreg:$0x5] =	wrdreg s24  }
0xb4: {  	[dreg:$0x6] =	wrdreg $0x9  }
0xb5: {  	_ =	task.clear_ibuf [dreg:s9], $0x7FFFF;
	_ =	strace $0x90000046  }
0xb6: {  	s29 =	simm.s32 $0x9;
	_ =	strace $0x80000048  }
0xb7: {  	_ =	swait.ge [sflag:s29], $0x1  }
0xb8: {  	[sflag:s29] =	ssyncadd.s32 $0xFFFFFFFF  }
0xb9: {  	_ =	strace $0x90000048  }
0xba: {  	_ =	sfence  }
0xbb: {  	s30 =	sld [smem:$0x0];
	_ =	sdelay $0x2  }
0xbc: {  	s31 =	sshll.u32 s1, $0xD;
	s1 =	sshrl.u32 s1, $0x2  }
0xbd: {  	s3 =	sand.u32 $0x4000, s31;
	s1 =	sadd.s32 s1, s30  }
0xbe: {  	s0 =	sor.u32 s3, s0;
	s1 =	sshll.u32 s1, $0x11  }
0xbf: {  	s0 =	sor.u32 s1, s0  }
0xc0: {  	s0 =	sadd.s32 $0x8F2B, s0  }
0xc1: {  	[sflag:s0] =	ssyncadd.remote.s32 $0x1  }
0xc2: {  	_ =	sfence.sel $0xFFFF  }
0xc3: {  	[dreg:$0x0] =	wrdreg $0xFFFFFFFF;
	(pc) =	sbr.abs _section_cstart, $3  }
0xc4: {  	[dreg:$0x1] =	wrdreg $0xFFFFFFFF  }
0xc5: {  	_ =	task.clear_ibuf [dreg:s9], $0x2FFFF;
	_ =	strace $0x9FFFFFFF  }
0xc6: {  	(tm) =	ssettm $0x7FFFFFFF  }
0xc7: {  	_ =	shalt  }
tec
execute0_lowered:
.L_overlay_start_1:
0x0: {  	(tag) =	ssettag $0x1  }
0x1: {  	s1 =	rddreg [dreg:$0x0]  }
0x2: {  	s2 =	rddreg [dreg:$0x1]  }
0x3: {  	s3 =	rddreg [dreg:$0x2]  }
0x4: {  	s8 =	rddreg [dreg:$0x3]  }
0x5: {  	s0 =	rddreg [dreg:$0x4];
	s5 =	simm.s32 $0x0  }
0x6: {  	s4 =	stileid.u32;
	s6 =	srdreg.scid;
	s16 =	simm.s32 $0x8100  }
0x7: {  	s17 =	simm.s32 $0x4;
	s18 =	simm.s32 $0x1;
	s19 =	simm.s32 $0x2  }
0x8: {  	s20 =	simm.s32 $0x3;
	s21 =	simm.s32 $0x0;
	[smem:$0x7FF] =	sst s5  }
0x9: {  	s7 =	sshll.u32 s4, $0xC;
	s9 =	sand.u32 $0x1, s6;
	s6 =	sadd.s32 $0x32000, s8  }
0xa: {  	s13 =	sshll.u32 s4, $0x11;
	_ =	strace $0x80000047;
	s10 =	sadd.s32 s7, s8  }
0xb: {  	s11 =	ssub.s32 $0x2, s9;
	s7 =	sadd.s32 $0x832000, s8;
	s8 =	sadd.s32 $0x1032000, s8  }
0xc: {  	s14 =	sshll.u32 s9, $0x10;
	s15 =	sshll.u32 s9, $0xB;
	s12 =	sshrl.u32 s11, $0x1  }
0xd: {  	s9 =	sor.u32 s14, s13;
	s31 =	sadd.s32 s15, s10;
	s13 =	simm.s32 $0x80  }
0xe: {  	s14 =	simm.s32 $0x100;
	s15 =	simm.s32 $0x4100;
	s11 =	ssub.s32 s11, s12  }
0xf: {  	s12 =	sadd.s32 $0x12000, s31;
	s10 =	smax.u32 s11, $0x1;
	s11 =	sadd.s32 $0x22000, s31  }
.LBB2_1:
0x10: {  	s22 =	sand.u32 $0x8000, s5  }
0x11: {  	[tilespmem:s5], [sflag:$0x4] =	stream.linear.gather [hbm4b:s12+s5], $0x80, $0x38;
	[tilespmem:$0xC100] =	vst v63  }
0x12: {  	s23 =	sand.u32 $0x7800, s5;
	s22 =	sor.u32 s9, s22  }
0x13: {  	s22 =	sor.u32 s23, s22  }
0x14: {  	[tilespmem:s13], [sflag:$0x4] =	stream.linear.gather [hbm4b:s11+s5], $0x80, $0x38;
	[tilespmem:$0xC100] =	vst v63  }
0x15: {  	s23 =	sadd.s32 s1, s22  }
0x16: {  	[tilespmem:s14], [sflag:$0x4] =	stream.linear.gather [hbm4b:s23+s5], $0x4000, $0x38;
	[tilespmem:$0xC100] =	vst v63  }
0x17: {  	s31 =	sadd.s32 s2, s22  }
0x18: {  	[tilespmem:s15], [sflag:$0x4] =	stream.linear.gather [hbm4b:s31+s5], $0x4000, $0x38;
	[tilespmem:$0xC100] =	vst v63  }
0x19: {  	s22 =	sadd.s32 s3, s22  }
0x1a: {  	[tilespmem:s16], [sflag:$0x4] =	stream.linear.gather [hbm4b:s22+s5], $0x4000, $0x38;
	[tilespmem:$0xC100] =	vst v63  }
0x1b: {  	_ =	swait.ge [sflag:s17], $0x80  }
0x1c: {  	[sflag:s17] =	ssyncset.done $0x0  }
0x1d: {  	[sflag:s17] =	ssyncadd.s32 $0xFFFFFF80  }
0x1e: {  	_ =	swait.ge [sflag:s17], $0x80  }
0x1f: {  	[sflag:s17] =	ssyncset.done $0x0  }
0x20: {  	[sflag:s17] =	ssyncadd.s32 $0xFFFFFF80  }
0x21: {  	_ =	swait.ge [sflag:s17], $0x4000  }
0x22: {  	[sflag:s17] =	ssyncset.done $0x0  }
0x23: {  	[sflag:s17] =	ssyncadd.s32 $0xFFFFC000  }
0x24: {  	_ =	swait.ge [sflag:s17], $0x4000  }
0x25: {  	[sflag:s17] =	ssyncset.done $0x0  }
0x26: {  	[sflag:s17] =	ssyncadd.s32 $0xFFFFC000  }
0x27: {  	_ =	swait.ge [sflag:s17], $0x4000  }
0x28: {  	[sflag:s17] =	ssyncset.done $0x0  }
0x29: {  	[sflag:s17] =	ssyncadd.s32 $0xFFFFC000  }
0x2a: {  	[hbm4b:s6+s13] =	stream.indirect.scatter [tilespmem:s14], [sflag:$0x1], $0x80, s5, s13, $0xb8;
	[tilespmem:$0xC100] =	vst v63  }
0x2b: {  	_ = 	snop  }
0x2c: {  	[hbm4b:s7+s13] =	stream.indirect.scatter [tilespmem:s15], [sflag:$0x2], $0x80, s13, s13, $0xb8;
	[tilespmem:$0xC100] =	vst v63  }
0x2d: {  	_ = 	snop  }
0x2e: {  	[hbm4b:s8+s13] =	stream.indirect.scatter [tilespmem:s16], [sflag:$0x3], $0x80, s13, s13, $0xb8;
	[tilespmem:$0xC100] =	vst v63  }
0x2f: {  	_ =	swait.ge [sflag:s18], $0x4000  }
0x30: {  	[sflag:s18] =	ssyncset.done $0x0  }
0x31: {  	[sflag:s18] =	ssyncadd.s32 $0xFFFFC000  }
0x32: {  	_ =	swait.ge [sflag:s19], $0x4000  }
0x33: {  	[sflag:s19] =	ssyncset.done $0x0  }
0x34: {  	s26 =	simm.s32 $0x200;
	s24 =	sadd.s32 $0x10, s12;
	[sflag:s19] =	ssyncadd.s32 $0xFFFFC000  }
0x35: {  	s23 =	sadd.s32 $0x10, s11;
	s22 =	simm.s32 $0x800;
	_ =	swait.ge [sflag:s20], $0x4000  }
.LBB2_2:
0x36: {  	s25 =	smov.u32 s26  }
0x37: {  	s28 =	sand.u32 $0x8000, s26;
	[sflag:s20] =	ssyncset.done $0x0;
	s25 =	sadd.s32 $0x200, s26  }
0x38: {  	s29 =	sand.u32 $0x7800, s22;
	s28 =	sor.u32 s9, s28;
	[sflag:s20] =	ssyncadd.s32 $0xFFFFC000  }
0x39: {  	[tilespmem:s5], [sflag:$0x4] =	stream.linear.gather [hbm4b:s24+s5], $0x80, $0x38;
	[tilespmem:$0xC100] =	vst v63  }
0x3a: {  	p0 =	sne.s32 s26, $0xFE00;
	s28 =	sor.u32 s29, s28  }
0x3b: {  	[tilespmem:s13], [sflag:$0x4] =	stream.linear.gather [hbm4b:s23+s5], $0x80, $0x38;
	[tilespmem:$0xC100] =	vst v63  }
0x3c: {  	s26 =	sadd.s32 s1, s28;
	s29 =	sadd.s32 s2, s28  }
0x3d: {  	[tilespmem:s14], [sflag:$0x4] =	stream.linear.gather [hbm4b:s26+s5], $0x4000, $0x38;
	[tilespmem:$0xC100] =	vst v63  }
0x3e: {  	s26 =	sadd.s32 s3, s28  }
0x3f: {  	[tilespmem:s15], [sflag:$0x4] =	stream.linear.gather [hbm4b:s29+s5], $0x4000, $0x38;
	[tilespmem:$0xC100] =	vst v63  }
0x40: {  	_ = 	snop  }
0x41: {  	[tilespmem:s16], [sflag:$0x4] =	stream.linear.gather [hbm4b:s26+s5], $0x4000, $0x38;
	[tilespmem:$0xC100] =	vst v63  }
0x42: {  	_ =	swait.ge [sflag:s17], $0x80  }
0x43: {  	[sflag:s17] =	ssyncset.done $0x0  }
0x44: {  	[sflag:s17] =	ssyncadd.s32 $0xFFFFFF80  }
0x45: {  	_ =	swait.ge [sflag:s17], $0x80  }
0x46: {  	[sflag:s17] =	ssyncset.done $0x0  }
0x47: {  	[sflag:s17] =	ssyncadd.s32 $0xFFFFFF80  }
0x48: {  	_ =	swait.ge [sflag:s17], $0x4000  }
0x49: {  	[sflag:s17] =	ssyncset.done $0x0  }
0x4a: {  	[sflag:s17] =	ssyncadd.s32 $0xFFFFC000  }
0x4b: {  	_ =	swait.ge [sflag:s17], $0x4000  }
0x4c: {  	[sflag:s17] =	ssyncset.done $0x0  }
0x4d: {  	[sflag:s17] =	ssyncadd.s32 $0xFFFFC000  }
0x4e: {  	_ =	swait.ge [sflag:s17], $0x4000  }
0x4f: {  	[sflag:s17] =	ssyncset.done $0x0  }
0x50: {  	[sflag:s17] =	ssyncadd.s32 $0xFFFFC000  }
0x51: {  	[hbm4b:s6+s13] =	stream.indirect.scatter [tilespmem:s14], [sflag:$0x1], $0x80, s5, s13, $0xb8;
	[tilespmem:$0xC100] =	vst v63  }
0x52: {  	_ = 	snop  }
0x53: {  	[hbm4b:s7+s13] =	stream.indirect.scatter [tilespmem:s15], [sflag:$0x2], $0x80, s13, s13, $0xb8;
	[tilespmem:$0xC100] =	vst v63  }
0x54: {  	_ = 	snop  }
0x55: {  	[hbm4b:s8+s13] =	stream.indirect.scatter [tilespmem:s16], [sflag:$0x3], $0x80, s13, s13, $0xb8;
	[tilespmem:$0xC100] =	vst v63  }
0x56: {  	_ =	swait.ge [sflag:s18], $0x4000  }
0x57: {  	[sflag:s18] =	ssyncset.done $0x0  }
.Ltmp0:
0x58: {  	[sflag:s18] =	ssyncadd.s32 $0xFFFFC000;
	(pc) =	sbr.rel @p0 .LBB2_2-.Ltmp0, $4  }
0x59: {  	_ =	swait.ge [sflag:s19], $0x4000  }
0x5a: {  	[sflag:s19] =	ssyncset.done $0x0  }
0x5b: {  	s22 =	sadd.s32 $0x800, s22;
	s24 =	sadd.s32 $0x10, s24;
	[sflag:s19] =	ssyncadd.s32 $0xFFFFC000  }
0x5c: {  	s23 =	sadd.s32 $0x10, s23;
	s26 =	smov.u32 s25;
	_ =	swait.ge [sflag:s20], $0x4000  }
0x5d: {  	s21 =	sadd.s32 $0x1, s21  }
0x5e: {  	p0 =	sne.s32 s21, s10  }
.Ltmp1:
0x5f: {  	_ = 	snop;
	(pc) =	sbr.rel @p0 .LBB2_1-.Ltmp1, $3  }
0x60: {  	_ =	sdelay $0x1  }
0x61: {  	[sflag:s20] =	ssyncset.done $0x0  }
0x62: {  	[sflag:s20] =	ssyncadd.s32 $0xFFFFC000  }
0x63: {  	_ =	sfence.sel $0x180000  }
0x64: {  	[bflag:$0x0] =	sbarrier.arrive $0xFFFF  }
0x65: {  	p0 =	sne.s32 s4, $0x0;
	_ =	strace $0x90000047  }
0x66: {  	s0 =	sadd.s32 @!p0 $0x100000, s0;
	[bflag:$0x2] =	sbarrier.arrive $0xFFFF  }
0x67: {  	[sflag:s0] =	ssyncadd.tile.s32 @!p0 $0x1;
	_ =	shalt  }
.Lfunc_end2:
_tile_overlayer_lowered:
.L_overlay_start_2:
0x68: {  	(tag) =	ssettag $0x2  }
0x69: {  	s0 =	rddreg [dreg:$0x0];
	s2 =	stileid.u32  }
0x6a: {  	s1 =	rddreg [dreg:$0x1];
	p0 =	sne.s32 s2, $0x0  }
0x6b: {  	s3 =	rddreg [dreg:$0x2];
	[bflag:$0x3] =	sbarrier.arrive $0xFFFF;
	s2 =	simm.s32 @!p0 $0x1C05  }
0x6c: {  	[timem:s3], [sflag:s2] =	dma.local @!p0 [hbm:s0], s1  }
0x6d: {  	s0 =	simm.s32 @!p0 $0x5  }
0x6e: {  	_ =	swait.ge @!p0 [sflag:s0], s1  }
0x6f: {  	s1 =	ssub.s32 @!p0 $0x0, s1;
	[sflag:s0] =	ssyncset.done @!p0 $0x0  }
0x70: {  	[sflag:s0] =	ssyncadd.s32 @!p0 s1  }
0x71: {  	[bflag:$0x3] =	sbarrier.arrive $0xFFFF  }
0x72: {  	_ =	shalt  }

</sc_bundles>
